<compile_context>
chip_gen: v7x
topology: tpu7x:2x2x1
jax: 0.10.2.dev20260603
libtpu: 0.0.44.dev20260713+nightly
codegen_flags: <defaults>
</compile_context>

<pallas_src>
import functools

import jax
import jax.numpy as jnp
from jax import lax
from jax.experimental import pallas as pl
from jax.experimental.pallas import tpu as pltpu
from jax.experimental.pallas import tpu_sc as plsc

NP = 8
NPTS = 500
C = 64
N2 = 2048

L = 16
NCHUNK = C // L
PTS_W = 32
ROWS_W = PTS_W * NP
HALF = ROWS_W // 2


def _make_sc_kernel():
    mesh = plsc.VectorSubcoreMesh(core_axis_name="c", subcore_axis_name="s",
                                  num_cores=1)

    @functools.partial(
        pl.kernel,
        mesh=mesh,
        out_type=jax.ShapeDtypeStruct((NPTS, C), jnp.float32),
        scratch_types=[
            pltpu.VMEM((2, HALF), jnp.int32),
            pltpu.VMEM((ROWS_W,), jnp.float32),
            pltpu.VMEM((ROWS_W, C), jnp.float32),
            pltpu.VMEM((PTS_W, C), jnp.float32),
            pltpu.SemaphoreType.DMA,
            pltpu.SemaphoreType.DMA,
        ],
        compiler_params=pltpu.CompilerParams(use_tc_tiling_on_sc=False),
    )
    def sc_kernel(table_hbm, idx_hbm, w_hbm, g_hbm,
                  idx_v, w_v, rows_v, g_v, sem0, sem1):
        wid = lax.axis_index("s")
        row_base = jnp.minimum(wid * ROWS_W, NPTS * NP - ROWS_W)

        pltpu.sync_copy(idx_hbm.at[pl.ds(row_base, HALF)], idx_v.at[0])
        cp0 = pltpu.async_copy(
            table_hbm.at[idx_v.at[0]],
            rows_v.at[pl.ds(0, HALF)], sem0)
        pltpu.sync_copy(idx_hbm.at[pl.ds(row_base + HALF, HALF)], idx_v.at[1])
        cp1 = pltpu.async_copy(
            table_hbm.at[idx_v.at[1]],
            rows_v.at[pl.ds(HALF, HALF)], sem1)
        pltpu.sync_copy(w_hbm.at[pl.ds(row_base, ROWS_W)], w_v)

        def pair_body(q):
            wv = w_v[pl.ds(q * 2 * NP, L)]
            for half in range(2):
                p = q * 2 + half
                acc = [jnp.zeros((L,), jnp.float32) for _ in range(NCHUNK)]
                for j in range(NP):
                    k = p * NP + j
                    ws = _lane_splat(wv, half * NP + j)
                    for ch in range(NCHUNK):
                        acc[ch] = acc[ch] + ws * rows_v[k, pl.ds(ch * L, L)]
                for ch in range(NCHUNK):
                    g_v[p, pl.ds(ch * L, L)] = acc[ch]

        cp0.wait()
        plsc.parallel_loop(0, PTS_W // 4, 1, unroll=2)(pair_body)
        cp1.wait()
        plsc.parallel_loop(PTS_W // 4, PTS_W // 2, 1, unroll=2)(pair_body)

        pltpu.sync_copy(g_v, g_hbm.at[pl.ds(row_base // NP, PTS_W)])

    return sc_kernel


_SPLAT_DNUMS = lax.GatherDimensionNumbers(
    offset_dims=(), collapsed_slice_dims=(0,), start_index_map=(0,))


def _lane_splat(vec, lane):
    idx = jnp.full((L, 1), lane, jnp.int32)
    return lax.gather(vec, idx, _SPLAT_DNUMS, slice_sizes=(1,),
                      mode=lax.GatherScatterMode.PROMISE_IN_BOUNDS)


_sc_kernel = _make_sc_kernel()


@jax.jit
def kernel(feat1, feat2, inds, weight):
    table = feat2[0].T
    idx = inds.reshape(-1).astype(jnp.int32)
    w = weight.reshape(-1)

    g = _sc_kernel(table, idx, w)

    wsum = jnp.sum(weight.reshape(NPTS, NP), axis=1)
    return (feat1 * wsum[None, None, :] - g.T[None]) * (1.0 / NP)

# --- scband reference (transcript-rebuilt; emitter-appended) ---
"""Pipeline reference for scband-points-diff-25383256719965 (READ-ONLY COPY).

The authoritative reference and input builder live on the scoring server;
editing this copy changes nothing except your own understanding.
"""

import jax, jax.numpy as jnp
import numpy as np

NP = 8
NPTS = 500
C = 64
N2 = 2048

def setup_inputs(seed: int = 0) -> dict:
    key = jax.random.key(seed)
    k1, k2, k3, k4 = jax.random.split(key, 4)
    feat1 = jax.random.normal(k1, (1, C, NPTS), dtype=jnp.float32)
    feat2 = jax.random.normal(k2, (1, C, N2), dtype=jnp.float32)
    inds = jax.random.randint(k3, (1, NPTS, NP), 0, N2, dtype=jnp.int64)
    weight = jax.random.uniform(k4, (1, NPTS * NP), dtype=jnp.float32)
    return {"feat1": feat1, "feat2": feat2, "inds": inds, "weight": weight}

def reference(feat1, feat2, inds, weight):
    # selected_feat = torch.gather(feat2, 2, inds.view(1,1,-1).repeat(1,64,1))
    idx = jnp.broadcast_to(inds.reshape(1, 1, -1), (1, C, NPTS * NP))
    selected_feat = jnp.take_along_axis(feat2, idx, axis=2)
    # current_feat = feat1.view(1,64,500,1).repeat(1,1,1,np).view(1,64,-1)
    current_feat = jnp.broadcast_to(feat1[:, :, :, None], (1, C, NPTS, NP)).reshape(1, C, -1)
    diff = current_feat - selected_feat
    w = jnp.broadcast_to(weight[:, None, :], (1, C, NPTS * NP))
    diff = diff * w
    diff = diff.reshape(1, C, NPTS, NP)
    diff = jnp.sum(diff, axis=3) / NP
    return diff

if __name__ == "__main__":
    import jax
    _d = setup_inputs()
    print(jax.jit(kernel)(*tuple(_d.values())))

</pallas_src>

<mosaic_0001>
#map = affine_map<(d0, d1) -> (0, 0)>
#map1 = affine_map<(d0, d1) -> (0)>
module attributes {stable_mosaic.version = 14 : i64} {
  func.func @sc_kernel(%arg0: i32, %arg1: i32, %arg2: memref<2048x64xf32, #tpu.memory_space<hbm>>, %arg3: memref<4000xi32, #tpu.memory_space<hbm>>, %arg4: memref<4000xf32, #tpu.memory_space<hbm>>, %arg5: memref<500x64xf32, #tpu.memory_space<hbm>>, %arg6: memref<2x128xi32, #tpu.memory_space<vmem>>, %arg7: memref<256xf32, #tpu.memory_space<vmem>>, %arg8: memref<256x64xf32, #tpu.memory_space<vmem>>, %arg9: memref<32x64xf32, #tpu.memory_space<vmem>>, %arg10: memref<!tpu.dma_semaphore, #tpu.memory_space<semaphore_mem>>, %arg11: memref<!tpu.dma_semaphore, #tpu.memory_space<semaphore_mem>>) attributes {dimension_semantics = [#tpu.dimension_semantics<core_parallel>, #tpu.dimension_semantics<subcore_parallel>], iteration_bounds = array<i64: 1, 16>, scalar_prefetch = 0 : i64, scratch_operands = 6 : i64, tpu.core_type = #tpu.core_type<sc_vector_subcore>, window_params = [{transform_indices = #map}, {transform_indices = #map1}, {transform_indices = #map1}, {transform_indices = #map}]} {
    %mul3A = arith.constant 256 : i32
    %mul3A_0 = arith.muli %arg1, %mul3A : i32
    %min3A = arith.constant 3744 : i32
    %min3A_1 = arith.minsi %mul3A_0, %min3A : i32
    %run_scoped3A = arith.constant 0 : i32
    "tpu.region"() ({
      %run_scoped3A_63 = tpu.sem_alloc : memref<!tpu.dma_semaphore, #tpu.memory_space<semaphore_mem>>
      %dma_start3A_64 = arith.constant 0 : i32
      %dma_start3A_65 = tpu.memref_slice %arg6[%run_scoped3A, %dma_start3A_64] : memref<2x128xi32, #tpu.memory_space<vmem>> -> memref<1x128xi32, #tpu.memory_space<vmem>>
      %dma_start3A_66 = tpu.memref_squeeze %dma_start3A_65 : memref<1x128xi32, #tpu.memory_space<vmem>> -> memref<128xi32, #tpu.memory_space<vmem>>
      %dma_start3A_67 = tpu.memref_slice %arg3[%min3A_1] : memref<4000xi32, #tpu.memory_space<hbm>> -> memref<128xi32, #tpu.memory_space<hbm>>
      %dma_start3A_68 = arith.constant 0 : i32
      %dma_start3A_69 = tpu.memref_slice %arg6[%run_scoped3A, %dma_start3A_68] : memref<2x128xi32, #tpu.memory_space<vmem>> -> memref<1x128xi32, #tpu.memory_space<vmem>>
      %dma_start3A_70 = tpu.memref_squeeze %dma_start3A_69 : memref<1x128xi32, #tpu.memory_space<vmem>> -> memref<128xi32, #tpu.memory_space<vmem>>
      %dma_start3A_71 = tpu.memref_slice %arg3[%min3A_1] : memref<4000xi32, #tpu.memory_space<hbm>> -> memref<128xi32, #tpu.memory_space<hbm>>
      tpu.enqueue_dma source(%dma_start3A_71 : memref<128xi32, #tpu.memory_space<hbm>>) target(%dma_start3A_70 : memref<128xi32, #tpu.memory_space<vmem>>) target_semaphore(%run_scoped3A_63 : memref<!tpu.dma_semaphore, #tpu.memory_space<semaphore_mem>>)
      %dma_wait3A_72 = arith.constant 0 : i32
      %dma_wait3A_73 = tpu.memref_slice %arg6[%run_scoped3A, %dma_wait3A_72] : memref<2x128xi32, #tpu.memory_space<vmem>> -> memref<1x128xi32, #tpu.memory_space<vmem>>
      %dma_wait3A_74 = tpu.memref_squeeze %dma_wait3A_73 : memref<1x128xi32, #tpu.memory_space<vmem>> -> memref<128xi32, #tpu.memory_space<vmem>>
      %dma_wait3A_75 = tpu.memref_slice %arg3[%min3A_1] : memref<4000xi32, #tpu.memory_space<hbm>> -> memref<128xi32, #tpu.memory_space<hbm>>
      %dma_wait3A_76 = arith.constant 0 : i32
      %dma_wait3A_77 = tpu.memref_slice %arg6[%run_scoped3A, %dma_wait3A_76] : memref<2x128xi32, #tpu.memory_space<vmem>> -> memref<1x128xi32, #tpu.memory_space<vmem>>
      %dma_wait3A_78 = tpu.memref_squeeze %dma_wait3A_77 : memref<1x128xi32, #tpu.memory_space<vmem>> -> memref<128xi32, #tpu.memory_space<vmem>>
      %dma_wait3A_79 = tpu.memref_slice %arg3[%min3A_1] : memref<4000xi32, #tpu.memory_space<hbm>> -> memref<128xi32, #tpu.memory_space<hbm>>
      tpu.wait_dma2 semaphore(%run_scoped3A_63 : memref<!tpu.dma_semaphore, #tpu.memory_space<semaphore_mem>>) src(%dma_wait3A_79 : memref<128xi32, #tpu.memory_space<hbm>>) dst(%dma_wait3A_78 : memref<128xi32, #tpu.memory_space<vmem>>)
      tpu.yield
    }) : () -> ()
    %dma_start3A = arith.constant 0 : i32
    %dma_start3A_2 = arith.constant 0 : i32
    %dma_start3A_3 = arith.constant 0 : i32
    %dma_start3A_4 = tpu.memref_slice %arg8[%dma_start3A_2, %dma_start3A_3] : memref<256x64xf32, #tpu.memory_space<vmem>> -> memref<128x64xf32, #tpu.memory_space<vmem>>
    %dma_start3A_5 = arith.constant 0 : i32
    %dma_start3A_6 = tpu.memref_slice %arg6[%dma_start3A, %dma_start3A_5] : memref<2x128xi32, #tpu.memory_space<vmem>> -> memref<1x128xi32, #tpu.memory_space<vmem>>
    %dma_start3A_7 = tpu.memref_squeeze %dma_start3A_6 : memref<1x128xi32, #tpu.memory_space<vmem>> -> memref<128xi32, #tpu.memory_space<vmem>>
    %dma_start3A_8 = arith.constant 0 : i32
    %dma_start3A_9 = arith.constant 0 : i32
    %dma_start3A_10 = tpu.memref_slice %arg2[%dma_start3A_8, %dma_start3A_9] : memref<2048x64xf32, #tpu.memory_space<hbm>> -> memref<2048x64xf32, #tpu.memory_space<hbm>>
    tpu.enqueue_indirect_dma source(%dma_start3A_10 : memref<2048x64xf32, #tpu.memory_space<hbm>>) target(%dma_start3A_4 : memref<128x64xf32, #tpu.memory_space<vmem>>) offsets(%dma_start3A_7 : memref<128xi32, #tpu.memory_space<vmem>>) semaphore(%arg10 : memref<!tpu.dma_semaphore, #tpu.memory_space<semaphore_mem>>)
    %add3A = arith.constant 128 : i32
    %add3A_11 = arith.addi %min3A_1, %add3A : i32
    %run_scoped3A_12 = arith.constant 1 : i32
    "tpu.region"() ({
      %run_scoped3A_63 = tpu.sem_alloc : memref<!tpu.dma_semaphore, #tpu.memory_space<semaphore_mem>>
      %dma_start3A_64 = arith.constant 0 : i32
      %dma_start3A_65 = tpu.memref_slice %arg6[%run_scoped3A_12, %dma_start3A_64] : memref<2x128xi32, #tpu.memory_space<vmem>> -> memref<1x128xi32, #tpu.memory_space<vmem>>
      %dma_start3A_66 = tpu.memref_squeeze %dma_start3A_65 : memref<1x128xi32, #tpu.memory_space<vmem>> -> memref<128xi32, #tpu.memory_space<vmem>>
      %dma_start3A_67 = tpu.memref_slice %arg3[%add3A_11] : memref<4000xi32, #tpu.memory_space<hbm>> -> memref<128xi32, #tpu.memory_space<hbm>>
      %dma_start3A_68 = arith.constant 0 : i32
      %dma_start3A_69 = tpu.memref_slice %arg6[%run_scoped3A_12, %dma_start3A_68] : memref<2x128xi32, #tpu.memory_space<vmem>> -> memref<1x128xi32, #tpu.memory_space<vmem>>
      %dma_start3A_70 = tpu.memref_squeeze %dma_start3A_69 : memref<1x128xi32, #tpu.memory_space<vmem>> -> memref<128xi32, #tpu.memory_space<vmem>>
      %dma_start3A_71 = tpu.memref_slice %arg3[%add3A_11] : memref<4000xi32, #tpu.memory_space<hbm>> -> memref<128xi32, #tpu.memory_space<hbm>>
      tpu.enqueue_dma source(%dma_start3A_71 : memref<128xi32, #tpu.memory_space<hbm>>) target(%dma_start3A_70 : memref<128xi32, #tpu.memory_space<vmem>>) target_semaphore(%run_scoped3A_63 : memref<!tpu.dma_semaphore, #tpu.memory_space<semaphore_mem>>)
      %dma_wait3A_72 = arith.constant 0 : i32
      %dma_wait3A_73 = tpu.memref_slice %arg6[%run_scoped3A_12, %dma_wait3A_72] : memref<2x128xi32, #tpu.memory_space<vmem>> -> memref<1x128xi32, #tpu.memory_space<vmem>>
      %dma_wait3A_74 = tpu.memref_squeeze %dma_wait3A_73 : memref<1x128xi32, #tpu.memory_space<vmem>> -> memref<128xi32, #tpu.memory_space<vmem>>
      %dma_wait3A_75 = tpu.memref_slice %arg3[%add3A_11] : memref<4000xi32, #tpu.memory_space<hbm>> -> memref<128xi32, #tpu.memory_space<hbm>>
      %dma_wait3A_76 = arith.constant 0 : i32
      %dma_wait3A_77 = tpu.memref_slice %arg6[%run_scoped3A_12, %dma_wait3A_76] : memref<2x128xi32, #tpu.memory_space<vmem>> -> memref<1x128xi32, #tpu.memory_space<vmem>>
      %dma_wait3A_78 = tpu.memref_squeeze %dma_wait3A_77 : memref<1x128xi32, #tpu.memory_space<vmem>> -> memref<128xi32, #tpu.memory_space<vmem>>
      %dma_wait3A_79 = tpu.memref_slice %arg3[%add3A_11] : memref<4000xi32, #tpu.memory_space<hbm>> -> memref<128xi32, #tpu.memory_space<hbm>>
      tpu.wait_dma2 semaphore(%run_scoped3A_63 : memref<!tpu.dma_semaphore, #tpu.memory_space<semaphore_mem>>) src(%dma_wait3A_79 : memref<128xi32, #tpu.memory_space<hbm>>) dst(%dma_wait3A_78 : memref<128xi32, #tpu.memory_space<vmem>>)
      tpu.yield
    }) : () -> ()
    %dma_start3A_13 = arith.constant 1 : i32
    %dma_start3A_14 = arith.constant 128 : i32
    %dma_start3A_15 = arith.constant 0 : i32
    %dma_start3A_16 = tpu.memref_slice %arg8[%dma_start3A_14, %dma_start3A_15] : memref<256x64xf32, #tpu.memory_space<vmem>> -> memref<128x64xf32, #tpu.memory_space<vmem>>
    %dma_start3A_17 = arith.constant 0 : i32
    %dma_start3A_18 = tpu.memref_slice %arg6[%dma_start3A_13, %dma_start3A_17] : memref<2x128xi32, #tpu.memory_space<vmem>> -> memref<1x128xi32, #tpu.memory_space<vmem>>
    %dma_start3A_19 = tpu.memref_squeeze %dma_start3A_18 : memref<1x128xi32, #tpu.memory_space<vmem>> -> memref<128xi32, #tpu.memory_space<vmem>>
    %dma_start3A_20 = arith.constant 0 : i32
    %dma_start3A_21 = arith.constant 0 : i32
    %dma_start3A_22 = tpu.memref_slice %arg2[%dma_start3A_20, %dma_start3A_21] : memref<2048x64xf32, #tpu.memory_space<hbm>> -> memref<2048x64xf32, #tpu.memory_space<hbm>>
    tpu.enqueue_indirect_dma source(%dma_start3A_22 : memref<2048x64xf32, #tpu.memory_space<hbm>>) target(%dma_start3A_16 : memref<128x64xf32, #tpu.memory_space<vmem>>) offsets(%dma_start3A_19 : memref<128xi32, #tpu.memory_space<vmem>>) semaphore(%arg11 : memref<!tpu.dma_semaphore, #tpu.memory_space<semaphore_mem>>)
    "tpu.region"() ({
      %run_scoped3A_63 = tpu.sem_alloc : memref<!tpu.dma_semaphore, #tpu.memory_space<semaphore_mem>>
      %dma_start3A_64 = tpu.memref_slice %arg4[%min3A_1] : memref<4000xf32, #tpu.memory_space<hbm>> -> memref<256xf32, #tpu.memory_space<hbm>>
      %dma_start3A_65 = tpu.memref_slice %arg4[%min3A_1] : memref<4000xf32, #tpu.memory_space<hbm>> -> memref<256xf32, #tpu.memory_space<hbm>>
      tpu.enqueue_dma source(%dma_start3A_65 : memref<256xf32, #tpu.memory_space<hbm>>) target(%arg7 : memref<256xf32, #tpu.memory_space<vmem>>) target_semaphore(%run_scoped3A_63 : memref<!tpu.dma_semaphore, #tpu.memory_space<semaphore_mem>>)
      %dma_wait3A_66 = tpu.memref_slice %arg4[%min3A_1] : memref<4000xf32, #tpu.memory_space<hbm>> -> memref<256xf32, #tpu.memory_space<hbm>>
      %dma_wait3A_67 = tpu.memref_slice %arg4[%min3A_1] : memref<4000xf32, #tpu.memory_space<hbm>> -> memref<256xf32, #tpu.memory_space<hbm>>
      tpu.wait_dma2 semaphore(%run_scoped3A_63 : memref<!tpu.dma_semaphore, #tpu.memory_space<semaphore_mem>>) src(%dma_wait3A_67 : memref<256xf32, #tpu.memory_space<hbm>>) dst(%arg7 : memref<256xf32, #tpu.memory_space<vmem>>)
      tpu.yield
    }) : () -> ()
    %dma_wait3A = arith.constant 0 : i32
    %dma_wait3A_23 = arith.constant 0 : i32
    %dma_wait3A_24 = arith.constant 0 : i32
    %dma_wait3A_25 = tpu.memref_slice %arg8[%dma_wait3A_23, %dma_wait3A_24] : memref<256x64xf32, #tpu.memory_space<vmem>> -> memref<128x64xf32, #tpu.memory_space<vmem>>
    %dma_wait3A_26 = arith.constant 0 : i32
    %dma_wait3A_27 = tpu.memref_slice %arg6[%dma_wait3A, %dma_wait3A_26] : memref<2x128xi32, #tpu.memory_space<vmem>> -> memref<1x128xi32, #tpu.memory_space<vmem>>
    %dma_wait3A_28 = tpu.memref_squeeze %dma_wait3A_27 : memref<1x128xi32, #tpu.memory_space<vmem>> -> memref<128xi32, #tpu.memory_space<vmem>>
    %dma_wait3A_29 = arith.constant 0 : i32
    %dma_wait3A_30 = arith.constant 0 : i32
    %dma_wait3A_31 = tpu.memref_slice %arg2[%dma_wait3A_29, %dma_wait3A_30] : memref<2048x64xf32, #tpu.memory_space<hbm>> -> memref<2048x64xf32, #tpu.memory_space<hbm>>
    tpu.wait_indirect_dma semaphore(%arg10 : memref<!tpu.dma_semaphore, #tpu.memory_space<semaphore_mem>>) src(%dma_wait3A_31 : memref<2048x64xf32, #tpu.memory_space<hbm>>) dst(%dma_wait3A_25 : memref<128x64xf32, #tpu.memory_space<vmem>>)
    %parallel_loop3A = arith.constant 0 : i32
    %parallel_loop3A_32 = arith.constant 8 : i32
    %parallel_loop3A_33 = arith.constant 1 : i32
    scf.for %parallel_loop3A_63 = %parallel_loop3A to %parallel_loop3A_32 step %parallel_loop3A_33  : i32 {
      %parallel_loop3A_64 = arith.constant 2 : i32
      %parallel_loop3A_65 = arith.muli %parallel_loop3A_63, %parallel_loop3A_64 : i32
      %parallel_loop3A_66 = arith.constant 8 : i32
      %parallel_loop3A_67 = arith.muli %parallel_loop3A_65, %parallel_loop3A_66 : i32
      %parallel_loop3A_68 = arith.index_cast %parallel_loop3A_67 : i32 to index
      %parallel_loop3A_69 = tpu.vector_load %arg7[%parallel_loop3A_68] {strides = array<i32>} : memref<256xf32, #tpu.memory_space<vmem>>, vector<16xf32>,
      %parallel_loop3A_70 = vector.shape_cast %parallel_loop3A_69 : vector<16xf32> to vector<16xf32>
      %parallel_loop3A_71 = arith.constant 2 : i32
      %parallel_loop3A_72 = arith.muli %parallel_loop3A_63, %parallel_loop3A_71 : i32
      %parallel_loop3A_73 = arith.constant 0 : i32
      %parallel_loop3A_74 = arith.addi %parallel_loop3A_72, %parallel_loop3A_73 : i32
      %parallel_loop3A_75 = arith.constant 0.000000e+00 : f32
      %parallel_loop3A_76 = vector.broadcast %parallel_loop3A_75 : f32 to vector<16xf32>
      %parallel_loop3A_77 = arith.constant 0.000000e+00 : f32
      %parallel_loop3A_78 = vector.broadcast %parallel_loop3A_77 : f32 to vector<16xf32>
      %parallel_loop3A_79 = arith.constant 0.000000e+00 : f32
      %parallel_loop3A_80 = vector.broadcast %parallel_loop3A_79 : f32 to vector<16xf32>
      %parallel_loop3A_81 = arith.constant 0.000000e+00 : f32
      %parallel_loop3A_82 = vector.broadcast %parallel_loop3A_81 : f32 to vector<16xf32>
      %parallel_loop3A_83 = arith.constant 8 : i32
      %parallel_loop3A_84 = arith.muli %parallel_loop3A_74, %parallel_loop3A_83 : i32
      %parallel_loop3A_85 = arith.constant 0 : i32
      %parallel_loop3A_86 = arith.addi %parallel_loop3A_84, %parallel_loop3A_85 : i32
      %parallel_loop3A_87 = arith.constant 0 : i32
      %parallel_loop3A_88 = vector.broadcast %parallel_loop3A_87 : i32 to vector<16x1xi32>
      %parallel_loop3A_89 = vector.shape_cast %parallel_loop3A_88 : vector<16x1xi32> to vector<16xi32>
      %parallel_loop3A_90 = tpu.dynamic_gather %parallel_loop3A_70[%parallel_loop3A_89] in [0] : vector<16xf32>, vector<16xi32> -> vector<16xf32>
      %parallel_loop3A_91 = arith.index_cast %parallel_loop3A_86 : i32 to index
      %parallel_loop3A_92 = arith.constant 0 : index
      %parallel_loop3A_93 = tpu.vector_load %arg8[%parallel_loop3A_91, %parallel_loop3A_92] {strides = array<i32>} : memref<256x64xf32, #tpu.memory_space<vmem>>, vector<1x16xf32>,
      %parallel_loop3A_94 = vector.shape_cast %parallel_loop3A_93 : vector<1x16xf32> to vector<16xf32>
      %parallel_loop3A_95 = arith.mulf %parallel_loop3A_90, %parallel_loop3A_94 : vector<16xf32>
      %parallel_loop3A_96 = arith.addf %parallel_loop3A_76, %parallel_loop3A_95 : vector<16xf32>
      %parallel_loop3A_97 = arith.index_cast %parallel_loop3A_86 : i32 to index
      %parallel_loop3A_98 = arith.constant 16 : index
      %parallel_loop3A_99 = tpu.vector_load %arg8[%parallel_loop3A_97, %parallel_loop3A_98] {strides = array<i32>} : memref<256x64xf32, #tpu.memory_space<vmem>>, vector<1x16xf32>,
      %parallel_loop3A_100 = vector.shape_cast %parallel_loop3A_99 : vector<1x16xf32> to vector<16xf32>
      %parallel_loop3A_101 = arith.mulf %parallel_loop3A_90, %parallel_loop3A_100 : vector<16xf32>
      %parallel_loop3A_102 = arith.addf %parallel_loop3A_78, %parallel_loop3A_101 : vector<16xf32>
      %parallel_loop3A_103 = arith.index_cast %parallel_loop3A_86 : i32 to index
      %parallel_loop3A_104 = arith.constant 32 : index
      %parallel_loop3A_105 = tpu.vector_load %arg8[%parallel_loop3A_103, %parallel_loop3A_104] {strides = array<i32>} : memref<256x64xf32, #tpu.memory_space<vmem>>, vector<1x16xf32>,
      %parallel_loop3A_106 = vector.shape_cast %parallel_loop3A_105 : vector<1x16xf32> to vector<16xf32>
      %parallel_loop3A_107 = arith.mulf %parallel_loop3A_90, %parallel_loop3A_106 : vector<16xf32>
      %parallel_loop3A_108 = arith.addf %parallel_loop3A_80, %parallel_loop3A_107 : vector<16xf32>
      %parallel_loop3A_109 = arith.index_cast %parallel_loop3A_86 : i32 to index
      %parallel_loop3A_110 = arith.constant 48 : index
      %parallel_loop3A_111 = tpu.vector_load %arg8[%parallel_loop3A_109, %parallel_loop3A_110] {strides = array<i32>} : memref<256x64xf32, #tpu.memory_space<vmem>>, vector<1x16xf32>,
      %parallel_loop3A_112 = vector.shape_cast %parallel_loop3A_111 : vector<1x16xf32> to vector<16xf32>
      %parallel_loop3A_113 = arith.mulf %parallel_loop3A_90, %parallel_loop3A_112 : vector<16xf32>
      %parallel_loop3A_114 = arith.addf %parallel_loop3A_82, %parallel_loop3A_113 : vector<16xf32>
      %parallel_loop3A_115 = arith.constant 8 : i32
      %parallel_loop3A_116 = arith.muli %parallel_loop3A_74, %parallel_loop3A_115 : i32
      %parallel_loop3A_117 = arith.constant 1 : i32
      %parallel_loop3A_118 = arith.addi %parallel_loop3A_116, %parallel_loop3A_117 : i32
      %parallel_loop3A_119 = arith.constant 1 : i32
      %parallel_loop3A_120 = vector.broadcast %parallel_loop3A_119 : i32 to vector<16x1xi32>
      %parallel_loop3A_121 = vector.shape_cast %parallel_loop3A_120 : vector<16x1xi32> to vector<16xi32>
      %parallel_loop3A_122 = tpu.dynamic_gather %parallel_loop3A_70[%parallel_loop3A_121] in [0] : vector<16xf32>, vector<16xi32> -> vector<16xf32>
      %parallel_loop3A_123 = arith.index_cast %parallel_loop3A_118 : i32 to index
      %parallel_loop3A_124 = arith.constant 0 : index
      %parallel_loop3A_125 = tpu.vector_load %arg8[%parallel_loop3A_123, %parallel_loop3A_124] {strides = array<i32>} : memref<256x64xf32, #tpu.memory_space<vmem>>, vector<1x16xf32>,
      %parallel_loop3A_126 = vector.shape_cast %parallel_loop3A_125 : vector<1x16xf32> to vector<16xf32>
      %parallel_loop3A_127 = arith.mulf %parallel_loop3A_122, %parallel_loop3A_126 : vector<16xf32>
      %parallel_loop3A_128 = arith.addf %parallel_loop3A_96, %parallel_loop3A_127 : vector<16xf32>
      %parallel_loop3A_129 = arith.index_cast %parallel_loop3A_118 : i32 to index
      %parallel_loop3A_130 = arith.constant 16 : index
      %parallel_loop3A_131 = tpu.vector_load %arg8[%parallel_loop3A_129, %parallel_loop3A_130] {strides = array<i32>} : memref<256x64xf32, #tpu.memory_space<vmem>>, vector<1x16xf32>,
      %parallel_loop3A_132 = vector.shape_cast %parallel_loop3A_131 : vector<1x16xf32> to vector<16xf32>
      %parallel_loop3A_133 = arith.mulf %parallel_loop3A_122, %parallel_loop3A_132 : vector<16xf32>
      %parallel_loop3A_134 = arith.addf %parallel_loop3A_102, %parallel_loop3A_133 : vector<16xf32>
      %parallel_loop3A_135 = arith.index_cast %parallel_loop3A_118 : i32 to index
      %parallel_loop3A_136 = arith.constant 32 : index
      %parallel_loop3A_137 = tpu.vector_load %arg8[%parallel_loop3A_135, %parallel_loop3A_136] {strides = array<i32>} : memref<256x64xf32, #tpu.memory_space<vmem>>, vector<1x16xf32>,
      %parallel_loop3A_138 = vector.shape_cast %parallel_loop3A_137 : vector<1x16xf32> to vector<16xf32>
      %parallel_loop3A_139 = arith.mulf %parallel_loop3A_122, %parallel_loop3A_138 : vector<16xf32>
      %parallel_loop3A_140 = arith.addf %parallel_loop3A_108, %parallel_loop3A_139 : vector<16xf32>
      %parallel_loop3A_141 = arith.index_cast %parallel_loop3A_118 : i32 to index
      %parallel_loop3A_142 = arith.constant 48 : index
      %parallel_loop3A_143 = tpu.vector_load %arg8[%parallel_loop3A_141, %parallel_loop3A_142] {strides = array<i32>} : memref<256x64xf32, #tpu.memory_space<vmem>>, vector<1x16xf32>,
      %parallel_loop3A_144 = vector.shape_cast %parallel_loop3A_143 : vector<1x16xf32> to vector<16xf32>
      %parallel_loop3A_145 = arith.mulf %parallel_loop3A_122, %parallel_loop3A_144 : vector<16xf32>
      %parallel_loop3A_146 = arith.addf %parallel_loop3A_114, %parallel_loop3A_145 : vector<16xf32>
      %parallel_loop3A_147 = arith.constant 8 : i32
      %parallel_loop3A_148 = arith.muli %parallel_loop3A_74, %parallel_loop3A_147 : i32
      %parallel_loop3A_149 = arith.constant 2 : i32
      %parallel_loop3A_150 = arith.addi %parallel_loop3A_148, %parallel_loop3A_149 : i32
      %parallel_loop3A_151 = arith.constant 2 : i32
      %parallel_loop3A_152 = vector.broadcast %parallel_loop3A_151 : i32 to vector<16x1xi32>
      %parallel_loop3A_153 = vector.shape_cast %parallel_loop3A_152 : vector<16x1xi32> to vector<16xi32>
      %parallel_loop3A_154 = tpu.dynamic_gather %parallel_loop3A_70[%parallel_loop3A_153] in [0] : vector<16xf32>, vector<16xi32> -> vector<16xf32>
      %parallel_loop3A_155 = arith.index_cast %parallel_loop3A_150 : i32 to index
      %parallel_loop3A_156 = arith.constant 0 : index
      %parallel_loop3A_157 = tpu.vector_load %arg8[%parallel_loop3A_155, %parallel_loop3A_156] {strides = array<i32>} : memref<256x64xf32, #tpu.memory_space<vmem>>, vector<1x16xf32>,
      %parallel_loop3A_158 = vector.shape_cast %parallel_loop3A_157 : vector<1x16xf32> to vector<16xf32>
      %parallel_loop3A_159 = arith.mulf %parallel_loop3A_154, %parallel_loop3A_158 : vector<16xf32>
      %parallel_loop3A_160 = arith.addf %parallel_loop3A_128, %parallel_loop3A_159 : vector<16xf32>
      %parallel_loop3A_161 = arith.index_cast %parallel_loop3A_150 : i32 to index
      %parallel_loop3A_162 = arith.constant 16 : index
      %parallel_loop3A_163 = tpu.vector_load %arg8[%parallel_loop3A_161, %parallel_loop3A_162] {strides = array<i32>} : memref<256x64xf32, #tpu.memory_space<vmem>>, vector<1x16xf32>,
      %parallel_loop3A_164 = vector.shape_cast %parallel_loop3A_163 : vector<1x16xf32> to vector<16xf32>
      %parallel_loop3A_165 = arith.mulf %parallel_loop3A_154, %parallel_loop3A_164 : vector<16xf32>
      %parallel_loop3A_166 = arith.addf %parallel_loop3A_134, %parallel_loop3A_165 : vector<16xf32>
      %parallel_loop3A_167 = arith.index_cast %parallel_loop3A_150 : i32 to index
      %parallel_loop3A_168 = arith.constant 32 : index
      %parallel_loop3A_169 = tpu.vector_load %arg8[%parallel_loop3A_167, %parallel_loop3A_168] {strides = array<i32>} : memref<256x64xf32, #tpu.memory_space<vmem>>, vector<1x16xf32>,
      %parallel_loop3A_170 = vector.shape_cast %parallel_loop3A_169 : vector<1x16xf32> to vector<16xf32>
      %parallel_loop3A_171 = arith.mulf %parallel_loop3A_154, %parallel_loop3A_170 : vector<16xf32>
      %parallel_loop3A_172 = arith.addf %parallel_loop3A_140, %parallel_loop3A_171 : vector<16xf32>
      %parallel_loop3A_173 = arith.index_cast %parallel_loop3A_150 : i32 to index
      %parallel_loop3A_174 = arith.constant 48 : index
      %parallel_loop3A_175 = tpu.vector_load %arg8[%parallel_loop3A_173, %parallel_loop3A_174] {strides = array<i32>} : memref<256x64xf32, #tpu.memory_space<vmem>>, vector<1x16xf32>,
      %parallel_loop3A_176 = vector.shape_cast %parallel_loop3A_175 : vector<1x16xf32> to vector<16xf32>
      %parallel_loop3A_177 = arith.mulf %parallel_loop3A_154, %parallel_loop3A_176 : vector<16xf32>
      %parallel_loop3A_178 = arith.addf %parallel_loop3A_146, %parallel_loop3A_177 : vector<16xf32>
      %parallel_loop3A_179 = arith.constant 8 : i32
      %parallel_loop3A_180 = arith.muli %parallel_loop3A_74, %parallel_loop3A_179 : i32
      %parallel_loop3A_181 = arith.constant 3 : i32
      %parallel_loop3A_182 = arith.addi %parallel_loop3A_180, %parallel_loop3A_181 : i32
      %parallel_loop3A_183 = arith.constant 3 : i32
      %parallel_loop3A_184 = vector.broadcast %parallel_loop3A_183 : i32 to vector<16x1xi32>
      %parallel_loop3A_185 = vector.shape_cast %parallel_loop3A_184 : vector<16x1xi32> to vector<16xi32>
      %parallel_loop3A_186 = tpu.dynamic_gather %parallel_loop3A_70[%parallel_loop3A_185] in [0] : vector<16xf32>, vector<16xi32> -> vector<16xf32>
      %parallel_loop3A_187 = arith.index_cast %parallel_loop3A_182 : i32 to index
      %parallel_loop3A_188 = arith.constant 0 : index
      %parallel_loop3A_189 = tpu.vector_load %arg8[%parallel_loop3A_187, %parallel_loop3A_188] {strides = array<i32>} : memref<256x64xf32, #tpu.memory_space<vmem>>, vector<1x16xf32>,
      %parallel_loop3A_190 = vector.shape_cast %parallel_loop3A_189 : vector<1x16xf32> to vector<16xf32>
      %parallel_loop3A_191 = arith.mulf %parallel_loop3A_186, %parallel_loop3A_190 : vector<16xf32>
      %parallel_loop3A_192 = arith.addf %parallel_loop3A_160, %parallel_loop3A_191 : vector<16xf32>
      %parallel_loop3A_193 = arith.index_cast %parallel_loop3A_182 : i32 to index
      %parallel_loop3A_194 = arith.constant 16 : index
      %parallel_loop3A_195 = tpu.vector_load %arg8[%parallel_loop3A_193, %parallel_loop3A_194] {strides = array<i32>} : memref<256x64xf32, #tpu.memory_space<vmem>>, vector<1x16xf32>,
      %parallel_loop3A_196 = vector.shape_cast %parallel_loop3A_195 : vector<1x16xf32> to vector<16xf32>
      %parallel_loop3A_197 = arith.mulf %parallel_loop3A_186, %parallel_loop3A_196 : vector<16xf32>
      %parallel_loop3A_198 = arith.addf %parallel_loop3A_166, %parallel_loop3A_197 : vector<16xf32>
      %parallel_loop3A_199 = arith.index_cast %parallel_loop3A_182 : i32 to index
      %parallel_loop3A_200 = arith.constant 32 : index
      %parallel_loop3A_201 = tpu.vector_load %arg8[%parallel_loop3A_199, %parallel_loop3A_200] {strides = array<i32>} : memref<256x64xf32, #tpu.memory_space<vmem>>, vector<1x16xf32>,
      %parallel_loop3A_202 = vector.shape_cast %parallel_loop3A_201 : vector<1x16xf32> to vector<16xf32>
      %parallel_loop3A_203 = arith.mulf %parallel_loop3A_186, %parallel_loop3A_202 : vector<16xf32>
      %parallel_loop3A_204 = arith.addf %parallel_loop3A_172, %parallel_loop3A_203 : vector<16xf32>
      %parallel_loop3A_205 = arith.index_cast %parallel_loop3A_182 : i32 to index
      %parallel_loop3A_206 = arith.constant 48 : index
      %parallel_loop3A_207 = tpu.vector_load %arg8[%parallel_loop3A_205, %parallel_loop3A_206] {strides = array<i32>} : memref<256x64xf32, #tpu.memory_space<vmem>>, vector<1x16xf32>,
      %parallel_loop3A_208 = vector.shape_cast %parallel_loop3A_207 : vector<1x16xf32> to vector<16xf32>
      %parallel_loop3A_209 = arith.mulf %parallel_loop3A_186, %parallel_loop3A_208 : vector<16xf32>
      %parallel_loop3A_210 = arith.addf %parallel_loop3A_178, %parallel_loop3A_209 : vector<16xf32>
      %parallel_loop3A_211 = arith.constant 8 : i32
      %parallel_loop3A_212 = arith.muli %parallel_loop3A_74, %parallel_loop3A_211 : i32
      %parallel_loop3A_213 = arith.constant 4 : i32
      %parallel_loop3A_214 = arith.addi %parallel_loop3A_212, %parallel_loop3A_213 : i32
      %parallel_loop3A_215 = arith.constant 4 : i32
      %parallel_loop3A_216 = vector.broadcast %parallel_loop3A_215 : i32 to vector<16x1xi32>
      %parallel_loop3A_217 = vector.shape_cast %parallel_loop3A_216 : vector<16x1xi32> to vector<16xi32>
      %parallel_loop3A_218 = tpu.dynamic_gather %parallel_loop3A_70[%parallel_loop3A_217] in [0] : vector<16xf32>, vector<16xi32> -> vector<16xf32>
      %parallel_loop3A_219 = arith.index_cast %parallel_loop3A_214 : i32 to index
      %parallel_loop3A_220 = arith.constant 0 : index
      %parallel_loop3A_221 = tpu.vector_load %arg8[%parallel_loop3A_219, %parallel_loop3A_220] {strides = array<i32>} : memref<256x64xf32, #tpu.memory_space<vmem>>, vector<1x16xf32>,
      %parallel_loop3A_222 = vector.shape_cast %parallel_loop3A_221 : vector<1x16xf32> to vector<16xf32>
      %parallel_loop3A_223 = arith.mulf %parallel_loop3A_218, %parallel_loop3A_222 : vector<16xf32>
      %parallel_loop3A_224 = arith.addf %parallel_loop3A_192, %parallel_loop3A_223 : vector<16xf32>
      %parallel_loop3A_225 = arith.index_cast %parallel_loop3A_214 : i32 to index
      %parallel_loop3A_226 = arith.constant 16 : index
      %parallel_loop3A_227 = tpu.vector_load %arg8[%parallel_loop3A_225, %parallel_loop3A_226] {strides = array<i32>} : memref<256x64xf32, #tpu.memory_space<vmem>>, vector<1x16xf32>,
      %parallel_loop3A_228 = vector.shape_cast %parallel_loop3A_227 : vector<1x16xf32> to vector<16xf32>
      %parallel_loop3A_229 = arith.mulf %parallel_loop3A_218, %parallel_loop3A_228 : vector<16xf32>
      %parallel_loop3A_230 = arith.addf %parallel_loop3A_198, %parallel_loop3A_229 : vector<16xf32>
      %parallel_loop3A_231 = arith.index_cast %parallel_loop3A_214 : i32 to index
      %parallel_loop3A_232 = arith.constant 32 : index
      %parallel_loop3A_233 = tpu.vector_load %arg8[%parallel_loop3A_231, %parallel_loop3A_232] {strides = array<i32>} : memref<256x64xf32, #tpu.memory_space<vmem>>, vector<1x16xf32>,
      %parallel_loop3A_234 = vector.shape_cast %parallel_loop3A_233 : vector<1x16xf32> to vector<16xf32>
      %parallel_loop3A_235 = arith.mulf %parallel_loop3A_218, %parallel_loop3A_234 : vector<16xf32>
      %parallel_loop3A_236 = arith.addf %parallel_loop3A_204, %parallel_loop3A_235 : vector<16xf32>
      %parallel_loop3A_237 = arith.index_cast %parallel_loop3A_214 : i32 to index
      %parallel_loop3A_238 = arith.constant 48 : index
      %parallel_loop3A_239 = tpu.vector_load %arg8[%parallel_loop3A_237, %parallel_loop3A_238] {strides = array<i32>} : memref<256x64xf32, #tpu.memory_space<vmem>>, vector<1x16xf32>,
      %parallel_loop3A_240 = vector.shape_cast %parallel_loop3A_239 : vector<1x16xf32> to vector<16xf32>
      %parallel_loop3A_241 = arith.mulf %parallel_loop3A_218, %parallel_loop3A_240 : vector<16xf32>
      %parallel_loop3A_242 = arith.addf %parallel_loop3A_210, %parallel_loop3A_241 : vector<16xf32>
      %parallel_loop3A_243 = arith.constant 8 : i32
      %parallel_loop3A_244 = arith.muli %parallel_loop3A_74, %parallel_loop3A_243 : i32
      %parallel_loop3A_245 = arith.constant 5 : i32
      %parallel_loop3A_246 = arith.addi %parallel_loop3A_244, %parallel_loop3A_245 : i32
      %parallel_loop3A_247 = arith.constant 5 : i32
      %parallel_loop3A_248 = vector.broadcast %parallel_loop3A_247 : i32 to vector<16x1xi32>
      %parallel_loop3A_249 = vector.shape_cast %parallel_loop3A_248 : vector<16x1xi32> to vector<16xi32>
      %parallel_loop3A_250 = tpu.dynamic_gather %parallel_loop3A_70[%parallel_loop3A_249] in [0] : vector<16xf32>, vector<16xi32> -> vector<16xf32>
      %parallel_loop3A_251 = arith.index_cast %parallel_loop3A_246 : i32 to index
      %parallel_loop3A_252 = arith.constant 0 : index
      %parallel_loop3A_253 = tpu.vector_load %arg8[%parallel_loop3A_251, %parallel_loop3A_252] {strides = array<i32>} : memref<256x64xf32, #tpu.memory_space<vmem>>, vector<1x16xf32>,
      %parallel_loop3A_254 = vector.shape_cast %parallel_loop3A_253 : vector<1x16xf32> to vector<16xf32>
      %parallel_loop3A_255 = arith.mulf %parallel_loop3A_250, %parallel_loop3A_254 : vector<16xf32>
      %parallel_loop3A_256 = arith.addf %parallel_loop3A_224, %parallel_loop3A_255 : vector<16xf32>
      %parallel_loop3A_257 = arith.index_cast %parallel_loop3A_246 : i32 to index
      %parallel_loop3A_258 = arith.constant 16 : index
      %parallel_loop3A_259 = tpu.vector_load %arg8[%parallel_loop3A_257, %parallel_loop3A_258] {strides = array<i32>} : memref<256x64xf32, #tpu.memory_space<vmem>>, vector<1x16xf32>,
      %parallel_loop3A_260 = vector.shape_cast %parallel_loop3A_259 : vector<1x16xf32> to vector<16xf32>
      %parallel_loop3A_261 = arith.mulf %parallel_loop3A_250, %parallel_loop3A_260 : vector<16xf32>
      %parallel_loop3A_262 = arith.addf %parallel_loop3A_230, %parallel_loop3A_261 : vector<16xf32>
      %parallel_loop3A_263 = arith.index_cast %parallel_loop3A_246 : i32 to index
      %parallel_loop3A_264 = arith.constant 32 : index
      %parallel_loop3A_265 = tpu.vector_load %arg8[%parallel_loop3A_263, %parallel_loop3A_264] {strides = array<i32>} : memref<256x64xf32, #tpu.memory_space<vmem>>, vector<1x16xf32>,
      %parallel_loop3A_266 = vector.shape_cast %parallel_loop3A_265 : vector<1x16xf32> to vector<16xf32>
      %parallel_loop3A_267 = arith.mulf %parallel_loop3A_250, %parallel_loop3A_266 : vector<16xf32>
      %parallel_loop3A_268 = arith.addf %parallel_loop3A_236, %parallel_loop3A_267 : vector<16xf32>
      %parallel_loop3A_269 = arith.index_cast %parallel_loop3A_246 : i32 to index
      %parallel_loop3A_270 = arith.constant 48 : index
      %parallel_loop3A_271 = tpu.vector_load %arg8[%parallel_loop3A_269, %parallel_loop3A_270] {strides = array<i32>} : memref<256x64xf32, #tpu.memory_space<vmem>>, vector<1x16xf32>,
      %parallel_loop3A_272 = vector.shape_cast %parallel_loop3A_271 : vector<1x16xf32> to vector<16xf32>
      %parallel_loop3A_273 = arith.mulf %parallel_loop3A_250, %parallel_loop3A_272 : vector<16xf32>
      %parallel_loop3A_274 = arith.addf %parallel_loop3A_242, %parallel_loop3A_273 : vector<16xf32>
      %parallel_loop3A_275 = arith.constant 8 : i32
      %parallel_loop3A_276 = arith.muli %parallel_loop3A_74, %parallel_loop3A_275 : i32
      %parallel_loop3A_277 = arith.constant 6 : i32
      %parallel_loop3A_278 = arith.addi %parallel_loop3A_276, %parallel_loop3A_277 : i32
      %parallel_loop3A_279 = arith.constant 6 : i32
      %parallel_loop3A_280 = vector.broadcast %parallel_loop3A_279 : i32 to vector<16x1xi32>
      %parallel_loop3A_281 = vector.shape_cast %parallel_loop3A_280 : vector<16x1xi32> to vector<16xi32>
      %parallel_loop3A_282 = tpu.dynamic_gather %parallel_loop3A_70[%parallel_loop3A_281] in [0] : vector<16xf32>, vector<16xi32> -> vector<16xf32>
      %parallel_loop3A_283 = arith.index_cast %parallel_loop3A_278 : i32 to index
      %parallel_loop3A_284 = arith.constant 0 : index
      %parallel_loop3A_285 = tpu.vector_load %arg8[%parallel_loop3A_283, %parallel_loop3A_284] {strides = array<i32>} : memref<256x64xf32, #tpu.memory_space<vmem>>, vector<1x16xf32>,
      %parallel_loop3A_286 = vector.shape_cast %parallel_loop3A_285 : vector<1x16xf32> to vector<16xf32>
      %parallel_loop3A_287 = arith.mulf %parallel_loop3A_282, %parallel_loop3A_286 : vector<16xf32>
      %parallel_loop3A_288 = arith.addf %parallel_loop3A_256, %parallel_loop3A_287 : vector<16xf32>
      %parallel_loop3A_289 = arith.index_cast %parallel_loop3A_278 : i32 to index
      %parallel_loop3A_290 = arith.constant 16 : index
      %parallel_loop3A_291 = tpu.vector_load %arg8[%parallel_loop3A_289, %parallel_loop3A_290] {strides = array<i32>} : memref<256x64xf32, #tpu.memory_space<vmem>>, vector<1x16xf32>,
      %parallel_loop3A_292 = vector.shape_cast %parallel_loop3A_291 : vector<1x16xf32> to vector<16xf32>
      %parallel_loop3A_293 = arith.mulf %parallel_loop3A_282, %parallel_loop3A_292 : vector<16xf32>
      %parallel_loop3A_294 = arith.addf %parallel_loop3A_262, %parallel_loop3A_293 : vector<16xf32>
      %parallel_loop3A_295 = arith.index_cast %parallel_loop3A_278 : i32 to index
      %parallel_loop3A_296 = arith.constant 32 : index
      %parallel_loop3A_297 = tpu.vector_load %arg8[%parallel_loop3A_295, %parallel_loop3A_296] {strides = array<i32>} : memref<256x64xf32, #tpu.memory_space<vmem>>, vector<1x16xf32>,
      %parallel_loop3A_298 = vector.shape_cast %parallel_loop3A_297 : vector<1x16xf32> to vector<16xf32>
      %parallel_loop3A_299 = arith.mulf %parallel_loop3A_282, %parallel_loop3A_298 : vector<16xf32>
      %parallel_loop3A_300 = arith.addf %parallel_loop3A_268, %parallel_loop3A_299 : vector<16xf32>
      %parallel_loop3A_301 = arith.index_cast %parallel_loop3A_278 : i32 to index
      %parallel_loop3A_302 = arith.constant 48 : index
      %parallel_loop3A_303 = tpu.vector_load %arg8[%parallel_loop3A_301, %parallel_loop3A_302] {strides = array<i32>} : memref<256x64xf32, #tpu.memory_space<vmem>>, vector<1x16xf32>,
      %parallel_loop3A_304 = vector.shape_cast %parallel_loop3A_303 : vector<1x16xf32> to vector<16xf32>
      %parallel_loop3A_305 = arith.mulf %parallel_loop3A_282, %parallel_loop3A_304 : vector<16xf32>
      %parallel_loop3A_306 = arith.addf %parallel_loop3A_274, %parallel_loop3A_305 : vector<16xf32>
      %parallel_loop3A_307 = arith.constant 8 : i32
      %parallel_loop3A_308 = arith.muli %parallel_loop3A_74, %parallel_loop3A_307 : i32
      %parallel_loop3A_309 = arith.constant 7 : i32
      %parallel_loop3A_310 = arith.addi %parallel_loop3A_308, %parallel_loop3A_309 : i32
      %parallel_loop3A_311 = arith.constant 7 : i32
      %parallel_loop3A_312 = vector.broadcast %parallel_loop3A_311 : i32 to vector<16x1xi32>
      %parallel_loop3A_313 = vector.shape_cast %parallel_loop3A_312 : vector<16x1xi32> to vector<16xi32>
      %parallel_loop3A_314 = tpu.dynamic_gather %parallel_loop3A_70[%parallel_loop3A_313] in [0] : vector<16xf32>, vector<16xi32> -> vector<16xf32>
      %parallel_loop3A_315 = arith.index_cast %parallel_loop3A_310 : i32 to index
      %parallel_loop3A_316 = arith.constant 0 : index
      %parallel_loop3A_317 = tpu.vector_load %arg8[%parallel_loop3A_315, %parallel_loop3A_316] {strides = array<i32>} : memref<256x64xf32, #tpu.memory_space<vmem>>, vector<1x16xf32>,
      %parallel_loop3A_318 = vector.shape_cast %parallel_loop3A_317 : vector<1x16xf32> to vector<16xf32>
      %parallel_loop3A_319 = arith.mulf %parallel_loop3A_314, %parallel_loop3A_318 : vector<16xf32>
      %parallel_loop3A_320 = arith.addf %parallel_loop3A_288, %parallel_loop3A_319 : vector<16xf32>
      %parallel_loop3A_321 = arith.index_cast %parallel_loop3A_310 : i32 to index
      %parallel_loop3A_322 = arith.constant 16 : index
      %parallel_loop3A_323 = tpu.vector_load %arg8[%parallel_loop3A_321, %parallel_loop3A_322] {strides = array<i32>} : memref<256x64xf32, #tpu.memory_space<vmem>>, vector<1x16xf32>,
      %parallel_loop3A_324 = vector.shape_cast %parallel_loop3A_323 : vector<1x16xf32> to vector<16xf32>
      %parallel_loop3A_325 = arith.mulf %parallel_loop3A_314, %parallel_loop3A_324 : vector<16xf32>
      %parallel_loop3A_326 = arith.addf %parallel_loop3A_294, %parallel_loop3A_325 : vector<16xf32>
      %parallel_loop3A_327 = arith.index_cast %parallel_loop3A_310 : i32 to index
      %parallel_loop3A_328 = arith.constant 32 : index
      %parallel_loop3A_329 = tpu.vector_load %arg8[%parallel_loop3A_327, %parallel_loop3A_328] {strides = array<i32>} : memref<256x64xf32, #tpu.memory_space<vmem>>, vector<1x16xf32>,
      %parallel_loop3A_330 = vector.shape_cast %parallel_loop3A_329 : vector<1x16xf32> to vector<16xf32>
      %parallel_loop3A_331 = arith.mulf %parallel_loop3A_314, %parallel_loop3A_330 : vector<16xf32>
      %parallel_loop3A_332 = arith.addf %parallel_loop3A_300, %parallel_loop3A_331 : vector<16xf32>
      %parallel_loop3A_333 = arith.index_cast %parallel_loop3A_310 : i32 to index
      %parallel_loop3A_334 = arith.constant 48 : index
      %parallel_loop3A_335 = tpu.vector_load %arg8[%parallel_loop3A_333, %parallel_loop3A_334] {strides = array<i32>} : memref<256x64xf32, #tpu.memory_space<vmem>>, vector<1x16xf32>,
      %parallel_loop3A_336 = vector.shape_cast %parallel_loop3A_335 : vector<1x16xf32> to vector<16xf32>
      %parallel_loop3A_337 = arith.mulf %parallel_loop3A_314, %parallel_loop3A_336 : vector<16xf32>
      %parallel_loop3A_338 = arith.addf %parallel_loop3A_306, %parallel_loop3A_337 : vector<16xf32>
      %parallel_loop3A_339 = arith.index_cast %parallel_loop3A_74 : i32 to index
      %parallel_loop3A_340 = arith.constant 0 : index
      %parallel_loop3A_341 = tpu.vector_load %arg9[%parallel_loop3A_339, %parallel_loop3A_340] {strides = array<i32>} : memref<32x64xf32, #tpu.memory_space<vmem>>, vector<1x16xf32>,
      %parallel_loop3A_342 = vector.shape_cast %parallel_loop3A_341 : vector<1x16xf32> to vector<16xf32>
      %parallel_loop3A_343 = vector.shape_cast %parallel_loop3A_320 : vector<16xf32> to vector<1x16xf32>
      tpu.vector_store %arg9[%parallel_loop3A_339, %parallel_loop3A_340], %parallel_loop3A_343 {strides = array<i32>} : memref<32x64xf32, #tpu.memory_space<vmem>>, vector<1x16xf32>,
      %parallel_loop3A_344 = arith.index_cast %parallel_loop3A_74 : i32 to index
      %parallel_loop3A_345 = arith.constant 16 : index
      %parallel_loop3A_346 = tpu.vector_load %arg9[%parallel_loop3A_344, %parallel_loop3A_345] {strides = array<i32>} : memref<32x64xf32, #tpu.memory_space<vmem>>, vector<1x16xf32>,
      %parallel_loop3A_347 = vector.shape_cast %parallel_loop3A_346 : vector<1x16xf32> to vector<16xf32>
      %parallel_loop3A_348 = vector.shape_cast %parallel_loop3A_326 : vector<16xf32> to vector<1x16xf32>
      tpu.vector_store %arg9[%parallel_loop3A_344, %parallel_loop3A_345], %parallel_loop3A_348 {strides = array<i32>} : memref<32x64xf32, #tpu.memory_space<vmem>>, vector<1x16xf32>,
      %parallel_loop3A_349 = arith.index_cast %parallel_loop3A_74 : i32 to index
      %parallel_loop3A_350 = arith.constant 32 : index
      %parallel_loop3A_351 = tpu.vector_load %arg9[%parallel_loop3A_349, %parallel_loop3A_350] {strides = array<i32>} : memref<32x64xf32, #tpu.memory_space<vmem>>, vector<1x16xf32>,
      %parallel_loop3A_352 = vector.shape_cast %parallel_loop3A_351 : vector<1x16xf32> to vector<16xf32>
      %parallel_loop3A_353 = vector.shape_cast %parallel_loop3A_332 : vector<16xf32> to vector<1x16xf32>
      tpu.vector_store %arg9[%parallel_loop3A_349, %parallel_loop3A_350], %parallel_loop3A_353 {strides = array<i32>} : memref<32x64xf32, #tpu.memory_space<vmem>>, vector<1x16xf32>,
      %parallel_loop3A_354 = arith.index_cast %parallel_loop3A_74 : i32 to index
      %parallel_loop3A_355 = arith.constant 48 : index
      %parallel_loop3A_356 = tpu.vector_load %arg9[%parallel_loop3A_354, %parallel_loop3A_355] {strides = array<i32>} : memref<32x64xf32, #tpu.memory_space<vmem>>, vector<1x16xf32>,
      %parallel_loop3A_357 = vector.shape_cast %parallel_loop3A_356 : vector<1x16xf32> to vector<16xf32>
      %parallel_loop3A_358 = vector.shape_cast %parallel_loop3A_338 : vector<16xf32> to vector<1x16xf32>
      tpu.vector_store %arg9[%parallel_loop3A_354, %parallel_loop3A_355], %parallel_loop3A_358 {strides = array<i32>} : memref<32x64xf32, #tpu.memory_space<vmem>>, vector<1x16xf32>,
      %parallel_loop3A_359 = arith.constant 2 : i32
      %parallel_loop3A_360 = arith.muli %parallel_loop3A_63, %parallel_loop3A_359 : i32
      %parallel_loop3A_361 = arith.constant 1 : i32
      %parallel_loop3A_362 = arith.addi %parallel_loop3A_360, %parallel_loop3A_361 : i32
      %parallel_loop3A_363 = arith.constant 0.000000e+00 : f32
      %parallel_loop3A_364 = vector.broadcast %parallel_loop3A_363 : f32 to vector<16xf32>
      %parallel_loop3A_365 = arith.constant 0.000000e+00 : f32
      %parallel_loop3A_366 = vector.broadcast %parallel_loop3A_365 : f32 to vector<16xf32>
      %parallel_loop3A_367 = arith.constant 0.000000e+00 : f32
      %parallel_loop3A_368 = vector.broadcast %parallel_loop3A_367 : f32 to vector<16xf32>
      %parallel_loop3A_369 = arith.constant 0.000000e+00 : f32
      %parallel_loop3A_370 = vector.broadcast %parallel_loop3A_369 : f32 to vector<16xf32>
      %parallel_loop3A_371 = arith.constant 8 : i32
      %parallel_loop3A_372 = arith.muli %parallel_loop3A_362, %parallel_loop3A_371 : i32
      %parallel_loop3A_373 = arith.constant 0 : i32
      %parallel_loop3A_374 = arith.addi %parallel_loop3A_372, %parallel_loop3A_373 : i32
      %parallel_loop3A_375 = arith.constant 8 : i32
      %parallel_loop3A_376 = vector.broadcast %parallel_loop3A_375 : i32 to vector<16x1xi32>
      %parallel_loop3A_377 = vector.shape_cast %parallel_loop3A_376 : vector<16x1xi32> to vector<16xi32>
      %parallel_loop3A_378 = tpu.dynamic_gather %parallel_loop3A_70[%parallel_loop3A_377] in [0] : vector<16xf32>, vector<16xi32> -> vector<16xf32>
      %parallel_loop3A_379 = arith.index_cast %parallel_loop3A_374 : i32 to index
      %parallel_loop3A_380 = arith.constant 0 : index
      %parallel_loop3A_381 = tpu.vector_load %arg8[%parallel_loop3A_379, %parallel_loop3A_380] {strides = array<i32>} : memref<256x64xf32, #tpu.memory_space<vmem>>, vector<1x16xf32>,
      %parallel_loop3A_382 = vector.shape_cast %parallel_loop3A_381 : vector<1x16xf32> to vector<16xf32>
      %parallel_loop3A_383 = arith.mulf %parallel_loop3A_378, %parallel_loop3A_382 : vector<16xf32>
      %parallel_loop3A_384 = arith.addf %parallel_loop3A_364, %parallel_loop3A_383 : vector<16xf32>
      %parallel_loop3A_385 = arith.index_cast %parallel_loop3A_374 : i32 to index
      %parallel_loop3A_386 = arith.constant 16 : index
      %parallel_loop3A_387 = tpu.vector_load %arg8[%parallel_loop3A_385, %parallel_loop3A_386] {strides = array<i32>} : memref<256x64xf32, #tpu.memory_space<vmem>>, vector<1x16xf32>,
      %parallel_loop3A_388 = vector.shape_cast %parallel_loop3A_387 : vector<1x16xf32> to vector<16xf32>
      %parallel_loop3A_389 = arith.mulf %parallel_loop3A_378, %parallel_loop3A_388 : vector<16xf32>
      %parallel_loop3A_390 = arith.addf %parallel_loop3A_366, %parallel_loop3A_389 : vector<16xf32>
      %parallel_loop3A_391 = arith.index_cast %parallel_loop3A_374 : i32 to index
      %parallel_loop3A_392 = arith.constant 32 : index
      %parallel_loop3A_393 = tpu.vector_load %arg8[%parallel_loop3A_391, %parallel_loop3A_392] {strides = array<i32>} : memref<256x64xf32, #tpu.memory_space<vmem>>, vector<1x16xf32>,
      %parallel_loop3A_394 = vector.shape_cast %parallel_loop3A_393 : vector<1x16xf32> to vector<16xf32>
      %parallel_loop3A_395 = arith.mulf %parallel_loop3A_378, %parallel_loop3A_394 : vector<16xf32>
      %parallel_loop3A_396 = arith.addf %parallel_loop3A_368, %parallel_loop3A_395 : vector<16xf32>
      %parallel_loop3A_397 = arith.index_cast %parallel_loop3A_374 : i32 to index
      %parallel_loop3A_398 = arith.constant 48 : index
      %parallel_loop3A_399 = tpu.vector_load %arg8[%parallel_loop3A_397, %parallel_loop3A_398] {strides = array<i32>} : memref<256x64xf32, #tpu.memory_space<vmem>>, vector<1x16xf32>,
      %parallel_loop3A_400 = vector.shape_cast %parallel_loop3A_399 : vector<1x16xf32> to vector<16xf32>
      %parallel_loop3A_401 = arith.mulf %parallel_loop3A_378, %parallel_loop3A_400 : vector<16xf32>
      %parallel_loop3A_402 = arith.addf %parallel_loop3A_370, %parallel_loop3A_401 : vector<16xf32>
      %parallel_loop3A_403 = arith.constant 8 : i32
      %parallel_loop3A_404 = arith.muli %parallel_loop3A_362, %parallel_loop3A_403 : i32
      %parallel_loop3A_405 = arith.constant 1 : i32
      %parallel_loop3A_406 = arith.addi %parallel_loop3A_404, %parallel_loop3A_405 : i32
      %parallel_loop3A_407 = arith.constant 9 : i32
      %parallel_loop3A_408 = vector.broadcast %parallel_loop3A_407 : i32 to vector<16x1xi32>
      %parallel_loop3A_409 = vector.shape_cast %parallel_loop3A_408 : vector<16x1xi32> to vector<16xi32>
      %parallel_loop3A_410 = tpu.dynamic_gather %parallel_loop3A_70[%parallel_loop3A_409] in [0] : vector<16xf32>, vector<16xi32> -> vector<16xf32>
      %parallel_loop3A_411 = arith.index_cast %parallel_loop3A_406 : i32 to index
      %parallel_loop3A_412 = arith.constant 0 : index
      %parallel_loop3A_413 = tpu.vector_load %arg8[%parallel_loop3A_411, %parallel_loop3A_412] {strides = array<i32>} : memref<256x64xf32, #tpu.memory_space<vmem>>, vector<1x16xf32>,
      %parallel_loop3A_414 = vector.shape_cast %parallel_loop3A_413 : vector<1x16xf32> to vector<16xf32>
      %parallel_loop3A_415 = arith.mulf %parallel_loop3A_410, %parallel_loop3A_414 : vector<16xf32>
      %parallel_loop3A_416 = arith.addf %parallel_loop3A_384, %parallel_loop3A_415 : vector<16xf32>
      %parallel_loop3A_417 = arith.index_cast %parallel_loop3A_406 : i32 to index
      %parallel_loop3A_418 = arith.constant 16 : index
      %parallel_loop3A_419 = tpu.vector_load %arg8[%parallel_loop3A_417, %parallel_loop3A_418] {strides = array<i32>} : memref<256x64xf32, #tpu.memory_space<vmem>>, vector<1x16xf32>,
      %parallel_loop3A_420 = vector.shape_cast %parallel_loop3A_419 : vector<1x16xf32> to vector<16xf32>
      %parallel_loop3A_421 = arith.mulf %parallel_loop3A_410, %parallel_loop3A_420 : vector<16xf32>
      %parallel_loop3A_422 = arith.addf %parallel_loop3A_390, %parallel_loop3A_421 : vector<16xf32>
      %parallel_loop3A_423 = arith.index_cast %parallel_loop3A_406 : i32 to index
      %parallel_loop3A_424 = arith.constant 32 : index
      %parallel_loop3A_425 = tpu.vector_load %arg8[%parallel_loop3A_423, %parallel_loop3A_424] {strides = array<i32>} : memref<256x64xf32, #tpu.memory_space<vmem>>, vector<1x16xf32>,
      %parallel_loop3A_426 = vector.shape_cast %parallel_loop3A_425 : vector<1x16xf32> to vector<16xf32>
      %parallel_loop3A_427 = arith.mulf %parallel_loop3A_410, %parallel_loop3A_426 : vector<16xf32>
      %parallel_loop3A_428 = arith.addf %parallel_loop3A_396, %parallel_loop3A_427 : vector<16xf32>
      %parallel_loop3A_429 = arith.index_cast %parallel_loop3A_406 : i32 to index
      %parallel_loop3A_430 = arith.constant 48 : index
      %parallel_loop3A_431 = tpu.vector_load %arg8[%parallel_loop3A_429, %parallel_loop3A_430] {strides = array<i32>} : memref<256x64xf32, #tpu.memory_space<vmem>>, vector<1x16xf32>,
      %parallel_loop3A_432 = vector.shape_cast %parallel_loop3A_431 : vector<1x16xf32> to vector<16xf32>
      %parallel_loop3A_433 = arith.mulf %parallel_loop3A_410, %parallel_loop3A_432 : vector<16xf32>
      %parallel_loop3A_434 = arith.addf %parallel_loop3A_402, %parallel_loop3A_433 : vector<16xf32>
      %parallel_loop3A_435 = arith.constant 8 : i32
      %parallel_loop3A_436 = arith.muli %parallel_loop3A_362, %parallel_loop3A_435 : i32
      %parallel_loop3A_437 = arith.constant 2 : i32
      %parallel_loop3A_438 = arith.addi %parallel_loop3A_436, %parallel_loop3A_437 : i32
      %parallel_loop3A_439 = arith.constant 10 : i32
      %parallel_loop3A_440 = vector.broadcast %parallel_loop3A_439 : i32 to vector<16x1xi32>
      %parallel_loop3A_441 = vector.shape_cast %parallel_loop3A_440 : vector<16x1xi32> to vector<16xi32>
      %parallel_loop3A_442 = tpu.dynamic_gather %parallel_loop3A_70[%parallel_loop3A_441] in [0] : vector<16xf32>, vector<16xi32> -> vector<16xf32>
      %parallel_loop3A_443 = arith.index_cast %parallel_loop3A_438 : i32 to index
      %parallel_loop3A_444 = arith.constant 0 : index
      %parallel_loop3A_445 = tpu.vector_load %arg8[%parallel_loop3A_443, %parallel_loop3A_444] {strides = array<i32>} : memref<256x64xf32, #tpu.memory_space<vmem>>, vector<1x16xf32>,
      %parallel_loop3A_446 = vector.shape_cast %parallel_loop3A_445 : vector<1x16xf32> to vector<16xf32>
      %parallel_loop3A_447 = arith.mulf %parallel_loop3A_442, %parallel_loop3A_446 : vector<16xf32>
      %parallel_loop3A_448 = arith.addf %parallel_loop3A_416, %parallel_loop3A_447 : vector<16xf32>
      %parallel_loop3A_449 = arith.index_cast %parallel_loop3A_438 : i32 to index
      %parallel_loop3A_450 = arith.constant 16 : index
      %parallel_loop3A_451 = tpu.vector_load %arg8[%parallel_loop3A_449, %parallel_loop3A_450] {strides = array<i32>} : memref<256x64xf32, #tpu.memory_space<vmem>>, vector<1x16xf32>,
      %parallel_loop3A_452 = vector.shape_cast %parallel_loop3A_451 : vector<1x16xf32> to vector<16xf32>
      %parallel_loop3A_453 = arith.mulf %parallel_loop3A_442, %parallel_loop3A_452 : vector<16xf32>
      %parallel_loop3A_454 = arith.addf %parallel_loop3A_422, %parallel_loop3A_453 : vector<16xf32>
      %parallel_loop3A_455 = arith.index_cast %parallel_loop3A_438 : i32 to index
      %parallel_loop3A_456 = arith.constant 32 : index
      %parallel_loop3A_457 = tpu.vector_load %arg8[%parallel_loop3A_455, %parallel_loop3A_456] {strides = array<i32>} : memref<256x64xf32, #tpu.memory_space<vmem>>, vector<1x16xf32>,
      %parallel_loop3A_458 = vector.shape_cast %parallel_loop3A_457 : vector<1x16xf32> to vector<16xf32>
      %parallel_loop3A_459 = arith.mulf %parallel_loop3A_442, %parallel_loop3A_458 : vector<16xf32>
      %parallel_loop3A_460 = arith.addf %parallel_loop3A_428, %parallel_loop3A_459 : vector<16xf32>
      %parallel_loop3A_461 = arith.index_cast %parallel_loop3A_438 : i32 to index
      %parallel_loop3A_462 = arith.constant 48 : index
      %parallel_loop3A_463 = tpu.vector_load %arg8[%parallel_loop3A_461, %parallel_loop3A_462] {strides = array<i32>} : memref<256x64xf32, #tpu.memory_space<vmem>>, vector<1x16xf32>,
      %parallel_loop3A_464 = vector.shape_cast %parallel_loop3A_463 : vector<1x16xf32> to vector<16xf32>
      %parallel_loop3A_465 = arith.mulf %parallel_loop3A_442, %parallel_loop3A_464 : vector<16xf32>
      %parallel_loop3A_466 = arith.addf %parallel_loop3A_434, %parallel_loop3A_465 : vector<16xf32>
      %parallel_loop3A_467 = arith.constant 8 : i32
      %parallel_loop3A_468 = arith.muli %parallel_loop3A_362, %parallel_loop3A_467 : i32
      %parallel_loop3A_469 = arith.constant 3 : i32
      %parallel_loop3A_470 = arith.addi %parallel_loop3A_468, %parallel_loop3A_469 : i32
      %parallel_loop3A_471 = arith.constant 11 : i32
      %parallel_loop3A_472 = vector.broadcast %parallel_loop3A_471 : i32 to vector<16x1xi32>
      %parallel_loop3A_473 = vector.shape_cast %parallel_loop3A_472 : vector<16x1xi32> to vector<16xi32>
      %parallel_loop3A_474 = tpu.dynamic_gather %parallel_loop3A_70[%parallel_loop3A_473] in [0] : vector<16xf32>, vector<16xi32> -> vector<16xf32>
      %parallel_loop3A_475 = arith.index_cast %parallel_loop3A_470 : i32 to index
      %parallel_loop3A_476 = arith.constant 0 : index
      %parallel_loop3A_477 = tpu.vector_load %arg8[%parallel_loop3A_475, %parallel_loop3A_476] {strides = array<i32>} : memref<256x64xf32, #tpu.memory_space<vmem>>, vector<1x16xf32>,
      %parallel_loop3A_478 = vector.shape_cast %parallel_loop3A_477 : vector<1x16xf32> to vector<16xf32>
      %parallel_loop3A_479 = arith.mulf %parallel_loop3A_474, %parallel_loop3A_478 : vector<16xf32>
      %parallel_loop3A_480 = arith.addf %parallel_loop3A_448, %parallel_loop3A_479 : vector<16xf32>
      %parallel_loop3A_481 = arith.index_cast %parallel_loop3A_470 : i32 to index
      %parallel_loop3A_482 = arith.constant 16 : index
      %parallel_loop3A_483 = tpu.vector_load %arg8[%parallel_loop3A_481, %parallel_loop3A_482] {strides = array<i32>} : memref<256x64xf32, #tpu.memory_space<vmem>>, vector<1x16xf32>,
      %parallel_loop3A_484 = vector.shape_cast %parallel_loop3A_483 : vector<1x16xf32> to vector<16xf32>
      %parallel_loop3A_485 = arith.mulf %parallel_loop3A_474, %parallel_loop3A_484 : vector<16xf32>
      %parallel_loop3A_486 = arith.addf %parallel_loop3A_454, %parallel_loop3A_485 : vector<16xf32>
      %parallel_loop3A_487 = arith.index_cast %parallel_loop3A_470 : i32 to index
      %parallel_loop3A_488 = arith.constant 32 : index
      %parallel_loop3A_489 = tpu.vector_load %arg8[%parallel_loop3A_487, %parallel_loop3A_488] {strides = array<i32>} : memref<256x64xf32, #tpu.memory_space<vmem>>, vector<1x16xf32>,
      %parallel_loop3A_490 = vector.shape_cast %parallel_loop3A_489 : vector<1x16xf32> to vector<16xf32>
      %parallel_loop3A_491 = arith.mulf %parallel_loop3A_474, %parallel_loop3A_490 : vector<16xf32>
      %parallel_loop3A_492 = arith.addf %parallel_loop3A_460, %parallel_loop3A_491 : vector<16xf32>
      %parallel_loop3A_493 = arith.index_cast %parallel_loop3A_470 : i32 to index
      %parallel_loop3A_494 = arith.constant 48 : index
      %parallel_loop3A_495 = tpu.vector_load %arg8[%parallel_loop3A_493, %parallel_loop3A_494] {strides = array<i32>} : memref<256x64xf32, #tpu.memory_space<vmem>>, vector<1x16xf32>,
      %parallel_loop3A_496 = vector.shape_cast %parallel_loop3A_495 : vector<1x16xf32> to vector<16xf32>
      %parallel_loop3A_497 = arith.mulf %parallel_loop3A_474, %parallel_loop3A_496 : vector<16xf32>
      %parallel_loop3A_498 = arith.addf %parallel_loop3A_466, %parallel_loop3A_497 : vector<16xf32>
      %parallel_loop3A_499 = arith.constant 8 : i32
      %parallel_loop3A_500 = arith.muli %parallel_loop3A_362, %parallel_loop3A_499 : i32
      %parallel_loop3A_501 = arith.constant 4 : i32
      %parallel_loop3A_502 = arith.addi %parallel_loop3A_500, %parallel_loop3A_501 : i32
      %parallel_loop3A_503 = arith.constant 12 : i32
      %parallel_loop3A_504 = vector.broadcast %parallel_loop3A_503 : i32 to vector<16x1xi32>
      %parallel_loop3A_505 = vector.shape_cast %parallel_loop3A_504 : vector<16x1xi32> to vector<16xi32>
      %parallel_loop3A_506 = tpu.dynamic_gather %parallel_loop3A_70[%parallel_loop3A_505] in [0] : vector<16xf32>, vector<16xi32> -> vector<16xf32>
      %parallel_loop3A_507 = arith.index_cast %parallel_loop3A_502 : i32 to index
      %parallel_loop3A_508 = arith.constant 0 : index
      %parallel_loop3A_509 = tpu.vector_load %arg8[%parallel_loop3A_507, %parallel_loop3A_508] {strides = array<i32>} : memref<256x64xf32, #tpu.memory_space<vmem>>, vector<1x16xf32>,
      %parallel_loop3A_510 = vector.shape_cast %parallel_loop3A_509 : vector<1x16xf32> to vector<16xf32>
      %parallel_loop3A_511 = arith.mulf %parallel_loop3A_506, %parallel_loop3A_510 : vector<16xf32>
      %parallel_loop3A_512 = arith.addf %parallel_loop3A_480, %parallel_loop3A_511 : vector<16xf32>
      %parallel_loop3A_513 = arith.index_cast %parallel_loop3A_502 : i32 to index
      %parallel_loop3A_514 = arith.constant 16 : index
      %parallel_loop3A_515 = tpu.vector_load %arg8[%parallel_loop3A_513, %parallel_loop3A_514] {strides = array<i32>} : memref<256x64xf32, #tpu.memory_space<vmem>>, vector<1x16xf32>,
      %parallel_loop3A_516 = vector.shape_cast %parallel_loop3A_515 : vector<1x16xf32> to vector<16xf32>
      %parallel_loop3A_517 = arith.mulf %parallel_loop3A_506, %parallel_loop3A_516 : vector<16xf32>
      %parallel_loop3A_518 = arith.addf %parallel_loop3A_486, %parallel_loop3A_517 : vector<16xf32>
      %parallel_loop3A_519 = arith.index_cast %parallel_loop3A_502 : i32 to index
      %parallel_loop3A_520 = arith.constant 32 : index
      %parallel_loop3A_521 = tpu.vector_load %arg8[%parallel_loop3A_519, %parallel_loop3A_520] {strides = array<i32>} : memref<256x64xf32, #tpu.memory_space<vmem>>, vector<1x16xf32>,
      %parallel_loop3A_522 = vector.shape_cast %parallel_loop3A_521 : vector<1x16xf32> to vector<16xf32>
      %parallel_loop3A_523 = arith.mulf %parallel_loop3A_506, %parallel_loop3A_522 : vector<16xf32>
      %parallel_loop3A_524 = arith.addf %parallel_loop3A_492, %parallel_loop3A_523 : vector<16xf32>
      %parallel_loop3A_525 = arith.index_cast %parallel_loop3A_502 : i32 to index
      %parallel_loop3A_526 = arith.constant 48 : index
      %parallel_loop3A_527 = tpu.vector_load %arg8[%parallel_loop3A_525, %parallel_loop3A_526] {strides = array<i32>} : memref<256x64xf32, #tpu.memory_space<vmem>>, vector<1x16xf32>,
      %parallel_loop3A_528 = vector.shape_cast %parallel_loop3A_527 : vector<1x16xf32> to vector<16xf32>
      %parallel_loop3A_529 = arith.mulf %parallel_loop3A_506, %parallel_loop3A_528 : vector<16xf32>
      %parallel_loop3A_530 = arith.addf %parallel_loop3A_498, %parallel_loop3A_529 : vector<16xf32>
      %parallel_loop3A_531 = arith.constant 8 : i32
      %parallel_loop3A_532 = arith.muli %parallel_loop3A_362, %parallel_loop3A_531 : i32
      %parallel_loop3A_533 = arith.constant 5 : i32
      %parallel_loop3A_534 = arith.addi %parallel_loop3A_532, %parallel_loop3A_533 : i32
      %parallel_loop3A_535 = arith.constant 13 : i32
      %parallel_loop3A_536 = vector.broadcast %parallel_loop3A_535 : i32 to vector<16x1xi32>
      %parallel_loop3A_537 = vector.shape_cast %parallel_loop3A_536 : vector<16x1xi32> to vector<16xi32>
      %parallel_loop3A_538 = tpu.dynamic_gather %parallel_loop3A_70[%parallel_loop3A_537] in [0] : vector<16xf32>, vector<16xi32> -> vector<16xf32>
      %parallel_loop3A_539 = arith.index_cast %parallel_loop3A_534 : i32 to index
      %parallel_loop3A_540 = arith.constant 0 : index
      %parallel_loop3A_541 = tpu.vector_load %arg8[%parallel_loop3A_539, %parallel_loop3A_540] {strides = array<i32>} : memref<256x64xf32, #tpu.memory_space<vmem>>, vector<1x16xf32>,
      %parallel_loop3A_542 = vector.shape_cast %parallel_loop3A_541 : vector<1x16xf32> to vector<16xf32>
      %parallel_loop3A_543 = arith.mulf %parallel_loop3A_538, %parallel_loop3A_542 : vector<16xf32>
      %parallel_loop3A_544 = arith.addf %parallel_loop3A_512, %parallel_loop3A_543 : vector<16xf32>
      %parallel_loop3A_545 = arith.index_cast %parallel_loop3A_534 : i32 to index
      %parallel_loop3A_546 = arith.constant 16 : index
      %parallel_loop3A_547 = tpu.vector_load %arg8[%parallel_loop3A_545, %parallel_loop3A_546] {strides = array<i32>} : memref<256x64xf32, #tpu.memory_space<vmem>>, vector<1x16xf32>,
      %parallel_loop3A_548 = vector.shape_cast %parallel_loop3A_547 : vector<1x16xf32> to vector<16xf32>
      %parallel_loop3A_549 = arith.mulf %parallel_loop3A_538, %parallel_loop3A_548 : vector<16xf32>
      %parallel_loop3A_550 = arith.addf %parallel_loop3A_518, %parallel_loop3A_549 : vector<16xf32>
      %parallel_loop3A_551 = arith.index_cast %parallel_loop3A_534 : i32 to index
      %parallel_loop3A_552 = arith.constant 32 : index
      %parallel_loop3A_553 = tpu.vector_load %arg8[%parallel_loop3A_551, %parallel_loop3A_552] {strides = array<i32>} : memref<256x64xf32, #tpu.memory_space<vmem>>, vector<1x16xf32>,
      %parallel_loop3A_554 = vector.shape_cast %parallel_loop3A_553 : vector<1x16xf32> to vector<16xf32>
      %parallel_loop3A_555 = arith.mulf %parallel_loop3A_538, %parallel_loop3A_554 : vector<16xf32>
      %parallel_loop3A_556 = arith.addf %parallel_loop3A_524, %parallel_loop3A_555 : vector<16xf32>
      %parallel_loop3A_557 = arith.index_cast %parallel_loop3A_534 : i32 to index
      %parallel_loop3A_558 = arith.constant 48 : index
      %parallel_loop3A_559 = tpu.vector_load %arg8[%parallel_loop3A_557, %parallel_loop3A_558] {strides = array<i32>} : memref<256x64xf32, #tpu.memory_space<vmem>>, vector<1x16xf32>,
      %parallel_loop3A_560 = vector.shape_cast %parallel_loop3A_559 : vector<1x16xf32> to vector<16xf32>
      %parallel_loop3A_561 = arith.mulf %parallel_loop3A_538, %parallel_loop3A_560 : vector<16xf32>
      %parallel_loop3A_562 = arith.addf %parallel_loop3A_530, %parallel_loop3A_561 : vector<16xf32>
      %parallel_loop3A_563 = arith.constant 8 : i32
      %parallel_loop3A_564 = arith.muli %parallel_loop3A_362, %parallel_loop3A_563 : i32
      %parallel_loop3A_565 = arith.constant 6 : i32
      %parallel_loop3A_566 = arith.addi %parallel_loop3A_564, %parallel_loop3A_565 : i32
      %parallel_loop3A_567 = arith.constant 14 : i32
      %parallel_loop3A_568 = vector.broadcast %parallel_loop3A_567 : i32 to vector<16x1xi32>
      %parallel_loop3A_569 = vector.shape_cast %parallel_loop3A_568 : vector<16x1xi32> to vector<16xi32>
      %parallel_loop3A_570 = tpu.dynamic_gather %parallel_loop3A_70[%parallel_loop3A_569] in [0] : vector<16xf32>, vector<16xi32> -> vector<16xf32>
      %parallel_loop3A_571 = arith.index_cast %parallel_loop3A_566 : i32 to index
      %parallel_loop3A_572 = arith.constant 0 : index
      %parallel_loop3A_573 = tpu.vector_load %arg8[%parallel_loop3A_571, %parallel_loop3A_572] {strides = array<i32>} : memref<256x64xf32, #tpu.memory_space<vmem>>, vector<1x16xf32>,
      %parallel_loop3A_574 = vector.shape_cast %parallel_loop3A_573 : vector<1x16xf32> to vector<16xf32>
      %parallel_loop3A_575 = arith.mulf %parallel_loop3A_570, %parallel_loop3A_574 : vector<16xf32>
      %parallel_loop3A_576 = arith.addf %parallel_loop3A_544, %parallel_loop3A_575 : vector<16xf32>
      %parallel_loop3A_577 = arith.index_cast %parallel_loop3A_566 : i32 to index
      %parallel_loop3A_578 = arith.constant 16 : index
      %parallel_loop3A_579 = tpu.vector_load %arg8[%parallel_loop3A_577, %parallel_loop3A_578] {strides = array<i32>} : memref<256x64xf32, #tpu.memory_space<vmem>>, vector<1x16xf32>,
      %parallel_loop3A_580 = vector.shape_cast %parallel_loop3A_579 : vector<1x16xf32> to vector<16xf32>
      %parallel_loop3A_581 = arith.mulf %parallel_loop3A_570, %parallel_loop3A_580 : vector<16xf32>
      %parallel_loop3A_582 = arith.addf %parallel_loop3A_550, %parallel_loop3A_581 : vector<16xf32>
      %parallel_loop3A_583 = arith.index_cast %parallel_loop3A_566 : i32 to index
      %parallel_loop3A_584 = arith.constant 32 : index
      %parallel_loop3A_585 = tpu.vector_load %arg8[%parallel_loop3A_583, %parallel_loop3A_584] {strides = array<i32>} : memref<256x64xf32, #tpu.memory_space<vmem>>, vector<1x16xf32>,
      %parallel_loop3A_586 = vector.shape_cast %parallel_loop3A_585 : vector<1x16xf32> to vector<16xf32>
      %parallel_loop3A_587 = arith.mulf %parallel_loop3A_570, %parallel_loop3A_586 : vector<16xf32>
      %parallel_loop3A_588 = arith.addf %parallel_loop3A_556, %parallel_loop3A_587 : vector<16xf32>
      %parallel_loop3A_589 = arith.index_cast %parallel_loop3A_566 : i32 to index
      %parallel_loop3A_590 = arith.constant 48 : index
      %parallel_loop3A_591 = tpu.vector_load %arg8[%parallel_loop3A_589, %parallel_loop3A_590] {strides = array<i32>} : memref<256x64xf32, #tpu.memory_space<vmem>>, vector<1x16xf32>,
      %parallel_loop3A_592 = vector.shape_cast %parallel_loop3A_591 : vector<1x16xf32> to vector<16xf32>
      %parallel_loop3A_593 = arith.mulf %parallel_loop3A_570, %parallel_loop3A_592 : vector<16xf32>
      %parallel_loop3A_594 = arith.addf %parallel_loop3A_562, %parallel_loop3A_593 : vector<16xf32>
      %parallel_loop3A_595 = arith.constant 8 : i32
      %parallel_loop3A_596 = arith.muli %parallel_loop3A_362, %parallel_loop3A_595 : i32
      %parallel_loop3A_597 = arith.constant 7 : i32
      %parallel_loop3A_598 = arith.addi %parallel_loop3A_596, %parallel_loop3A_597 : i32
      %parallel_loop3A_599 = arith.constant 15 : i32
      %parallel_loop3A_600 = vector.broadcast %parallel_loop3A_599 : i32 to vector<16x1xi32>
      %parallel_loop3A_601 = vector.shape_cast %parallel_loop3A_600 : vector<16x1xi32> to vector<16xi32>
      %parallel_loop3A_602 = tpu.dynamic_gather %parallel_loop3A_70[%parallel_loop3A_601] in [0] : vector<16xf32>, vector<16xi32> -> vector<16xf32>
      %parallel_loop3A_603 = arith.index_cast %parallel_loop3A_598 : i32 to index
      %parallel_loop3A_604 = arith.constant 0 : index
      %parallel_loop3A_605 = tpu.vector_load %arg8[%parallel_loop3A_603, %parallel_loop3A_604] {strides = array<i32>} : memref<256x64xf32, #tpu.memory_space<vmem>>, vector<1x16xf32>,
      %parallel_loop3A_606 = vector.shape_cast %parallel_loop3A_605 : vector<1x16xf32> to vector<16xf32>
      %parallel_loop3A_607 = arith.mulf %parallel_loop3A_602, %parallel_loop3A_606 : vector<16xf32>
      %parallel_loop3A_608 = arith.addf %parallel_loop3A_576, %parallel_loop3A_607 : vector<16xf32>
      %parallel_loop3A_609 = arith.index_cast %parallel_loop3A_598 : i32 to index
      %parallel_loop3A_610 = arith.constant 16 : index
      %parallel_loop3A_611 = tpu.vector_load %arg8[%parallel_loop3A_609, %parallel_loop3A_610] {strides = array<i32>} : memref<256x64xf32, #tpu.memory_space<vmem>>, vector<1x16xf32>,
      %parallel_loop3A_612 = vector.shape_cast %parallel_loop3A_611 : vector<1x16xf32> to vector<16xf32>
      %parallel_loop3A_613 = arith.mulf %parallel_loop3A_602, %parallel_loop3A_612 : vector<16xf32>
      %parallel_loop3A_614 = arith.addf %parallel_loop3A_582, %parallel_loop3A_613 : vector<16xf32>
      %parallel_loop3A_615 = arith.index_cast %parallel_loop3A_598 : i32 to index
      %parallel_loop3A_616 = arith.constant 32 : index
      %parallel_loop3A_617 = tpu.vector_load %arg8[%parallel_loop3A_615, %parallel_loop3A_616] {strides = array<i32>} : memref<256x64xf32, #tpu.memory_space<vmem>>, vector<1x16xf32>,
      %parallel_loop3A_618 = vector.shape_cast %parallel_loop3A_617 : vector<1x16xf32> to vector<16xf32>
      %parallel_loop3A_619 = arith.mulf %parallel_loop3A_602, %parallel_loop3A_618 : vector<16xf32>
      %parallel_loop3A_620 = arith.addf %parallel_loop3A_588, %parallel_loop3A_619 : vector<16xf32>
      %parallel_loop3A_621 = arith.index_cast %parallel_loop3A_598 : i32 to index
      %parallel_loop3A_622 = arith.constant 48 : index
      %parallel_loop3A_623 = tpu.vector_load %arg8[%parallel_loop3A_621, %parallel_loop3A_622] {strides = array<i32>} : memref<256x64xf32, #tpu.memory_space<vmem>>, vector<1x16xf32>,
      %parallel_loop3A_624 = vector.shape_cast %parallel_loop3A_623 : vector<1x16xf32> to vector<16xf32>
      %parallel_loop3A_625 = arith.mulf %parallel_loop3A_602, %parallel_loop3A_624 : vector<16xf32>
      %parallel_loop3A_626 = arith.addf %parallel_loop3A_594, %parallel_loop3A_625 : vector<16xf32>
      %parallel_loop3A_627 = arith.index_cast %parallel_loop3A_362 : i32 to index
      %parallel_loop3A_628 = arith.constant 0 : index
      %parallel_loop3A_629 = tpu.vector_load %arg9[%parallel_loop3A_627, %parallel_loop3A_628] {strides = array<i32>} : memref<32x64xf32, #tpu.memory_space<vmem>>, vector<1x16xf32>,
      %parallel_loop3A_630 = vector.shape_cast %parallel_loop3A_629 : vector<1x16xf32> to vector<16xf32>
      %parallel_loop3A_631 = vector.shape_cast %parallel_loop3A_608 : vector<16xf32> to vector<1x16xf32>
      tpu.vector_store %arg9[%parallel_loop3A_627, %parallel_loop3A_628], %parallel_loop3A_631 {strides = array<i32>} : memref<32x64xf32, #tpu.memory_space<vmem>>, vector<1x16xf32>,
      %parallel_loop3A_632 = arith.index_cast %parallel_loop3A_362 : i32 to index
      %parallel_loop3A_633 = arith.constant 16 : index
      %parallel_loop3A_634 = tpu.vector_load %arg9[%parallel_loop3A_632, %parallel_loop3A_633] {strides = array<i32>} : memref<32x64xf32, #tpu.memory_space<vmem>>, vector<1x16xf32>,
      %parallel_loop3A_635 = vector.shape_cast %parallel_loop3A_634 : vector<1x16xf32> to vector<16xf32>
      %parallel_loop3A_636 = vector.shape_cast %parallel_loop3A_614 : vector<16xf32> to vector<1x16xf32>
      tpu.vector_store %arg9[%parallel_loop3A_632, %parallel_loop3A_633], %parallel_loop3A_636 {strides = array<i32>} : memref<32x64xf32, #tpu.memory_space<vmem>>, vector<1x16xf32>,
      %parallel_loop3A_637 = arith.index_cast %parallel_loop3A_362 : i32 to index
      %parallel_loop3A_638 = arith.constant 32 : index
      %parallel_loop3A_639 = tpu.vector_load %arg9[%parallel_loop3A_637, %parallel_loop3A_638] {strides = array<i32>} : memref<32x64xf32, #tpu.memory_space<vmem>>, vector<1x16xf32>,
      %parallel_loop3A_640 = vector.shape_cast %parallel_loop3A_639 : vector<1x16xf32> to vector<16xf32>
      %parallel_loop3A_641 = vector.shape_cast %parallel_loop3A_620 : vector<16xf32> to vector<1x16xf32>
      tpu.vector_store %arg9[%parallel_loop3A_637, %parallel_loop3A_638], %parallel_loop3A_641 {strides = array<i32>} : memref<32x64xf32, #tpu.memory_space<vmem>>, vector<1x16xf32>,
      %parallel_loop3A_642 = arith.index_cast %parallel_loop3A_362 : i32 to index
      %parallel_loop3A_643 = arith.constant 48 : index
      %parallel_loop3A_644 = tpu.vector_load %arg9[%parallel_loop3A_642, %parallel_loop3A_643] {strides = array<i32>} : memref<32x64xf32, #tpu.memory_space<vmem>>, vector<1x16xf32>,
      %parallel_loop3A_645 = vector.shape_cast %parallel_loop3A_644 : vector<1x16xf32> to vector<16xf32>
      %parallel_loop3A_646 = vector.shape_cast %parallel_loop3A_626 : vector<16xf32> to vector<1x16xf32>
      tpu.vector_store %arg9[%parallel_loop3A_642, %parallel_loop3A_643], %parallel_loop3A_646 {strides = array<i32>} : memref<32x64xf32, #tpu.memory_space<vmem>>, vector<1x16xf32>,
    } {sc.loop_unroll_factor = 2 : i64, sc.parallel_access}
    %dma_wait3A_34 = arith.constant 1 : i32
    %dma_wait3A_35 = arith.constant 128 : i32
    %dma_wait3A_36 = arith.constant 0 : i32
    %dma_wait3A_37 = tpu.memref_slice %arg8[%dma_wait3A_35, %dma_wait3A_36] : memref<256x64xf32, #tpu.memory_space<vmem>> -> memref<128x64xf32, #tpu.memory_space<vmem>>
    %dma_wait3A_38 = arith.constant 0 : i32
    %dma_wait3A_39 = tpu.memref_slice %arg6[%dma_wait3A_34, %dma_wait3A_38] : memref<2x128xi32, #tpu.memory_space<vmem>> -> memref<1x128xi32, #tpu.memory_space<vmem>>
    %dma_wait3A_40 = tpu.memref_squeeze %dma_wait3A_39 : memref<1x128xi32, #tpu.memory_space<vmem>> -> memref<128xi32, #tpu.memory_space<vmem>>
    %dma_wait3A_41 = arith.constant 0 : i32
    %dma_wait3A_42 = arith.constant 0 : i32
    %dma_wait3A_43 = tpu.memref_slice %arg2[%dma_wait3A_41, %dma_wait3A_42] : memref<2048x64xf32, #tpu.memory_space<hbm>> -> memref<2048x64xf32, #tpu.memory_space<hbm>>
    tpu.wait_indirect_dma semaphore(%arg11 : memref<!tpu.dma_semaphore, #tpu.memory_space<semaphore_mem>>) src(%dma_wait3A_43 : memref<2048x64xf32, #tpu.memory_space<hbm>>) dst(%dma_wait3A_37 : memref<128x64xf32, #tpu.memory_space<vmem>>)
    %parallel_loop3A_44 = arith.constant 8 : i32
    %parallel_loop3A_45 = arith.constant 16 : i32
    %parallel_loop3A_46 = arith.constant 1 : i32
    scf.for %parallel_loop3A_63 = %parallel_loop3A_44 to %parallel_loop3A_45 step %parallel_loop3A_46  : i32 {
      %parallel_loop3A_64 = arith.constant 2 : i32
      %parallel_loop3A_65 = arith.muli %parallel_loop3A_63, %parallel_loop3A_64 : i32
      %parallel_loop3A_66 = arith.constant 8 : i32
      %parallel_loop3A_67 = arith.muli %parallel_loop3A_65, %parallel_loop3A_66 : i32
      %parallel_loop3A_68 = arith.index_cast %parallel_loop3A_67 : i32 to index
      %parallel_loop3A_69 = tpu.vector_load %arg7[%parallel_loop3A_68] {strides = array<i32>} : memref<256xf32, #tpu.memory_space<vmem>>, vector<16xf32>,
      %parallel_loop3A_70 = vector.shape_cast %parallel_loop3A_69 : vector<16xf32> to vector<16xf32>
      %parallel_loop3A_71 = arith.constant 2 : i32
      %parallel_loop3A_72 = arith.muli %parallel_loop3A_63, %parallel_loop3A_71 : i32
      %parallel_loop3A_73 = arith.constant 0 : i32
      %parallel_loop3A_74 = arith.addi %parallel_loop3A_72, %parallel_loop3A_73 : i32
      %parallel_loop3A_75 = arith.constant 0.000000e+00 : f32
      %parallel_loop3A_76 = vector.broadcast %parallel_loop3A_75 : f32 to vector<16xf32>
      %parallel_loop3A_77 = arith.constant 0.000000e+00 : f32
      %parallel_loop3A_78 = vector.broadcast %parallel_loop3A_77 : f32 to vector<16xf32>
      %parallel_loop3A_79 = arith.constant 0.000000e+00 : f32
      %parallel_loop3A_80 = vector.broadcast %parallel_loop3A_79 : f32 to vector<16xf32>
      %parallel_loop3A_81 = arith.constant 0.000000e+00 : f32
      %parallel_loop3A_82 = vector.broadcast %parallel_loop3A_81 : f32 to vector<16xf32>
      %parallel_loop3A_83 = arith.constant 8 : i32
      %parallel_loop3A_84 = arith.muli %parallel_loop3A_74, %parallel_loop3A_83 : i32
      %parallel_loop3A_85 = arith.constant 0 : i32
      %parallel_loop3A_86 = arith.addi %parallel_loop3A_84, %parallel_loop3A_85 : i32
      %parallel_loop3A_87 = arith.constant 0 : i32
      %parallel_loop3A_88 = vector.broadcast %parallel_loop3A_87 : i32 to vector<16x1xi32>
      %parallel_loop3A_89 = vector.shape_cast %parallel_loop3A_88 : vector<16x1xi32> to vector<16xi32>
      %parallel_loop3A_90 = tpu.dynamic_gather %parallel_loop3A_70[%parallel_loop3A_89] in [0] : vector<16xf32>, vector<16xi32> -> vector<16xf32>
      %parallel_loop3A_91 = arith.index_cast %parallel_loop3A_86 : i32 to index
      %parallel_loop3A_92 = arith.constant 0 : index
      %parallel_loop3A_93 = tpu.vector_load %arg8[%parallel_loop3A_91, %parallel_loop3A_92] {strides = array<i32>} : memref<256x64xf32, #tpu.memory_space<vmem>>, vector<1x16xf32>,
      %parallel_loop3A_94 = vector.shape_cast %parallel_loop3A_93 : vector<1x16xf32> to vector<16xf32>
      %parallel_loop3A_95 = arith.mulf %parallel_loop3A_90, %parallel_loop3A_94 : vector<16xf32>
      %parallel_loop3A_96 = arith.addf %parallel_loop3A_76, %parallel_loop3A_95 : vector<16xf32>
      %parallel_loop3A_97 = arith.index_cast %parallel_loop3A_86 : i32 to index
      %parallel_loop3A_98 = arith.constant 16 : index
      %parallel_loop3A_99 = tpu.vector_load %arg8[%parallel_loop3A_97, %parallel_loop3A_98] {strides = array<i32>} : memref<256x64xf32, #tpu.memory_space<vmem>>, vector<1x16xf32>,
      %parallel_loop3A_100 = vector.shape_cast %parallel_loop3A_99 : vector<1x16xf32> to vector<16xf32>
      %parallel_loop3A_101 = arith.mulf %parallel_loop3A_90, %parallel_loop3A_100 : vector<16xf32>
      %parallel_loop3A_102 = arith.addf %parallel_loop3A_78, %parallel_loop3A_101 : vector<16xf32>
      %parallel_loop3A_103 = arith.index_cast %parallel_loop3A_86 : i32 to index
      %parallel_loop3A_104 = arith.constant 32 : index
      %parallel_loop3A_105 = tpu.vector_load %arg8[%parallel_loop3A_103, %parallel_loop3A_104] {strides = array<i32>} : memref<256x64xf32, #tpu.memory_space<vmem>>, vector<1x16xf32>,
      %parallel_loop3A_106 = vector.shape_cast %parallel_loop3A_105 : vector<1x16xf32> to vector<16xf32>
      %parallel_loop3A_107 = arith.mulf %parallel_loop3A_90, %parallel_loop3A_106 : vector<16xf32>
      %parallel_loop3A_108 = arith.addf %parallel_loop3A_80, %parallel_loop3A_107 : vector<16xf32>
      %parallel_loop3A_109 = arith.index_cast %parallel_loop3A_86 : i32 to index
      %parallel_loop3A_110 = arith.constant 48 : index
      %parallel_loop3A_111 = tpu.vector_load %arg8[%parallel_loop3A_109, %parallel_loop3A_110] {strides = array<i32>} : memref<256x64xf32, #tpu.memory_space<vmem>>, vector<1x16xf32>,
      %parallel_loop3A_112 = vector.shape_cast %parallel_loop3A_111 : vector<1x16xf32> to vector<16xf32>
      %parallel_loop3A_113 = arith.mulf %parallel_loop3A_90, %parallel_loop3A_112 : vector<16xf32>
      %parallel_loop3A_114 = arith.addf %parallel_loop3A_82, %parallel_loop3A_113 : vector<16xf32>
      %parallel_loop3A_115 = arith.constant 8 : i32
      %parallel_loop3A_116 = arith.muli %parallel_loop3A_74, %parallel_loop3A_115 : i32
      %parallel_loop3A_117 = arith.constant 1 : i32
      %parallel_loop3A_118 = arith.addi %parallel_loop3A_116, %parallel_loop3A_117 : i32
      %parallel_loop3A_119 = arith.constant 1 : i32
      %parallel_loop3A_120 = vector.broadcast %parallel_loop3A_119 : i32 to vector<16x1xi32>
      %parallel_loop3A_121 = vector.shape_cast %parallel_loop3A_120 : vector<16x1xi32> to vector<16xi32>
      %parallel_loop3A_122 = tpu.dynamic_gather %parallel_loop3A_70[%parallel_loop3A_121] in [0] : vector<16xf32>, vector<16xi32> -> vector<16xf32>
      %parallel_loop3A_123 = arith.index_cast %parallel_loop3A_118 : i32 to index
      %parallel_loop3A_124 = arith.constant 0 : index
      %parallel_loop3A_125 = tpu.vector_load %arg8[%parallel_loop3A_123, %parallel_loop3A_124] {strides = array<i32>} : memref<256x64xf32, #tpu.memory_space<vmem>>, vector<1x16xf32>,
      %parallel_loop3A_126 = vector.shape_cast %parallel_loop3A_125 : vector<1x16xf32> to vector<16xf32>
      %parallel_loop3A_127 = arith.mulf %parallel_loop3A_122, %parallel_loop3A_126 : vector<16xf32>
      %parallel_loop3A_128 = arith.addf %parallel_loop3A_96, %parallel_loop3A_127 : vector<16xf32>
      %parallel_loop3A_129 = arith.index_cast %parallel_loop3A_118 : i32 to index
      %parallel_loop3A_130 = arith.constant 16 : index
      %parallel_loop3A_131 = tpu.vector_load %arg8[%parallel_loop3A_129, %parallel_loop3A_130] {strides = array<i32>} : memref<256x64xf32, #tpu.memory_space<vmem>>, vector<1x16xf32>,
      %parallel_loop3A_132 = vector.shape_cast %parallel_loop3A_131 : vector<1x16xf32> to vector<16xf32>
      %parallel_loop3A_133 = arith.mulf %parallel_loop3A_122, %parallel_loop3A_132 : vector<16xf32>
      %parallel_loop3A_134 = arith.addf %parallel_loop3A_102, %parallel_loop3A_133 : vector<16xf32>
      %parallel_loop3A_135 = arith.index_cast %parallel_loop3A_118 : i32 to index
      %parallel_loop3A_136 = arith.constant 32 : index
      %parallel_loop3A_137 = tpu.vector_load %arg8[%parallel_loop3A_135, %parallel_loop3A_136] {strides = array<i32>} : memref<256x64xf32, #tpu.memory_space<vmem>>, vector<1x16xf32>,
      %parallel_loop3A_138 = vector.shape_cast %parallel_loop3A_137 : vector<1x16xf32> to vector<16xf32>
      %parallel_loop3A_139 = arith.mulf %parallel_loop3A_122, %parallel_loop3A_138 : vector<16xf32>
      %parallel_loop3A_140 = arith.addf %parallel_loop3A_108, %parallel_loop3A_139 : vector<16xf32>
      %parallel_loop3A_141 = arith.index_cast %parallel_loop3A_118 : i32 to index
      %parallel_loop3A_142 = arith.constant 48 : index
      %parallel_loop3A_143 = tpu.vector_load %arg8[%parallel_loop3A_141, %parallel_loop3A_142] {strides = array<i32>} : memref<256x64xf32, #tpu.memory_space<vmem>>, vector<1x16xf32>,
      %parallel_loop3A_144 = vector.shape_cast %parallel_loop3A_143 : vector<1x16xf32> to vector<16xf32>
      %parallel_loop3A_145 = arith.mulf %parallel_loop3A_122, %parallel_loop3A_144 : vector<16xf32>
      %parallel_loop3A_146 = arith.addf %parallel_loop3A_114, %parallel_loop3A_145 : vector<16xf32>
      %parallel_loop3A_147 = arith.constant 8 : i32
      %parallel_loop3A_148 = arith.muli %parallel_loop3A_74, %parallel_loop3A_147 : i32
      %parallel_loop3A_149 = arith.constant 2 : i32
      %parallel_loop3A_150 = arith.addi %parallel_loop3A_148, %parallel_loop3A_149 : i32
      %parallel_loop3A_151 = arith.constant 2 : i32
      %parallel_loop3A_152 = vector.broadcast %parallel_loop3A_151 : i32 to vector<16x1xi32>
      %parallel_loop3A_153 = vector.shape_cast %parallel_loop3A_152 : vector<16x1xi32> to vector<16xi32>
      %parallel_loop3A_154 = tpu.dynamic_gather %parallel_loop3A_70[%parallel_loop3A_153] in [0] : vector<16xf32>, vector<16xi32> -> vector<16xf32>
      %parallel_loop3A_155 = arith.index_cast %parallel_loop3A_150 : i32 to index
      %parallel_loop3A_156 = arith.constant 0 : index
      %parallel_loop3A_157 = tpu.vector_load %arg8[%parallel_loop3A_155, %parallel_loop3A_156] {strides = array<i32>} : memref<256x64xf32, #tpu.memory_space<vmem>>, vector<1x16xf32>,
      %parallel_loop3A_158 = vector.shape_cast %parallel_loop3A_157 : vector<1x16xf32> to vector<16xf32>
      %parallel_loop3A_159 = arith.mulf %parallel_loop3A_154, %parallel_loop3A_158 : vector<16xf32>
      %parallel_loop3A_160 = arith.addf %parallel_loop3A_128, %parallel_loop3A_159 : vector<16xf32>
      %parallel_loop3A_161 = arith.index_cast %parallel_loop3A_150 : i32 to index
      %parallel_loop3A_162 = arith.constant 16 : index
      %parallel_loop3A_163 = tpu.vector_load %arg8[%parallel_loop3A_161, %parallel_loop3A_162] {strides = array<i32>} : memref<256x64xf32, #tpu.memory_space<vmem>>, vector<1x16xf32>,
      %parallel_loop3A_164 = vector.shape_cast %parallel_loop3A_163 : vector<1x16xf32> to vector<16xf32>
      %parallel_loop3A_165 = arith.mulf %parallel_loop3A_154, %parallel_loop3A_164 : vector<16xf32>
      %parallel_loop3A_166 = arith.addf %parallel_loop3A_134, %parallel_loop3A_165 : vector<16xf32>
      %parallel_loop3A_167 = arith.index_cast %parallel_loop3A_150 : i32 to index
      %parallel_loop3A_168 = arith.constant 32 : index
      %parallel_loop3A_169 = tpu.vector_load %arg8[%parallel_loop3A_167, %parallel_loop3A_168] {strides = array<i32>} : memref<256x64xf32, #tpu.memory_space<vmem>>, vector<1x16xf32>,
      %parallel_loop3A_170 = vector.shape_cast %parallel_loop3A_169 : vector<1x16xf32> to vector<16xf32>
      %parallel_loop3A_171 = arith.mulf %parallel_loop3A_154, %parallel_loop3A_170 : vector<16xf32>
      %parallel_loop3A_172 = arith.addf %parallel_loop3A_140, %parallel_loop3A_171 : vector<16xf32>
      %parallel_loop3A_173 = arith.index_cast %parallel_loop3A_150 : i32 to index
      %parallel_loop3A_174 = arith.constant 48 : index
      %parallel_loop3A_175 = tpu.vector_load %arg8[%parallel_loop3A_173, %parallel_loop3A_174] {strides = array<i32>} : memref<256x64xf32, #tpu.memory_space<vmem>>, vector<1x16xf32>,
      %parallel_loop3A_176 = vector.shape_cast %parallel_loop3A_175 : vector<1x16xf32> to vector<16xf32>
      %parallel_loop3A_177 = arith.mulf %parallel_loop3A_154, %parallel_loop3A_176 : vector<16xf32>
      %parallel_loop3A_178 = arith.addf %parallel_loop3A_146, %parallel_loop3A_177 : vector<16xf32>
      %parallel_loop3A_179 = arith.constant 8 : i32
      %parallel_loop3A_180 = arith.muli %parallel_loop3A_74, %parallel_loop3A_179 : i32
      %parallel_loop3A_181 = arith.constant 3 : i32
      %parallel_loop3A_182 = arith.addi %parallel_loop3A_180, %parallel_loop3A_181 : i32
      %parallel_loop3A_183 = arith.constant 3 : i32
      %parallel_loop3A_184 = vector.broadcast %parallel_loop3A_183 : i32 to vector<16x1xi32>
      %parallel_loop3A_185 = vector.shape_cast %parallel_loop3A_184 : vector<16x1xi32> to vector<16xi32>
      %parallel_loop3A_186 = tpu.dynamic_gather %parallel_loop3A_70[%parallel_loop3A_185] in [0] : vector<16xf32>, vector<16xi32> -> vector<16xf32>
      %parallel_loop3A_187 = arith.index_cast %parallel_loop3A_182 : i32 to index
      %parallel_loop3A_188 = arith.constant 0 : index
      %parallel_loop3A_189 = tpu.vector_load %arg8[%parallel_loop3A_187, %parallel_loop3A_188] {strides = array<i32>} : memref<256x64xf32, #tpu.memory_space<vmem>>, vector<1x16xf32>,
      %parallel_loop3A_190 = vector.shape_cast %parallel_loop3A_189 : vector<1x16xf32> to vector<16xf32>
      %parallel_loop3A_191 = arith.mulf %parallel_loop3A_186, %parallel_loop3A_190 : vector<16xf32>
      %parallel_loop3A_192 = arith.addf %parallel_loop3A_160, %parallel_loop3A_191 : vector<16xf32>
      %parallel_loop3A_193 = arith.index_cast %parallel_loop3A_182 : i32 to index
      %parallel_loop3A_194 = arith.constant 16 : index
      %parallel_loop3A_195 = tpu.vector_load %arg8[%parallel_loop3A_193, %parallel_loop3A_194] {strides = array<i32>} : memref<256x64xf32, #tpu.memory_space<vmem>>, vector<1x16xf32>,
      %parallel_loop3A_196 = vector.shape_cast %parallel_loop3A_195 : vector<1x16xf32> to vector<16xf32>
      %parallel_loop3A_197 = arith.mulf %parallel_loop3A_186, %parallel_loop3A_196 : vector<16xf32>
      %parallel_loop3A_198 = arith.addf %parallel_loop3A_166, %parallel_loop3A_197 : vector<16xf32>
      %parallel_loop3A_199 = arith.index_cast %parallel_loop3A_182 : i32 to index
      %parallel_loop3A_200 = arith.constant 32 : index
      %parallel_loop3A_201 = tpu.vector_load %arg8[%parallel_loop3A_199, %parallel_loop3A_200] {strides = array<i32>} : memref<256x64xf32, #tpu.memory_space<vmem>>, vector<1x16xf32>,
      %parallel_loop3A_202 = vector.shape_cast %parallel_loop3A_201 : vector<1x16xf32> to vector<16xf32>
      %parallel_loop3A_203 = arith.mulf %parallel_loop3A_186, %parallel_loop3A_202 : vector<16xf32>
      %parallel_loop3A_204 = arith.addf %parallel_loop3A_172, %parallel_loop3A_203 : vector<16xf32>
      %parallel_loop3A_205 = arith.index_cast %parallel_loop3A_182 : i32 to index
      %parallel_loop3A_206 = arith.constant 48 : index
      %parallel_loop3A_207 = tpu.vector_load %arg8[%parallel_loop3A_205, %parallel_loop3A_206] {strides = array<i32>} : memref<256x64xf32, #tpu.memory_space<vmem>>, vector<1x16xf32>,
      %parallel_loop3A_208 = vector.shape_cast %parallel_loop3A_207 : vector<1x16xf32> to vector<16xf32>
      %parallel_loop3A_209 = arith.mulf %parallel_loop3A_186, %parallel_loop3A_208 : vector<16xf32>
      %parallel_loop3A_210 = arith.addf %parallel_loop3A_178, %parallel_loop3A_209 : vector<16xf32>
      %parallel_loop3A_211 = arith.constant 8 : i32
      %parallel_loop3A_212 = arith.muli %parallel_loop3A_74, %parallel_loop3A_211 : i32
      %parallel_loop3A_213 = arith.constant 4 : i32
      %parallel_loop3A_214 = arith.addi %parallel_loop3A_212, %parallel_loop3A_213 : i32
      %parallel_loop3A_215 = arith.constant 4 : i32
      %parallel_loop3A_216 = vector.broadcast %parallel_loop3A_215 : i32 to vector<16x1xi32>
      %parallel_loop3A_217 = vector.shape_cast %parallel_loop3A_216 : vector<16x1xi32> to vector<16xi32>
      %parallel_loop3A_218 = tpu.dynamic_gather %parallel_loop3A_70[%parallel_loop3A_217] in [0] : vector<16xf32>, vector<16xi32> -> vector<16xf32>
      %parallel_loop3A_219 = arith.index_cast %parallel_loop3A_214 : i32 to index
      %parallel_loop3A_220 = arith.constant 0 : index
      %parallel_loop3A_221 = tpu.vector_load %arg8[%parallel_loop3A_219, %parallel_loop3A_220] {strides = array<i32>} : memref<256x64xf32, #tpu.memory_space<vmem>>, vector<1x16xf32>,
      %parallel_loop3A_222 = vector.shape_cast %parallel_loop3A_221 : vector<1x16xf32> to vector<16xf32>
      %parallel_loop3A_223 = arith.mulf %parallel_loop3A_218, %parallel_loop3A_222 : vector<16xf32>
      %parallel_loop3A_224 = arith.addf %parallel_loop3A_192, %parallel_loop3A_223 : vector<16xf32>
      %parallel_loop3A_225 = arith.index_cast %parallel_loop3A_214 : i32 to index
      %parallel_loop3A_226 = arith.constant 16 : index
      %parallel_loop3A_227 = tpu.vector_load %arg8[%parallel_loop3A_225, %parallel_loop3A_226] {strides = array<i32>} : memref<256x64xf32, #tpu.memory_space<vmem>>, vector<1x16xf32>,
      %parallel_loop3A_228 = vector.shape_cast %parallel_loop3A_227 : vector<1x16xf32> to vector<16xf32>
      %parallel_loop3A_229 = arith.mulf %parallel_loop3A_218, %parallel_loop3A_228 : vector<16xf32>
      %parallel_loop3A_230 = arith.addf %parallel_loop3A_198, %parallel_loop3A_229 : vector<16xf32>
      %parallel_loop3A_231 = arith.index_cast %parallel_loop3A_214 : i32 to index
      %parallel_loop3A_232 = arith.constant 32 : index
      %parallel_loop3A_233 = tpu.vector_load %arg8[%parallel_loop3A_231, %parallel_loop3A_232] {strides = array<i32>} : memref<256x64xf32, #tpu.memory_space<vmem>>, vector<1x16xf32>,
      %parallel_loop3A_234 = vector.shape_cast %parallel_loop3A_233 : vector<1x16xf32> to vector<16xf32>
      %parallel_loop3A_235 = arith.mulf %parallel_loop3A_218, %parallel_loop3A_234 : vector<16xf32>
      %parallel_loop3A_236 = arith.addf %parallel_loop3A_204, %parallel_loop3A_235 : vector<16xf32>
      %parallel_loop3A_237 = arith.index_cast %parallel_loop3A_214 : i32 to index
      %parallel_loop3A_238 = arith.constant 48 : index
      %parallel_loop3A_239 = tpu.vector_load %arg8[%parallel_loop3A_237, %parallel_loop3A_238] {strides = array<i32>} : memref<256x64xf32, #tpu.memory_space<vmem>>, vector<1x16xf32>,
      %parallel_loop3A_240 = vector.shape_cast %parallel_loop3A_239 : vector<1x16xf32> to vector<16xf32>
      %parallel_loop3A_241 = arith.mulf %parallel_loop3A_218, %parallel_loop3A_240 : vector<16xf32>
      %parallel_loop3A_242 = arith.addf %parallel_loop3A_210, %parallel_loop3A_241 : vector<16xf32>
      %parallel_loop3A_243 = arith.constant 8 : i32
      %parallel_loop3A_244 = arith.muli %parallel_loop3A_74, %parallel_loop3A_243 : i32
      %parallel_loop3A_245 = arith.constant 5 : i32
      %parallel_loop3A_246 = arith.addi %parallel_loop3A_244, %parallel_loop3A_245 : i32
      %parallel_loop3A_247 = arith.constant 5 : i32
      %parallel_loop3A_248 = vector.broadcast %parallel_loop3A_247 : i32 to vector<16x1xi32>
      %parallel_loop3A_249 = vector.shape_cast %parallel_loop3A_248 : vector<16x1xi32> to vector<16xi32>
      %parallel_loop3A_250 = tpu.dynamic_gather %parallel_loop3A_70[%parallel_loop3A_249] in [0] : vector<16xf32>, vector<16xi32> -> vector<16xf32>
      %parallel_loop3A_251 = arith.index_cast %parallel_loop3A_246 : i32 to index
      %parallel_loop3A_252 = arith.constant 0 : index
      %parallel_loop3A_253 = tpu.vector_load %arg8[%parallel_loop3A_251, %parallel_loop3A_252] {strides = array<i32>} : memref<256x64xf32, #tpu.memory_space<vmem>>, vector<1x16xf32>,
      %parallel_loop3A_254 = vector.shape_cast %parallel_loop3A_253 : vector<1x16xf32> to vector<16xf32>
      %parallel_loop3A_255 = arith.mulf %parallel_loop3A_250, %parallel_loop3A_254 : vector<16xf32>
      %parallel_loop3A_256 = arith.addf %parallel_loop3A_224, %parallel_loop3A_255 : vector<16xf32>
      %parallel_loop3A_257 = arith.index_cast %parallel_loop3A_246 : i32 to index
      %parallel_loop3A_258 = arith.constant 16 : index
      %parallel_loop3A_259 = tpu.vector_load %arg8[%parallel_loop3A_257, %parallel_loop3A_258] {strides = array<i32>} : memref<256x64xf32, #tpu.memory_space<vmem>>, vector<1x16xf32>,
      %parallel_loop3A_260 = vector.shape_cast %parallel_loop3A_259 : vector<1x16xf32> to vector<16xf32>
      %parallel_loop3A_261 = arith.mulf %parallel_loop3A_250, %parallel_loop3A_260 : vector<16xf32>
      %parallel_loop3A_262 = arith.addf %parallel_loop3A_230, %parallel_loop3A_261 : vector<16xf32>
      %parallel_loop3A_263 = arith.index_cast %parallel_loop3A_246 : i32 to index
      %parallel_loop3A_264 = arith.constant 32 : index
      %parallel_loop3A_265 = tpu.vector_load %arg8[%parallel_loop3A_263, %parallel_loop3A_264] {strides = array<i32>} : memref<256x64xf32, #tpu.memory_space<vmem>>, vector<1x16xf32>,
      %parallel_loop3A_266 = vector.shape_cast %parallel_loop3A_265 : vector<1x16xf32> to vector<16xf32>
      %parallel_loop3A_267 = arith.mulf %parallel_loop3A_250, %parallel_loop3A_266 : vector<16xf32>
      %parallel_loop3A_268 = arith.addf %parallel_loop3A_236, %parallel_loop3A_267 : vector<16xf32>
      %parallel_loop3A_269 = arith.index_cast %parallel_loop3A_246 : i32 to index
      %parallel_loop3A_270 = arith.constant 48 : index
      %parallel_loop3A_271 = tpu.vector_load %arg8[%parallel_loop3A_269, %parallel_loop3A_270] {strides = array<i32>} : memref<256x64xf32, #tpu.memory_space<vmem>>, vector<1x16xf32>,
      %parallel_loop3A_272 = vector.shape_cast %parallel_loop3A_271 : vector<1x16xf32> to vector<16xf32>
      %parallel_loop3A_273 = arith.mulf %parallel_loop3A_250, %parallel_loop3A_272 : vector<16xf32>
      %parallel_loop3A_274 = arith.addf %parallel_loop3A_242, %parallel_loop3A_273 : vector<16xf32>
      %parallel_loop3A_275 = arith.constant 8 : i32
      %parallel_loop3A_276 = arith.muli %parallel_loop3A_74, %parallel_loop3A_275 : i32
      %parallel_loop3A_277 = arith.constant 6 : i32
      %parallel_loop3A_278 = arith.addi %parallel_loop3A_276, %parallel_loop3A_277 : i32
      %parallel_loop3A_279 = arith.constant 6 : i32
      %parallel_loop3A_280 = vector.broadcast %parallel_loop3A_279 : i32 to vector<16x1xi32>
      %parallel_loop3A_281 = vector.shape_cast %parallel_loop3A_280 : vector<16x1xi32> to vector<16xi32>
      %parallel_loop3A_282 = tpu.dynamic_gather %parallel_loop3A_70[%parallel_loop3A_281] in [0] : vector<16xf32>, vector<16xi32> -> vector<16xf32>
      %parallel_loop3A_283 = arith.index_cast %parallel_loop3A_278 : i32 to index
      %parallel_loop3A_284 = arith.constant 0 : index
      %parallel_loop3A_285 = tpu.vector_load %arg8[%parallel_loop3A_283, %parallel_loop3A_284] {strides = array<i32>} : memref<256x64xf32, #tpu.memory_space<vmem>>, vector<1x16xf32>,
      %parallel_loop3A_286 = vector.shape_cast %parallel_loop3A_285 : vector<1x16xf32> to vector<16xf32>
      %parallel_loop3A_287 = arith.mulf %parallel_loop3A_282, %parallel_loop3A_286 : vector<16xf32>
      %parallel_loop3A_288 = arith.addf %parallel_loop3A_256, %parallel_loop3A_287 : vector<16xf32>
      %parallel_loop3A_289 = arith.index_cast %parallel_loop3A_278 : i32 to index
      %parallel_loop3A_290 = arith.constant 16 : index
      %parallel_loop3A_291 = tpu.vector_load %arg8[%parallel_loop3A_289, %parallel_loop3A_290] {strides = array<i32>} : memref<256x64xf32, #tpu.memory_space<vmem>>, vector<1x16xf32>,
      %parallel_loop3A_292 = vector.shape_cast %parallel_loop3A_291 : vector<1x16xf32> to vector<16xf32>
      %parallel_loop3A_293 = arith.mulf %parallel_loop3A_282, %parallel_loop3A_292 : vector<16xf32>
      %parallel_loop3A_294 = arith.addf %parallel_loop3A_262, %parallel_loop3A_293 : vector<16xf32>
      %parallel_loop3A_295 = arith.index_cast %parallel_loop3A_278 : i32 to index
      %parallel_loop3A_296 = arith.constant 32 : index
      %parallel_loop3A_297 = tpu.vector_load %arg8[%parallel_loop3A_295, %parallel_loop3A_296] {strides = array<i32>} : memref<256x64xf32, #tpu.memory_space<vmem>>, vector<1x16xf32>,
      %parallel_loop3A_298 = vector.shape_cast %parallel_loop3A_297 : vector<1x16xf32> to vector<16xf32>
      %parallel_loop3A_299 = arith.mulf %parallel_loop3A_282, %parallel_loop3A_298 : vector<16xf32>
      %parallel_loop3A_300 = arith.addf %parallel_loop3A_268, %parallel_loop3A_299 : vector<16xf32>
      %parallel_loop3A_301 = arith.index_cast %parallel_loop3A_278 : i32 to index
      %parallel_loop3A_302 = arith.constant 48 : index
      %parallel_loop3A_303 = tpu.vector_load %arg8[%parallel_loop3A_301, %parallel_loop3A_302] {strides = array<i32>} : memref<256x64xf32, #tpu.memory_space<vmem>>, vector<1x16xf32>,
      %parallel_loop3A_304 = vector.shape_cast %parallel_loop3A_303 : vector<1x16xf32> to vector<16xf32>
      %parallel_loop3A_305 = arith.mulf %parallel_loop3A_282, %parallel_loop3A_304 : vector<16xf32>
      %parallel_loop3A_306 = arith.addf %parallel_loop3A_274, %parallel_loop3A_305 : vector<16xf32>
      %parallel_loop3A_307 = arith.constant 8 : i32
      %parallel_loop3A_308 = arith.muli %parallel_loop3A_74, %parallel_loop3A_307 : i32
      %parallel_loop3A_309 = arith.constant 7 : i32
      %parallel_loop3A_310 = arith.addi %parallel_loop3A_308, %parallel_loop3A_309 : i32
      %parallel_loop3A_311 = arith.constant 7 : i32
      %parallel_loop3A_312 = vector.broadcast %parallel_loop3A_311 : i32 to vector<16x1xi32>
      %parallel_loop3A_313 = vector.shape_cast %parallel_loop3A_312 : vector<16x1xi32> to vector<16xi32>
      %parallel_loop3A_314 = tpu.dynamic_gather %parallel_loop3A_70[%parallel_loop3A_313] in [0] : vector<16xf32>, vector<16xi32> -> vector<16xf32>
      %parallel_loop3A_315 = arith.index_cast %parallel_loop3A_310 : i32 to index
      %parallel_loop3A_316 = arith.constant 0 : index
      %parallel_loop3A_317 = tpu.vector_load %arg8[%parallel_loop3A_315, %parallel_loop3A_316] {strides = array<i32>} : memref<256x64xf32, #tpu.memory_space<vmem>>, vector<1x16xf32>,
      %parallel_loop3A_318 = vector.shape_cast %parallel_loop3A_317 : vector<1x16xf32> to vector<16xf32>
      %parallel_loop3A_319 = arith.mulf %parallel_loop3A_314, %parallel_loop3A_318 : vector<16xf32>
      %parallel_loop3A_320 = arith.addf %parallel_loop3A_288, %parallel_loop3A_319 : vector<16xf32>
      %parallel_loop3A_321 = arith.index_cast %parallel_loop3A_310 : i32 to index
      %parallel_loop3A_322 = arith.constant 16 : index
      %parallel_loop3A_323 = tpu.vector_load %arg8[%parallel_loop3A_321, %parallel_loop3A_322] {strides = array<i32>} : memref<256x64xf32, #tpu.memory_space<vmem>>, vector<1x16xf32>,
      %parallel_loop3A_324 = vector.shape_cast %parallel_loop3A_323 : vector<1x16xf32> to vector<16xf32>
      %parallel_loop3A_325 = arith.mulf %parallel_loop3A_314, %parallel_loop3A_324 : vector<16xf32>
      %parallel_loop3A_326 = arith.addf %parallel_loop3A_294, %parallel_loop3A_325 : vector<16xf32>
      %parallel_loop3A_327 = arith.index_cast %parallel_loop3A_310 : i32 to index
      %parallel_loop3A_328 = arith.constant 32 : index
      %parallel_loop3A_329 = tpu.vector_load %arg8[%parallel_loop3A_327, %parallel_loop3A_328] {strides = array<i32>} : memref<256x64xf32, #tpu.memory_space<vmem>>, vector<1x16xf32>,
      %parallel_loop3A_330 = vector.shape_cast %parallel_loop3A_329 : vector<1x16xf32> to vector<16xf32>
      %parallel_loop3A_331 = arith.mulf %parallel_loop3A_314, %parallel_loop3A_330 : vector<16xf32>
      %parallel_loop3A_332 = arith.addf %parallel_loop3A_300, %parallel_loop3A_331 : vector<16xf32>
      %parallel_loop3A_333 = arith.index_cast %parallel_loop3A_310 : i32 to index
      %parallel_loop3A_334 = arith.constant 48 : index
      %parallel_loop3A_335 = tpu.vector_load %arg8[%parallel_loop3A_333, %parallel_loop3A_334] {strides = array<i32>} : memref<256x64xf32, #tpu.memory_space<vmem>>, vector<1x16xf32>,
      %parallel_loop3A_336 = vector.shape_cast %parallel_loop3A_335 : vector<1x16xf32> to vector<16xf32>
      %parallel_loop3A_337 = arith.mulf %parallel_loop3A_314, %parallel_loop3A_336 : vector<16xf32>
      %parallel_loop3A_338 = arith.addf %parallel_loop3A_306, %parallel_loop3A_337 : vector<16xf32>
      %parallel_loop3A_339 = arith.index_cast %parallel_loop3A_74 : i32 to index
      %parallel_loop3A_340 = arith.constant 0 : index
      %parallel_loop3A_341 = tpu.vector_load %arg9[%parallel_loop3A_339, %parallel_loop3A_340] {strides = array<i32>} : memref<32x64xf32, #tpu.memory_space<vmem>>, vector<1x16xf32>,
      %parallel_loop3A_342 = vector.shape_cast %parallel_loop3A_341 : vector<1x16xf32> to vector<16xf32>
      %parallel_loop3A_343 = vector.shape_cast %parallel_loop3A_320 : vector<16xf32> to vector<1x16xf32>
      tpu.vector_store %arg9[%parallel_loop3A_339, %parallel_loop3A_340], %parallel_loop3A_343 {strides = array<i32>} : memref<32x64xf32, #tpu.memory_space<vmem>>, vector<1x16xf32>,
      %parallel_loop3A_344 = arith.index_cast %parallel_loop3A_74 : i32 to index
      %parallel_loop3A_345 = arith.constant 16 : index
      %parallel_loop3A_346 = tpu.vector_load %arg9[%parallel_loop3A_344, %parallel_loop3A_345] {strides = array<i32>} : memref<32x64xf32, #tpu.memory_space<vmem>>, vector<1x16xf32>,
      %parallel_loop3A_347 = vector.shape_cast %parallel_loop3A_346 : vector<1x16xf32> to vector<16xf32>
      %parallel_loop3A_348 = vector.shape_cast %parallel_loop3A_326 : vector<16xf32> to vector<1x16xf32>
      tpu.vector_store %arg9[%parallel_loop3A_344, %parallel_loop3A_345], %parallel_loop3A_348 {strides = array<i32>} : memref<32x64xf32, #tpu.memory_space<vmem>>, vector<1x16xf32>,
      %parallel_loop3A_349 = arith.index_cast %parallel_loop3A_74 : i32 to index
      %parallel_loop3A_350 = arith.constant 32 : index
      %parallel_loop3A_351 = tpu.vector_load %arg9[%parallel_loop3A_349, %parallel_loop3A_350] {strides = array<i32>} : memref<32x64xf32, #tpu.memory_space<vmem>>, vector<1x16xf32>,
      %parallel_loop3A_352 = vector.shape_cast %parallel_loop3A_351 : vector<1x16xf32> to vector<16xf32>
      %parallel_loop3A_353 = vector.shape_cast %parallel_loop3A_332 : vector<16xf32> to vector<1x16xf32>
      tpu.vector_store %arg9[%parallel_loop3A_349, %parallel_loop3A_350], %parallel_loop3A_353 {strides = array<i32>} : memref<32x64xf32, #tpu.memory_space<vmem>>, vector<1x16xf32>,
      %parallel_loop3A_354 = arith.index_cast %parallel_loop3A_74 : i32 to index
      %parallel_loop3A_355 = arith.constant 48 : index
      %parallel_loop3A_356 = tpu.vector_load %arg9[%parallel_loop3A_354, %parallel_loop3A_355] {strides = array<i32>} : memref<32x64xf32, #tpu.memory_space<vmem>>, vector<1x16xf32>,
      %parallel_loop3A_357 = vector.shape_cast %parallel_loop3A_356 : vector<1x16xf32> to vector<16xf32>
      %parallel_loop3A_358 = vector.shape_cast %parallel_loop3A_338 : vector<16xf32> to vector<1x16xf32>
      tpu.vector_store %arg9[%parallel_loop3A_354, %parallel_loop3A_355], %parallel_loop3A_358 {strides = array<i32>} : memref<32x64xf32, #tpu.memory_space<vmem>>, vector<1x16xf32>,
      %parallel_loop3A_359 = arith.constant 2 : i32
      %parallel_loop3A_360 = arith.muli %parallel_loop3A_63, %parallel_loop3A_359 : i32
      %parallel_loop3A_361 = arith.constant 1 : i32
      %parallel_loop3A_362 = arith.addi %parallel_loop3A_360, %parallel_loop3A_361 : i32
      %parallel_loop3A_363 = arith.constant 0.000000e+00 : f32
      %parallel_loop3A_364 = vector.broadcast %parallel_loop3A_363 : f32 to vector<16xf32>
      %parallel_loop3A_365 = arith.constant 0.000000e+00 : f32
      %parallel_loop3A_366 = vector.broadcast %parallel_loop3A_365 : f32 to vector<16xf32>
      %parallel_loop3A_367 = arith.constant 0.000000e+00 : f32
      %parallel_loop3A_368 = vector.broadcast %parallel_loop3A_367 : f32 to vector<16xf32>
      %parallel_loop3A_369 = arith.constant 0.000000e+00 : f32
      %parallel_loop3A_370 = vector.broadcast %parallel_loop3A_369 : f32 to vector<16xf32>
      %parallel_loop3A_371 = arith.constant 8 : i32
      %parallel_loop3A_372 = arith.muli %parallel_loop3A_362, %parallel_loop3A_371 : i32
      %parallel_loop3A_373 = arith.constant 0 : i32
      %parallel_loop3A_374 = arith.addi %parallel_loop3A_372, %parallel_loop3A_373 : i32
      %parallel_loop3A_375 = arith.constant 8 : i32
      %parallel_loop3A_376 = vector.broadcast %parallel_loop3A_375 : i32 to vector<16x1xi32>
      %parallel_loop3A_377 = vector.shape_cast %parallel_loop3A_376 : vector<16x1xi32> to vector<16xi32>
      %parallel_loop3A_378 = tpu.dynamic_gather %parallel_loop3A_70[%parallel_loop3A_377] in [0] : vector<16xf32>, vector<16xi32> -> vector<16xf32>
      %parallel_loop3A_379 = arith.index_cast %parallel_loop3A_374 : i32 to index
      %parallel_loop3A_380 = arith.constant 0 : index
      %parallel_loop3A_381 = tpu.vector_load %arg8[%parallel_loop3A_379, %parallel_loop3A_380] {strides = array<i32>} : memref<256x64xf32, #tpu.memory_space<vmem>>, vector<1x16xf32>,
      %parallel_loop3A_382 = vector.shape_cast %parallel_loop3A_381 : vector<1x16xf32> to vector<16xf32>
      %parallel_loop3A_383 = arith.mulf %parallel_loop3A_378, %parallel_loop3A_382 : vector<16xf32>
      %parallel_loop3A_384 = arith.addf %parallel_loop3A_364, %parallel_loop3A_383 : vector<16xf32>
      %parallel_loop3A_385 = arith.index_cast %parallel_loop3A_374 : i32 to index
      %parallel_loop3A_386 = arith.constant 16 : index
      %parallel_loop3A_387 = tpu.vector_load %arg8[%parallel_loop3A_385, %parallel_loop3A_386] {strides = array<i32>} : memref<256x64xf32, #tpu.memory_space<vmem>>, vector<1x16xf32>,
      %parallel_loop3A_388 = vector.shape_cast %parallel_loop3A_387 : vector<1x16xf32> to vector<16xf32>
      %parallel_loop3A_389 = arith.mulf %parallel_loop3A_378, %parallel_loop3A_388 : vector<16xf32>
      %parallel_loop3A_390 = arith.addf %parallel_loop3A_366, %parallel_loop3A_389 : vector<16xf32>
      %parallel_loop3A_391 = arith.index_cast %parallel_loop3A_374 : i32 to index
      %parallel_loop3A_392 = arith.constant 32 : index
      %parallel_loop3A_393 = tpu.vector_load %arg8[%parallel_loop3A_391, %parallel_loop3A_392] {strides = array<i32>} : memref<256x64xf32, #tpu.memory_space<vmem>>, vector<1x16xf32>,
      %parallel_loop3A_394 = vector.shape_cast %parallel_loop3A_393 : vector<1x16xf32> to vector<16xf32>
      %parallel_loop3A_395 = arith.mulf %parallel_loop3A_378, %parallel_loop3A_394 : vector<16xf32>
      %parallel_loop3A_396 = arith.addf %parallel_loop3A_368, %parallel_loop3A_395 : vector<16xf32>
      %parallel_loop3A_397 = arith.index_cast %parallel_loop3A_374 : i32 to index
      %parallel_loop3A_398 = arith.constant 48 : index
      %parallel_loop3A_399 = tpu.vector_load %arg8[%parallel_loop3A_397, %parallel_loop3A_398] {strides = array<i32>} : memref<256x64xf32, #tpu.memory_space<vmem>>, vector<1x16xf32>,
      %parallel_loop3A_400 = vector.shape_cast %parallel_loop3A_399 : vector<1x16xf32> to vector<16xf32>
      %parallel_loop3A_401 = arith.mulf %parallel_loop3A_378, %parallel_loop3A_400 : vector<16xf32>
      %parallel_loop3A_402 = arith.addf %parallel_loop3A_370, %parallel_loop3A_401 : vector<16xf32>
      %parallel_loop3A_403 = arith.constant 8 : i32
      %parallel_loop3A_404 = arith.muli %parallel_loop3A_362, %parallel_loop3A_403 : i32
      %parallel_loop3A_405 = arith.constant 1 : i32
      %parallel_loop3A_406 = arith.addi %parallel_loop3A_404, %parallel_loop3A_405 : i32
      %parallel_loop3A_407 = arith.constant 9 : i32
      %parallel_loop3A_408 = vector.broadcast %parallel_loop3A_407 : i32 to vector<16x1xi32>
      %parallel_loop3A_409 = vector.shape_cast %parallel_loop3A_408 : vector<16x1xi32> to vector<16xi32>
      %parallel_loop3A_410 = tpu.dynamic_gather %parallel_loop3A_70[%parallel_loop3A_409] in [0] : vector<16xf32>, vector<16xi32> -> vector<16xf32>
      %parallel_loop3A_411 = arith.index_cast %parallel_loop3A_406 : i32 to index
      %parallel_loop3A_412 = arith.constant 0 : index
      %parallel_loop3A_413 = tpu.vector_load %arg8[%parallel_loop3A_411, %parallel_loop3A_412] {strides = array<i32>} : memref<256x64xf32, #tpu.memory_space<vmem>>, vector<1x16xf32>,
      %parallel_loop3A_414 = vector.shape_cast %parallel_loop3A_413 : vector<1x16xf32> to vector<16xf32>
      %parallel_loop3A_415 = arith.mulf %parallel_loop3A_410, %parallel_loop3A_414 : vector<16xf32>
      %parallel_loop3A_416 = arith.addf %parallel_loop3A_384, %parallel_loop3A_415 : vector<16xf32>
      %parallel_loop3A_417 = arith.index_cast %parallel_loop3A_406 : i32 to index
      %parallel_loop3A_418 = arith.constant 16 : index
      %parallel_loop3A_419 = tpu.vector_load %arg8[%parallel_loop3A_417, %parallel_loop3A_418] {strides = array<i32>} : memref<256x64xf32, #tpu.memory_space<vmem>>, vector<1x16xf32>,
      %parallel_loop3A_420 = vector.shape_cast %parallel_loop3A_419 : vector<1x16xf32> to vector<16xf32>
      %parallel_loop3A_421 = arith.mulf %parallel_loop3A_410, %parallel_loop3A_420 : vector<16xf32>
      %parallel_loop3A_422 = arith.addf %parallel_loop3A_390, %parallel_loop3A_421 : vector<16xf32>
      %parallel_loop3A_423 = arith.index_cast %parallel_loop3A_406 : i32 to index
      %parallel_loop3A_424 = arith.constant 32 : index
      %parallel_loop3A_425 = tpu.vector_load %arg8[%parallel_loop3A_423, %parallel_loop3A_424] {strides = array<i32>} : memref<256x64xf32, #tpu.memory_space<vmem>>, vector<1x16xf32>,
      %parallel_loop3A_426 = vector.shape_cast %parallel_loop3A_425 : vector<1x16xf32> to vector<16xf32>
      %parallel_loop3A_427 = arith.mulf %parallel_loop3A_410, %parallel_loop3A_426 : vector<16xf32>
      %parallel_loop3A_428 = arith.addf %parallel_loop3A_396, %parallel_loop3A_427 : vector<16xf32>
      %parallel_loop3A_429 = arith.index_cast %parallel_loop3A_406 : i32 to index
      %parallel_loop3A_430 = arith.constant 48 : index
      %parallel_loop3A_431 = tpu.vector_load %arg8[%parallel_loop3A_429, %parallel_loop3A_430] {strides = array<i32>} : memref<256x64xf32, #tpu.memory_space<vmem>>, vector<1x16xf32>,
      %parallel_loop3A_432 = vector.shape_cast %parallel_loop3A_431 : vector<1x16xf32> to vector<16xf32>
      %parallel_loop3A_433 = arith.mulf %parallel_loop3A_410, %parallel_loop3A_432 : vector<16xf32>
      %parallel_loop3A_434 = arith.addf %parallel_loop3A_402, %parallel_loop3A_433 : vector<16xf32>
      %parallel_loop3A_435 = arith.constant 8 : i32
      %parallel_loop3A_436 = arith.muli %parallel_loop3A_362, %parallel_loop3A_435 : i32
      %parallel_loop3A_437 = arith.constant 2 : i32
      %parallel_loop3A_438 = arith.addi %parallel_loop3A_436, %parallel_loop3A_437 : i32
      %parallel_loop3A_439 = arith.constant 10 : i32
      %parallel_loop3A_440 = vector.broadcast %parallel_loop3A_439 : i32 to vector<16x1xi32>
      %parallel_loop3A_441 = vector.shape_cast %parallel_loop3A_440 : vector<16x1xi32> to vector<16xi32>
      %parallel_loop3A_442 = tpu.dynamic_gather %parallel_loop3A_70[%parallel_loop3A_441] in [0] : vector<16xf32>, vector<16xi32> -> vector<16xf32>
      %parallel_loop3A_443 = arith.index_cast %parallel_loop3A_438 : i32 to index
      %parallel_loop3A_444 = arith.constant 0 : index
      %parallel_loop3A_445 = tpu.vector_load %arg8[%parallel_loop3A_443, %parallel_loop3A_444] {strides = array<i32>} : memref<256x64xf32, #tpu.memory_space<vmem>>, vector<1x16xf32>,
      %parallel_loop3A_446 = vector.shape_cast %parallel_loop3A_445 : vector<1x16xf32> to vector<16xf32>
      %parallel_loop3A_447 = arith.mulf %parallel_loop3A_442, %parallel_loop3A_446 : vector<16xf32>
      %parallel_loop3A_448 = arith.addf %parallel_loop3A_416, %parallel_loop3A_447 : vector<16xf32>
      %parallel_loop3A_449 = arith.index_cast %parallel_loop3A_438 : i32 to index
      %parallel_loop3A_450 = arith.constant 16 : index
      %parallel_loop3A_451 = tpu.vector_load %arg8[%parallel_loop3A_449, %parallel_loop3A_450] {strides = array<i32>} : memref<256x64xf32, #tpu.memory_space<vmem>>, vector<1x16xf32>,
      %parallel_loop3A_452 = vector.shape_cast %parallel_loop3A_451 : vector<1x16xf32> to vector<16xf32>
      %parallel_loop3A_453 = arith.mulf %parallel_loop3A_442, %parallel_loop3A_452 : vector<16xf32>
      %parallel_loop3A_454 = arith.addf %parallel_loop3A_422, %parallel_loop3A_453 : vector<16xf32>
      %parallel_loop3A_455 = arith.index_cast %parallel_loop3A_438 : i32 to index
      %parallel_loop3A_456 = arith.constant 32 : index
      %parallel_loop3A_457 = tpu.vector_load %arg8[%parallel_loop3A_455, %parallel_loop3A_456] {strides = array<i32>} : memref<256x64xf32, #tpu.memory_space<vmem>>, vector<1x16xf32>,
      %parallel_loop3A_458 = vector.shape_cast %parallel_loop3A_457 : vector<1x16xf32> to vector<16xf32>
      %parallel_loop3A_459 = arith.mulf %parallel_loop3A_442, %parallel_loop3A_458 : vector<16xf32>
      %parallel_loop3A_460 = arith.addf %parallel_loop3A_428, %parallel_loop3A_459 : vector<16xf32>
      %parallel_loop3A_461 = arith.index_cast %parallel_loop3A_438 : i32 to index
      %parallel_loop3A_462 = arith.constant 48 : index
      %parallel_loop3A_463 = tpu.vector_load %arg8[%parallel_loop3A_461, %parallel_loop3A_462] {strides = array<i32>} : memref<256x64xf32, #tpu.memory_space<vmem>>, vector<1x16xf32>,
      %parallel_loop3A_464 = vector.shape_cast %parallel_loop3A_463 : vector<1x16xf32> to vector<16xf32>
      %parallel_loop3A_465 = arith.mulf %parallel_loop3A_442, %parallel_loop3A_464 : vector<16xf32>
      %parallel_loop3A_466 = arith.addf %parallel_loop3A_434, %parallel_loop3A_465 : vector<16xf32>
      %parallel_loop3A_467 = arith.constant 8 : i32
      %parallel_loop3A_468 = arith.muli %parallel_loop3A_362, %parallel_loop3A_467 : i32
      %parallel_loop3A_469 = arith.constant 3 : i32
      %parallel_loop3A_470 = arith.addi %parallel_loop3A_468, %parallel_loop3A_469 : i32
      %parallel_loop3A_471 = arith.constant 11 : i32
      %parallel_loop3A_472 = vector.broadcast %parallel_loop3A_471 : i32 to vector<16x1xi32>
      %parallel_loop3A_473 = vector.shape_cast %parallel_loop3A_472 : vector<16x1xi32> to vector<16xi32>
      %parallel_loop3A_474 = tpu.dynamic_gather %parallel_loop3A_70[%parallel_loop3A_473] in [0] : vector<16xf32>, vector<16xi32> -> vector<16xf32>
      %parallel_loop3A_475 = arith.index_cast %parallel_loop3A_470 : i32 to index
      %parallel_loop3A_476 = arith.constant 0 : index
      %parallel_loop3A_477 = tpu.vector_load %arg8[%parallel_loop3A_475, %parallel_loop3A_476] {strides = array<i32>} : memref<256x64xf32, #tpu.memory_space<vmem>>, vector<1x16xf32>,
      %parallel_loop3A_478 = vector.shape_cast %parallel_loop3A_477 : vector<1x16xf32> to vector<16xf32>
      %parallel_loop3A_479 = arith.mulf %parallel_loop3A_474, %parallel_loop3A_478 : vector<16xf32>
      %parallel_loop3A_480 = arith.addf %parallel_loop3A_448, %parallel_loop3A_479 : vector<16xf32>
      %parallel_loop3A_481 = arith.index_cast %parallel_loop3A_470 : i32 to index
      %parallel_loop3A_482 = arith.constant 16 : index
      %parallel_loop3A_483 = tpu.vector_load %arg8[%parallel_loop3A_481, %parallel_loop3A_482] {strides = array<i32>} : memref<256x64xf32, #tpu.memory_space<vmem>>, vector<1x16xf32>,
      %parallel_loop3A_484 = vector.shape_cast %parallel_loop3A_483 : vector<1x16xf32> to vector<16xf32>
      %parallel_loop3A_485 = arith.mulf %parallel_loop3A_474, %parallel_loop3A_484 : vector<16xf32>
      %parallel_loop3A_486 = arith.addf %parallel_loop3A_454, %parallel_loop3A_485 : vector<16xf32>
      %parallel_loop3A_487 = arith.index_cast %parallel_loop3A_470 : i32 to index
      %parallel_loop3A_488 = arith.constant 32 : index
      %parallel_loop3A_489 = tpu.vector_load %arg8[%parallel_loop3A_487, %parallel_loop3A_488] {strides = array<i32>} : memref<256x64xf32, #tpu.memory_space<vmem>>, vector<1x16xf32>,
      %parallel_loop3A_490 = vector.shape_cast %parallel_loop3A_489 : vector<1x16xf32> to vector<16xf32>
      %parallel_loop3A_491 = arith.mulf %parallel_loop3A_474, %parallel_loop3A_490 : vector<16xf32>
      %parallel_loop3A_492 = arith.addf %parallel_loop3A_460, %parallel_loop3A_491 : vector<16xf32>
      %parallel_loop3A_493 = arith.index_cast %parallel_loop3A_470 : i32 to index
      %parallel_loop3A_494 = arith.constant 48 : index
      %parallel_loop3A_495 = tpu.vector_load %arg8[%parallel_loop3A_493, %parallel_loop3A_494] {strides = array<i32>} : memref<256x64xf32, #tpu.memory_space<vmem>>, vector<1x16xf32>,
      %parallel_loop3A_496 = vector.shape_cast %parallel_loop3A_495 : vector<1x16xf32> to vector<16xf32>
      %parallel_loop3A_497 = arith.mulf %parallel_loop3A_474, %parallel_loop3A_496 : vector<16xf32>
      %parallel_loop3A_498 = arith.addf %parallel_loop3A_466, %parallel_loop3A_497 : vector<16xf32>
      %parallel_loop3A_499 = arith.constant 8 : i32
      %parallel_loop3A_500 = arith.muli %parallel_loop3A_362, %parallel_loop3A_499 : i32
      %parallel_loop3A_501 = arith.constant 4 : i32
      %parallel_loop3A_502 = arith.addi %parallel_loop3A_500, %parallel_loop3A_501 : i32
      %parallel_loop3A_503 = arith.constant 12 : i32
      %parallel_loop3A_504 = vector.broadcast %parallel_loop3A_503 : i32 to vector<16x1xi32>
      %parallel_loop3A_505 = vector.shape_cast %parallel_loop3A_504 : vector<16x1xi32> to vector<16xi32>
      %parallel_loop3A_506 = tpu.dynamic_gather %parallel_loop3A_70[%parallel_loop3A_505] in [0] : vector<16xf32>, vector<16xi32> -> vector<16xf32>
      %parallel_loop3A_507 = arith.index_cast %parallel_loop3A_502 : i32 to index
      %parallel_loop3A_508 = arith.constant 0 : index
      %parallel_loop3A_509 = tpu.vector_load %arg8[%parallel_loop3A_507, %parallel_loop3A_508] {strides = array<i32>} : memref<256x64xf32, #tpu.memory_space<vmem>>, vector<1x16xf32>,
      %parallel_loop3A_510 = vector.shape_cast %parallel_loop3A_509 : vector<1x16xf32> to vector<16xf32>
      %parallel_loop3A_511 = arith.mulf %parallel_loop3A_506, %parallel_loop3A_510 : vector<16xf32>
      %parallel_loop3A_512 = arith.addf %parallel_loop3A_480, %parallel_loop3A_511 : vector<16xf32>
      %parallel_loop3A_513 = arith.index_cast %parallel_loop3A_502 : i32 to index
      %parallel_loop3A_514 = arith.constant 16 : index
      %parallel_loop3A_515 = tpu.vector_load %arg8[%parallel_loop3A_513, %parallel_loop3A_514] {strides = array<i32>} : memref<256x64xf32, #tpu.memory_space<vmem>>, vector<1x16xf32>,
      %parallel_loop3A_516 = vector.shape_cast %parallel_loop3A_515 : vector<1x16xf32> to vector<16xf32>
      %parallel_loop3A_517 = arith.mulf %parallel_loop3A_506, %parallel_loop3A_516 : vector<16xf32>
      %parallel_loop3A_518 = arith.addf %parallel_loop3A_486, %parallel_loop3A_517 : vector<16xf32>
      %parallel_loop3A_519 = arith.index_cast %parallel_loop3A_502 : i32 to index
      %parallel_loop3A_520 = arith.constant 32 : index
      %parallel_loop3A_521 = tpu.vector_load %arg8[%parallel_loop3A_519, %parallel_loop3A_520] {strides = array<i32>} : memref<256x64xf32, #tpu.memory_space<vmem>>, vector<1x16xf32>,
      %parallel_loop3A_522 = vector.shape_cast %parallel_loop3A_521 : vector<1x16xf32> to vector<16xf32>
      %parallel_loop3A_523 = arith.mulf %parallel_loop3A_506, %parallel_loop3A_522 : vector<16xf32>
      %parallel_loop3A_524 = arith.addf %parallel_loop3A_492, %parallel_loop3A_523 : vector<16xf32>
      %parallel_loop3A_525 = arith.index_cast %parallel_loop3A_502 : i32 to index
      %parallel_loop3A_526 = arith.constant 48 : index
      %parallel_loop3A_527 = tpu.vector_load %arg8[%parallel_loop3A_525, %parallel_loop3A_526] {strides = array<i32>} : memref<256x64xf32, #tpu.memory_space<vmem>>, vector<1x16xf32>,
      %parallel_loop3A_528 = vector.shape_cast %parallel_loop3A_527 : vector<1x16xf32> to vector<16xf32>
      %parallel_loop3A_529 = arith.mulf %parallel_loop3A_506, %parallel_loop3A_528 : vector<16xf32>
      %parallel_loop3A_530 = arith.addf %parallel_loop3A_498, %parallel_loop3A_529 : vector<16xf32>
      %parallel_loop3A_531 = arith.constant 8 : i32
      %parallel_loop3A_532 = arith.muli %parallel_loop3A_362, %parallel_loop3A_531 : i32
      %parallel_loop3A_533 = arith.constant 5 : i32
      %parallel_loop3A_534 = arith.addi %parallel_loop3A_532, %parallel_loop3A_533 : i32
      %parallel_loop3A_535 = arith.constant 13 : i32
      %parallel_loop3A_536 = vector.broadcast %parallel_loop3A_535 : i32 to vector<16x1xi32>
      %parallel_loop3A_537 = vector.shape_cast %parallel_loop3A_536 : vector<16x1xi32> to vector<16xi32>
      %parallel_loop3A_538 = tpu.dynamic_gather %parallel_loop3A_70[%parallel_loop3A_537] in [0] : vector<16xf32>, vector<16xi32> -> vector<16xf32>
      %parallel_loop3A_539 = arith.index_cast %parallel_loop3A_534 : i32 to index
      %parallel_loop3A_540 = arith.constant 0 : index
      %parallel_loop3A_541 = tpu.vector_load %arg8[%parallel_loop3A_539, %parallel_loop3A_540] {strides = array<i32>} : memref<256x64xf32, #tpu.memory_space<vmem>>, vector<1x16xf32>,
      %parallel_loop3A_542 = vector.shape_cast %parallel_loop3A_541 : vector<1x16xf32> to vector<16xf32>
      %parallel_loop3A_543 = arith.mulf %parallel_loop3A_538, %parallel_loop3A_542 : vector<16xf32>
      %parallel_loop3A_544 = arith.addf %parallel_loop3A_512, %parallel_loop3A_543 : vector<16xf32>
      %parallel_loop3A_545 = arith.index_cast %parallel_loop3A_534 : i32 to index
      %parallel_loop3A_546 = arith.constant 16 : index
      %parallel_loop3A_547 = tpu.vector_load %arg8[%parallel_loop3A_545, %parallel_loop3A_546] {strides = array<i32>} : memref<256x64xf32, #tpu.memory_space<vmem>>, vector<1x16xf32>,
      %parallel_loop3A_548 = vector.shape_cast %parallel_loop3A_547 : vector<1x16xf32> to vector<16xf32>
      %parallel_loop3A_549 = arith.mulf %parallel_loop3A_538, %parallel_loop3A_548 : vector<16xf32>
      %parallel_loop3A_550 = arith.addf %parallel_loop3A_518, %parallel_loop3A_549 : vector<16xf32>
      %parallel_loop3A_551 = arith.index_cast %parallel_loop3A_534 : i32 to index
      %parallel_loop3A_552 = arith.constant 32 : index
      %parallel_loop3A_553 = tpu.vector_load %arg8[%parallel_loop3A_551, %parallel_loop3A_552] {strides = array<i32>} : memref<256x64xf32, #tpu.memory_space<vmem>>, vector<1x16xf32>,
      %parallel_loop3A_554 = vector.shape_cast %parallel_loop3A_553 : vector<1x16xf32> to vector<16xf32>
      %parallel_loop3A_555 = arith.mulf %parallel_loop3A_538, %parallel_loop3A_554 : vector<16xf32>
      %parallel_loop3A_556 = arith.addf %parallel_loop3A_524, %parallel_loop3A_555 : vector<16xf32>
      %parallel_loop3A_557 = arith.index_cast %parallel_loop3A_534 : i32 to index
      %parallel_loop3A_558 = arith.constant 48 : index
      %parallel_loop3A_559 = tpu.vector_load %arg8[%parallel_loop3A_557, %parallel_loop3A_558] {strides = array<i32>} : memref<256x64xf32, #tpu.memory_space<vmem>>, vector<1x16xf32>,
      %parallel_loop3A_560 = vector.shape_cast %parallel_loop3A_559 : vector<1x16xf32> to vector<16xf32>
      %parallel_loop3A_561 = arith.mulf %parallel_loop3A_538, %parallel_loop3A_560 : vector<16xf32>
      %parallel_loop3A_562 = arith.addf %parallel_loop3A_530, %parallel_loop3A_561 : vector<16xf32>
      %parallel_loop3A_563 = arith.constant 8 : i32
      %parallel_loop3A_564 = arith.muli %parallel_loop3A_362, %parallel_loop3A_563 : i32
      %parallel_loop3A_565 = arith.constant 6 : i32
      %parallel_loop3A_566 = arith.addi %parallel_loop3A_564, %parallel_loop3A_565 : i32
      %parallel_loop3A_567 = arith.constant 14 : i32
      %parallel_loop3A_568 = vector.broadcast %parallel_loop3A_567 : i32 to vector<16x1xi32>
      %parallel_loop3A_569 = vector.shape_cast %parallel_loop3A_568 : vector<16x1xi32> to vector<16xi32>
      %parallel_loop3A_570 = tpu.dynamic_gather %parallel_loop3A_70[%parallel_loop3A_569] in [0] : vector<16xf32>, vector<16xi32> -> vector<16xf32>
      %parallel_loop3A_571 = arith.index_cast %parallel_loop3A_566 : i32 to index
      %parallel_loop3A_572 = arith.constant 0 : index
      %parallel_loop3A_573 = tpu.vector_load %arg8[%parallel_loop3A_571, %parallel_loop3A_572] {strides = array<i32>} : memref<256x64xf32, #tpu.memory_space<vmem>>, vector<1x16xf32>,
      %parallel_loop3A_574 = vector.shape_cast %parallel_loop3A_573 : vector<1x16xf32> to vector<16xf32>
      %parallel_loop3A_575 = arith.mulf %parallel_loop3A_570, %parallel_loop3A_574 : vector<16xf32>
      %parallel_loop3A_576 = arith.addf %parallel_loop3A_544, %parallel_loop3A_575 : vector<16xf32>
      %parallel_loop3A_577 = arith.index_cast %parallel_loop3A_566 : i32 to index
      %parallel_loop3A_578 = arith.constant 16 : index
      %parallel_loop3A_579 = tpu.vector_load %arg8[%parallel_loop3A_577, %parallel_loop3A_578] {strides = array<i32>} : memref<256x64xf32, #tpu.memory_space<vmem>>, vector<1x16xf32>,
      %parallel_loop3A_580 = vector.shape_cast %parallel_loop3A_579 : vector<1x16xf32> to vector<16xf32>
      %parallel_loop3A_581 = arith.mulf %parallel_loop3A_570, %parallel_loop3A_580 : vector<16xf32>
      %parallel_loop3A_582 = arith.addf %parallel_loop3A_550, %parallel_loop3A_581 : vector<16xf32>
      %parallel_loop3A_583 = arith.index_cast %parallel_loop3A_566 : i32 to index
      %parallel_loop3A_584 = arith.constant 32 : index
      %parallel_loop3A_585 = tpu.vector_load %arg8[%parallel_loop3A_583, %parallel_loop3A_584] {strides = array<i32>} : memref<256x64xf32, #tpu.memory_space<vmem>>, vector<1x16xf32>,
      %parallel_loop3A_586 = vector.shape_cast %parallel_loop3A_585 : vector<1x16xf32> to vector<16xf32>
      %parallel_loop3A_587 = arith.mulf %parallel_loop3A_570, %parallel_loop3A_586 : vector<16xf32>
      %parallel_loop3A_588 = arith.addf %parallel_loop3A_556, %parallel_loop3A_587 : vector<16xf32>
      %parallel_loop3A_589 = arith.index_cast %parallel_loop3A_566 : i32 to index
      %parallel_loop3A_590 = arith.constant 48 : index
      %parallel_loop3A_591 = tpu.vector_load %arg8[%parallel_loop3A_589, %parallel_loop3A_590] {strides = array<i32>} : memref<256x64xf32, #tpu.memory_space<vmem>>, vector<1x16xf32>,
      %parallel_loop3A_592 = vector.shape_cast %parallel_loop3A_591 : vector<1x16xf32> to vector<16xf32>
      %parallel_loop3A_593 = arith.mulf %parallel_loop3A_570, %parallel_loop3A_592 : vector<16xf32>
      %parallel_loop3A_594 = arith.addf %parallel_loop3A_562, %parallel_loop3A_593 : vector<16xf32>
      %parallel_loop3A_595 = arith.constant 8 : i32
      %parallel_loop3A_596 = arith.muli %parallel_loop3A_362, %parallel_loop3A_595 : i32
      %parallel_loop3A_597 = arith.constant 7 : i32
      %parallel_loop3A_598 = arith.addi %parallel_loop3A_596, %parallel_loop3A_597 : i32
      %parallel_loop3A_599 = arith.constant 15 : i32
      %parallel_loop3A_600 = vector.broadcast %parallel_loop3A_599 : i32 to vector<16x1xi32>
      %parallel_loop3A_601 = vector.shape_cast %parallel_loop3A_600 : vector<16x1xi32> to vector<16xi32>
      %parallel_loop3A_602 = tpu.dynamic_gather %parallel_loop3A_70[%parallel_loop3A_601] in [0] : vector<16xf32>, vector<16xi32> -> vector<16xf32>
      %parallel_loop3A_603 = arith.index_cast %parallel_loop3A_598 : i32 to index
      %parallel_loop3A_604 = arith.constant 0 : index
      %parallel_loop3A_605 = tpu.vector_load %arg8[%parallel_loop3A_603, %parallel_loop3A_604] {strides = array<i32>} : memref<256x64xf32, #tpu.memory_space<vmem>>, vector<1x16xf32>,
      %parallel_loop3A_606 = vector.shape_cast %parallel_loop3A_605 : vector<1x16xf32> to vector<16xf32>
      %parallel_loop3A_607 = arith.mulf %parallel_loop3A_602, %parallel_loop3A_606 : vector<16xf32>
      %parallel_loop3A_608 = arith.addf %parallel_loop3A_576, %parallel_loop3A_607 : vector<16xf32>
      %parallel_loop3A_609 = arith.index_cast %parallel_loop3A_598 : i32 to index
      %parallel_loop3A_610 = arith.constant 16 : index
      %parallel_loop3A_611 = tpu.vector_load %arg8[%parallel_loop3A_609, %parallel_loop3A_610] {strides = array<i32>} : memref<256x64xf32, #tpu.memory_space<vmem>>, vector<1x16xf32>,
      %parallel_loop3A_612 = vector.shape_cast %parallel_loop3A_611 : vector<1x16xf32> to vector<16xf32>
      %parallel_loop3A_613 = arith.mulf %parallel_loop3A_602, %parallel_loop3A_612 : vector<16xf32>
      %parallel_loop3A_614 = arith.addf %parallel_loop3A_582, %parallel_loop3A_613 : vector<16xf32>
      %parallel_loop3A_615 = arith.index_cast %parallel_loop3A_598 : i32 to index
      %parallel_loop3A_616 = arith.constant 32 : index
      %parallel_loop3A_617 = tpu.vector_load %arg8[%parallel_loop3A_615, %parallel_loop3A_616] {strides = array<i32>} : memref<256x64xf32, #tpu.memory_space<vmem>>, vector<1x16xf32>,
      %parallel_loop3A_618 = vector.shape_cast %parallel_loop3A_617 : vector<1x16xf32> to vector<16xf32>
      %parallel_loop3A_619 = arith.mulf %parallel_loop3A_602, %parallel_loop3A_618 : vector<16xf32>
      %parallel_loop3A_620 = arith.addf %parallel_loop3A_588, %parallel_loop3A_619 : vector<16xf32>
      %parallel_loop3A_621 = arith.index_cast %parallel_loop3A_598 : i32 to index
      %parallel_loop3A_622 = arith.constant 48 : index
      %parallel_loop3A_623 = tpu.vector_load %arg8[%parallel_loop3A_621, %parallel_loop3A_622] {strides = array<i32>} : memref<256x64xf32, #tpu.memory_space<vmem>>, vector<1x16xf32>,
      %parallel_loop3A_624 = vector.shape_cast %parallel_loop3A_623 : vector<1x16xf32> to vector<16xf32>
      %parallel_loop3A_625 = arith.mulf %parallel_loop3A_602, %parallel_loop3A_624 : vector<16xf32>
      %parallel_loop3A_626 = arith.addf %parallel_loop3A_594, %parallel_loop3A_625 : vector<16xf32>
      %parallel_loop3A_627 = arith.index_cast %parallel_loop3A_362 : i32 to index
      %parallel_loop3A_628 = arith.constant 0 : index
      %parallel_loop3A_629 = tpu.vector_load %arg9[%parallel_loop3A_627, %parallel_loop3A_628] {strides = array<i32>} : memref<32x64xf32, #tpu.memory_space<vmem>>, vector<1x16xf32>,
      %parallel_loop3A_630 = vector.shape_cast %parallel_loop3A_629 : vector<1x16xf32> to vector<16xf32>
      %parallel_loop3A_631 = vector.shape_cast %parallel_loop3A_608 : vector<16xf32> to vector<1x16xf32>
      tpu.vector_store %arg9[%parallel_loop3A_627, %parallel_loop3A_628], %parallel_loop3A_631 {strides = array<i32>} : memref<32x64xf32, #tpu.memory_space<vmem>>, vector<1x16xf32>,
      %parallel_loop3A_632 = arith.index_cast %parallel_loop3A_362 : i32 to index
      %parallel_loop3A_633 = arith.constant 16 : index
      %parallel_loop3A_634 = tpu.vector_load %arg9[%parallel_loop3A_632, %parallel_loop3A_633] {strides = array<i32>} : memref<32x64xf32, #tpu.memory_space<vmem>>, vector<1x16xf32>,
      %parallel_loop3A_635 = vector.shape_cast %parallel_loop3A_634 : vector<1x16xf32> to vector<16xf32>
      %parallel_loop3A_636 = vector.shape_cast %parallel_loop3A_614 : vector<16xf32> to vector<1x16xf32>
      tpu.vector_store %arg9[%parallel_loop3A_632, %parallel_loop3A_633], %parallel_loop3A_636 {strides = array<i32>} : memref<32x64xf32, #tpu.memory_space<vmem>>, vector<1x16xf32>,
      %parallel_loop3A_637 = arith.index_cast %parallel_loop3A_362 : i32 to index
      %parallel_loop3A_638 = arith.constant 32 : index
      %parallel_loop3A_639 = tpu.vector_load %arg9[%parallel_loop3A_637, %parallel_loop3A_638] {strides = array<i32>} : memref<32x64xf32, #tpu.memory_space<vmem>>, vector<1x16xf32>,
      %parallel_loop3A_640 = vector.shape_cast %parallel_loop3A_639 : vector<1x16xf32> to vector<16xf32>
      %parallel_loop3A_641 = vector.shape_cast %parallel_loop3A_620 : vector<16xf32> to vector<1x16xf32>
      tpu.vector_store %arg9[%parallel_loop3A_637, %parallel_loop3A_638], %parallel_loop3A_641 {strides = array<i32>} : memref<32x64xf32, #tpu.memory_space<vmem>>, vector<1x16xf32>,
      %parallel_loop3A_642 = arith.index_cast %parallel_loop3A_362 : i32 to index
      %parallel_loop3A_643 = arith.constant 48 : index
      %parallel_loop3A_644 = tpu.vector_load %arg9[%parallel_loop3A_642, %parallel_loop3A_643] {strides = array<i32>} : memref<32x64xf32, #tpu.memory_space<vmem>>, vector<1x16xf32>,
      %parallel_loop3A_645 = vector.shape_cast %parallel_loop3A_644 : vector<1x16xf32> to vector<16xf32>
      %parallel_loop3A_646 = vector.shape_cast %parallel_loop3A_626 : vector<16xf32> to vector<1x16xf32>
      tpu.vector_store %arg9[%parallel_loop3A_642, %parallel_loop3A_643], %parallel_loop3A_646 {strides = array<i32>} : memref<32x64xf32, #tpu.memory_space<vmem>>, vector<1x16xf32>,
    } {sc.loop_unroll_factor = 2 : i64, sc.parallel_access}
    %jit3A = arith.constant 8 : i32
    %div3A = arith.divsi %min3A_1, %jit3A : i32
    %sign3A = arith.constant 0 : i32
    %sign3A_47 = arith.cmpi sgt, %min3A_1, %sign3A : i32
    %sign3A_48 = arith.extui %sign3A_47 : i1 to i32
    %sign3A_49 = arith.constant 0 : i32
    %sign3A_50 = arith.cmpi slt, %min3A_1, %sign3A_49 : i32
    %sign3A_51 = arith.extui %sign3A_50 : i1 to i32
    %sign3A_52 = arith.subi %sign3A_48, %sign3A_51 : i32
    %sign3A_53 = arith.constant 0 : i32
    %sign3A_54 = arith.cmpi sgt, %jit3A, %sign3A_53 : i32
    %sign3A_55 = arith.extui %sign3A_54 : i1 to i32
    %sign3A_56 = arith.constant 0 : i32
    %sign3A_57 = arith.cmpi slt, %jit3A, %sign3A_56 : i32
    %sign3A_58 = arith.extui %sign3A_57 : i1 to i32
    %sign3A_59 = arith.subi %sign3A_55, %sign3A_58 : i32
    %ne3A = arith.cmpi ne, %sign3A_52, %sign3A_59 : i32
    %rem3A = arith.remsi %min3A_1, %jit3A : i32
    %ne3A_60 = arith.constant 0 : i32
    %ne3A_61 = arith.cmpi ne, %rem3A, %ne3A_60 : i32
    %and3A = arith.andi %ne3A, %ne3A_61 : i1
    %sub3A = arith.constant 1 : i32
    %sub3A_62 = arith.subi %div3A, %sub3A : i32
    %select_n3A = arith.select %and3A, %sub3A_62, %div3A : i32
    "tpu.region"() ({
      %run_scoped3A_63 = tpu.sem_alloc : memref<!tpu.dma_semaphore, #tpu.memory_space<semaphore_mem>>
      %dma_start3A_64 = arith.constant 0 : i32
      %dma_start3A_65 = tpu.memref_slice %arg5[%select_n3A, %dma_start3A_64] : memref<500x64xf32, #tpu.memory_space<hbm>> -> memref<32x64xf32, #tpu.memory_space<hbm>>
      %dma_start3A_66 = arith.constant 0 : i32
      %dma_start3A_67 = tpu.memref_slice %arg5[%select_n3A, %dma_start3A_66] : memref<500x64xf32, #tpu.memory_space<hbm>> -> memref<32x64xf32, #tpu.memory_space<hbm>>
      tpu.enqueue_dma source(%arg9 : memref<32x64xf32, #tpu.memory_space<vmem>>) target(%dma_start3A_67 : memref<32x64xf32, #tpu.memory_space<hbm>>) target_semaphore(%run_scoped3A_63 : memref<!tpu.dma_semaphore, #tpu.memory_space<semaphore_mem>>)
      %dma_wait3A_68 = arith.constant 0 : i32
      %dma_wait3A_69 = tpu.memref_slice %arg5[%select_n3A, %dma_wait3A_68] : memref<500x64xf32, #tpu.memory_space<hbm>> -> memref<32x64xf32, #tpu.memory_space<hbm>>
      %dma_wait3A_70 = arith.constant 0 : i32
      %dma_wait3A_71 = tpu.memref_slice %arg5[%select_n3A, %dma_wait3A_70] : memref<500x64xf32, #tpu.memory_space<hbm>> -> memref<32x64xf32, #tpu.memory_space<hbm>>
      tpu.wait_dma2 semaphore(%run_scoped3A_63 : memref<!tpu.dma_semaphore, #tpu.memory_space<semaphore_mem>>) src(%arg9 : memref<32x64xf32, #tpu.memory_space<vmem>>) dst(%dma_wait3A_71 : memref<32x64xf32, #tpu.memory_space<hbm>>)
      tpu.yield
    }) : () -> ()
    return
  }
}

</mosaic_0001>

<sc_bundles>
// kernel: kernel.3.cloned.1.call-start
scs
__scs_entry_jumppad:
0x0: {  	(pc) =	sbr.rel $0x88, $3  }
0x1: {  	(tag) =	ssettag $0x0;
	lr =	simm.s32 $0x1  }
0x2: {  	[smem:$0x3F9D] =	sst lr;
	_ =	strace $0xD0000000  }
0x3: {  	_ = 	snop  }
0x4: {  	_ = 	snop  }
0x5: {  	_ = 	snop  }
0x6: {  	_ = 	snop  }
0x7: {  	_ = 	snop  }
__scs_overlays_trampoline_lowered:
0x8: {  	[smem:$0x3FAC] =	sst s0  }
0x9: {  	[smem:$0x3FAD] =	sst s1  }
0xa: {  	[smem:$0x3FAE] =	sst s2  }
0xb: {  	[smem:$0x3FAF] =	sst s3  }
0xc: {  	[smem:$0x3FB0] =	sst s4  }
0xd: {  	[smem:$0x3FB1] =	sst s5  }
0xe: {  	[smem:$0x3FB2] =	sst s6  }
0xf: {  	[smem:$0x3FB3] =	sst s7  }
0x10: {  	[smem:$0x3FB4] =	sst s8  }
0x11: {  	[smem:$0x3FB5] =	sst s9;
	s0 =	simm.s32 @!p0 $0x0  }
0x12: {  	s1 =	sld [smem:$0x3F9B];
	s0 =	simm.s32 @p0 $0x1  }
0x13: {  	[smem:$0x3FB6] =	sst s0;
	s0 =	simm.s32 @!p1 $0x0  }
0x14: {  	s2 =	sld [smem:$0x3F9A];
	s0 =	simm.s32 @p1 $0x1  }
0x15: {  	[smem:$0x3FB7] =	sst s0;
	s0 =	simm.s32 @!p2 $0x0  }
0x16: {  	s3 =	sld [smem:$0x3FDB];
	s0 =	simm.s32 @p2 $0x1  }
0x17: {  	s4 =	simm.s32 $0x1BF5;
	[smem:$0x3FB9] =	sst s0  }
0x18: {  	s0 =	sld [smem:$0x3F9C];
	_ =	swait.ge [sflag:s4], $0x0  }
0x19: {  	s7 =	sld [smem:$0x3F9D]  }
0x1a: {  	s8 =	sadd.s32 $0xFFFFE003, lr  }
0x1b: {  	s9 =	sadd.s32 $0xFFFFFEF7, lr;
	s5 =	simm.s32 $0xFFFFFFFF;
	p2 =	slt.u32 s8, $0xFFFFF086  }
0x1c: {  	p1 =	slt.u32 s9, $0xF7A;
	s5 =	simm.s32 @!p2 $0x0  }
0x1d: {  	s5 =	simm.s32 @p1 $0x1;
	p0 =	seq.s32 s7, s2  }
0x1e: {  	s7 =	smul.u32 @!p0 $0xF7A, s2;
	p2 =	seq.s32 @!p0 s5, $0x0  }
0x1f: {  	s9 =	smul.u32 $0xF7A, s1;
	s8 =	simm.s32 @!p0 $0x1BF5;
	p2 =	por !p2, p0  }
0x20: {  	[sflag:s8] =	ssyncset.s32 @!p0 $0xFFFFF086;
	s6 =	sadd.s32 @!p0 s3, s7;
	s7 =	simm.s32 @!p0 $0x108  }
0x21: {  	s3 =	sadd.s32 s3, s9;
	s6 =	sadd.s32 @!p0 $0x88, s6;
	s7 =	simm.s32 @p2 $0x1082  }
0x22: {  	[simem:s7], [sflag:s8] =	dma.local @!p0 [hbm:s6], $0xF7A  }
0x23: {  	s9 =	sor.u32 $0xD0000000, s2;
	s6 =	simm.s32 $0x108;
	_ =	swait.ge @!p0 [sflag:s8], $0x0  }
0x24: {  	s3 =	sadd.s32 $0x88, s3;
	s6 =	simm.s32 @!p1 $0x1082;
	[sflag:s4] =	ssyncset.s32 $0xFFFFF086  }
0x25: {  	[simem:s6], [sflag:s4] =	dma.local [hbm:s3], $0xF7A  }
0x26: {  	[smem:$0x3F9D] =	sst s1;
	(tag) =	ssettag s2;
	_ =	strace s9  }
0x27: {  	s1 =	sld [smem:$0x3FAD]  }
0x28: {  	s2 =	sld [smem:$0x3FAE]  }
0x29: {  	s4 =	sld [smem:$0x3FB0]  }
0x2a: {  	p0 =	seq.s32 s5, $0x0;
	s5 =	sld [smem:$0x3FB1]  }
0x2b: {  	s6 =	sld [smem:$0x3FB2]  }
0x2c: {  	s7 =	sld [smem:$0x3FB3]  }
0x2d: {  	s3 =	simm.s32 $0x108;
	s8 =	sld [smem:$0x3FB4]  }
0x2e: {  	s3 =	simm.s32 @!p0 $0x1082;
	s9 =	sld [smem:$0x3FB5]  }
0x2f: {  	lr =	sadd.s32 s0, s3;
	s0 =	sld [smem:$0x3FAC]  }
0x30: {  	s3 =	sld [smem:$0x3FAF]  }
0x31: {  	[smem:$0x3FB8] =	sst s10  }
0x32: {  	s10 =	sld [smem:$0x3FB6];
	_ =	sdelay $0x3  }
0x33: {  	p0 =	seq.s32 s10, $0x1;
	s10 =	sld [smem:$0x3FB8];
	_ =	sdelay $0x3  }
0x34: {  	[smem:$0x3FB8] =	sst s10  }
0x35: {  	s10 =	sld [smem:$0x3FB7];
	_ =	sdelay $0x3  }
0x36: {  	p1 =	seq.s32 s10, $0x1;
	s10 =	sld [smem:$0x3FB8];
	_ =	sdelay $0x3  }
0x37: {  	[smem:$0x3FB8] =	sst s10  }
0x38: {  	s10 =	sld [smem:$0x3FB9]  }
0x39: {  	_ = 	snop;
	(pc) =	sbr.ind lr, $3  }
0x3a: {  	_ = 	snop  }
0x3b: {  	_ = 	snop  }
0x3c: {  	p2 =	seq.s32 s10, $0x1;
	s10 =	sld [smem:$0x3FB8]  }
0x3d: {  	_ =	shalt  }
0x3e: {  	_ =	shalt  }
0x3f: {  	_ =	shalt  }
0x40: {  	_ =	shalt  }
0x41: {  	_ =	shalt  }
0x42: {  	_ =	shalt  }
0x43: {  	_ =	shalt  }
0x44: {  	_ =	shalt  }
0x45: {  	_ =	shalt  }
0x46: {  	_ =	shalt  }
0x47: {  	_ =	shalt  }
0x48: {  	_ =	shalt  }
0x49: {  	_ =	shalt  }
0x4a: {  	_ =	shalt  }
0x4b: {  	_ =	shalt  }
0x4c: {  	_ =	shalt  }
0x4d: {  	_ =	shalt  }
0x4e: {  	_ =	shalt  }
0x4f: {  	_ =	shalt  }
0x50: {  	_ =	shalt  }
0x51: {  	_ =	shalt  }
0x52: {  	_ =	shalt  }
0x53: {  	_ =	shalt  }
0x54: {  	_ =	shalt  }
0x55: {  	_ =	shalt  }
0x56: {  	_ =	shalt  }
0x57: {  	_ =	shalt  }
0x58: {  	_ =	shalt  }
0x59: {  	_ =	shalt  }
0x5a: {  	_ =	shalt  }
0x5b: {  	_ =	shalt  }
0x5c: {  	_ =	shalt  }
0x5d: {  	_ =	shalt  }
0x5e: {  	_ =	shalt  }
0x5f: {  	_ =	shalt  }
0x60: {  	_ =	shalt  }
0x61: {  	_ =	shalt  }
0x62: {  	_ =	shalt  }
0x63: {  	_ =	shalt  }
0x64: {  	_ =	shalt  }
0x65: {  	_ =	shalt  }
0x66: {  	_ =	shalt  }
0x67: {  	_ =	shalt  }
0x68: {  	_ =	shalt  }
0x69: {  	_ =	shalt  }
0x6a: {  	_ =	shalt  }
0x6b: {  	_ =	shalt  }
0x6c: {  	_ =	shalt  }
0x6d: {  	_ =	shalt  }
0x6e: {  	_ =	shalt  }
0x6f: {  	_ =	shalt  }
0x70: {  	_ =	shalt  }
0x71: {  	_ =	shalt  }
0x72: {  	_ =	shalt  }
0x73: {  	_ =	shalt  }
0x74: {  	_ =	shalt  }
0x75: {  	_ =	shalt  }
0x76: {  	_ =	shalt  }
0x77: {  	_ =	shalt  }
0x78: {  	_ =	shalt  }
0x79: {  	_ =	shalt  }
0x7a: {  	_ =	shalt  }
0x7b: {  	_ =	shalt  }
0x7c: {  	_ =	shalt  }
0x7d: {  	_ =	shalt  }
0x7e: {  	_ =	shalt  }
0x7f: {  	_ =	shalt  }
0x80: {  	_ =	shalt  }
0x81: {  	_ =	shalt  }
0x82: {  	_ =	shalt  }
0x83: {  	_ =	shalt  }
0x84: {  	_ =	shalt  }
0x85: {  	_ =	shalt  }
0x86: {  	_ =	shalt  }
0x87: {  	_ =	shalt  }
.Lfunc_end0:
.L_simem_size_0:
called_computation_lowered:
.L_overlay_start_0:
0x88: {  	s0 =	sld [smem:$0x3FD9]  }
0x89: {  	s1 =	sld [smem:$0x3FFE];
	_ =	sdelay $0x3  }
0x8a: {  	s0 =	sadd.s32 s1, s0  }
0x8b: {  	[smem:$0x3FC4] =	sst s0  }
0x8c: {  	_ = 	snop  }
0x8d: {  	s0 =	sld [smem:$0x3FC6]  }
0x8e: {  	s16 =	sld [smem:$0x3FD0];
	(tm) =	ssettm $0x1  }
0x8f: {  	s2 =	sld [smem:$0x3FFB];
	_ =	sdelay $0x3  }
0x90: {  	_ =	strace s2  }
0x91: {  	s2 =	sld [smem:$0x3FFC];
	_ =	sdelay $0x3  }
0x92: {  	_ =	strace s2  }
0x93: {  	s2 =	sld [smem:$0x3FFD];
	_ =	sdelay $0x3  }
0x94: {  	_ =	strace s2  }
0x95: {  	_ =	strace $0x8FFFFFFF  }
0x96: {  	s17 =	sld [smem:$0x3FDB];
	_ =	sdelay $0x1  }
0x97: {  	s3 =	simm.s32 $_scs_section_size  }
0x98: {  	s4 =	simm.s32 $_size__tile_overlayer_lowered;
	s5 =	simm.s32 $_tile_overlayer_lowered  }
0x99: {  	s20 =	simm.s32 $0x1BFF;
	s19 =	sshll.u32 s5, $0x1;
	s2 =	sadd.s32 s3, s17  }
0x9a: {  	s6 =	simm.s32 $0x0;
	s18 =	sshll.u32 s4, $0x1;
	s4 =	sadd.s32 s19, s2  }
0x9b: {  	[timem:s6], [sflag:s20] =	dma.local [hbm:s4], s18  }
0x9c: {  	_ =	swait.ge [sflag:s20], s18  }
0x9d: {  	s3 =	ssub.s32 $0x0, s18;
	[sflag:s20] =	ssyncset.done $0x0  }
0x9e: {  	[sflag:s20] =	ssyncadd.s32 s3;
	_ =	sdelay $0x1  }
0x9f: {  	s21 =	simm.s32 $0x1B8B  }
0xa0: {  	_ =	swait.ge [sflag:s21], $0x1  }
0xa1: {  	[sflag:s21] =	ssyncset.done $0x0  }
0xa2: {  	s23 =	simm.s32 $0x1B8E;
	s22 =	sld [smem:$0x3FFE];
	[sflag:s21] =	ssyncadd.s32 $0xFFFFFFFF  }
0xa3: {  	s24 =	simm.s32 $execute0_lowered;
	[smem:$0x3FD2] =	sst s23  }
0xa4: {  	s4 =	sshll.u32 s24, $0x1;
	_ =	strace $0x80000046;
	[dreg:$0x1] =	wrdreg $0xFFFFFFFF  }
0xa5: {  	s25 =	simm.s32 $_size_execute0_lowered;
	s2 =	sadd.s32 s2, s4;
	[dreg:$0x0] =	wrdreg $0x0  }
0xa6: {  	s4 =	sshll.u32 s25, $0x1;
	[dreg:$0x2] =	wrdreg s2  }
0xa7: {  	[dreg:$0x3] =	wrdreg s4  }
0xa8: {  	[dreg:$0x4] =	wrdreg $0xC0  }
0xa9: {  	_ =	task [dreg:s6], $0x5FFFF  }
0xaa: {  	[dreg:$0x1] =	wrdreg $0xFFFFFFFF  }
0xab: {  	[dreg:$0x0] =	wrdreg $0x60  }
0xac: {  	[dreg:$0x2] =	wrdreg s22  }
0xad: {  	[dreg:$0x3] =	wrdreg s0  }
0xae: {  	[dreg:$0x4] =	wrdreg s16  }
0xaf: {  	[dreg:$0x5] =	wrdreg $0x9  }
0xb0: {  	_ =	task.clear_ibuf [dreg:s6], $0x6FFFF;
	_ =	strace $0x90000046  }
0xb1: {  	s26 =	simm.s32 $0x9;
	_ =	strace $0x80000048  }
0xb2: {  	_ =	swait.ge [sflag:s26], $0x1  }
0xb3: {  	[sflag:s26] =	ssyncadd.s32 $0xFFFFFFFF  }
0xb4: {  	_ =	strace $0x90000048  }
0xb5: {  	_ =	sfence  }
0xb6: {  	s28 =	sld [smem:$0x0];
	_ =	sdelay $0x1  }
0xb7: {  	s29 =	srdreg.scid  }
0xb8: {  	s30 =	sshll.u32 s29, $0xD;
	s31 =	sshrl.u32 s29, $0x2  }
0xb9: {  	s1 =	sand.u32 $0x1, s29;
	s2 =	sand.u32 $0x4000, s30;
	s0 =	sadd.s32 s31, s28  }
0xba: {  	s1 =	sor.u32 s2, s1;
	s0 =	sshll.u32 s0, $0x11  }
0xbb: {  	s0 =	sor.u32 s0, s1  }
0xbc: {  	s0 =	sadd.s32 $0x8F2B, s0  }
0xbd: {  	[sflag:s0] =	ssyncadd.remote.s32 $0x1  }
0xbe: {  	_ =	sfence.sel $0xFFFF  }
0xbf: {  	[dreg:$0x0] =	wrdreg $0xFFFFFFFF;
	(pc) =	sbr.abs _section_cstart, $3  }
0xc0: {  	[dreg:$0x1] =	wrdreg $0xFFFFFFFF  }
0xc1: {  	_ =	task.clear_ibuf [dreg:s6], $0x2FFFF;
	_ =	strace $0x9FFFFFFF  }
0xc2: {  	(tm) =	ssettm $0x7FFFFFFF  }
0xc3: {  	_ =	shalt  }
tec
execute0_lowered:
.L_overlay_start_1:
0x0: {  	(tag) =	ssettag $0x1  }
0x1: {  	s0 =	stileid.u32  }
0x2: {  	s4 =	rddreg [dreg:$0x0];
	s1 =	sshll.u32 s0, $0x8  }
0x3: {  	s5 =	rddreg [dreg:$0x1];
	s3 =	smin.u32 s1, $0xEA0  }
0x4: {  	s2 =	rddreg [dreg:$0x2];
	s6 =	simm.s32 $0x0;
	s7 =	sshrl.u32 s3, $0x3  }
0x5: {  	s26 =	simm.s32 $0x3;
	[smem:$0x7FF] =	sst s6;
	s8 =	sadd.s32 s7, s4  }
0x6: {  	s1 =	rddreg [dreg:$0x3];
	_ =	strace $0x80000047;
	s9 =	sadd.s32 $0x4000, s8  }
0x7: {  	[tilespmem:s6], [sflag:$0x3] =	stream.linear.gather [hbm4b:s9+s6], $0x80, $0x38;
	[tilespmem:$0x4A00] =	vst v63  }
0x8: {  	_ =	swait.ge [sflag:s26], $0x80  }
0x9: {  	[sflag:s26] =	ssyncset.done $0x0  }
0xa: {  	s10 =	simm.s32 $0x80;
	s11 =	simm.s32 $0x200;
	[sflag:s26] =	ssyncadd.s32 $0xFFFFFF80  }
0xb: {  	[tilespmem:s11], [sflag:$0x1] =	stream.indirect.gather [hbm4b:s4+s10], $0x40, s6, s10, $0xb8;
	[tilespmem:$0x4A00] =	vst v63  }
0xc: {  	s8 =	sadd.s32 $0x4010, s8  }
0xd: {  	[tilespmem:s10], [sflag:$0x3] =	stream.linear.gather [hbm4b:s8+s6], $0x80, $0x38;
	[tilespmem:$0x4A00] =	vst v63  }
0xe: {  	_ =	swait.ge [sflag:s26], $0x80  }
0xf: {  	[sflag:s26] =	ssyncset.done $0x0  }
0x10: {  	s28 =	simm.s32 $0x2200;
	[sflag:s26] =	ssyncadd.s32 $0xFFFFFF80  }
0x11: {  	[tilespmem:s28], [sflag:$0x2] =	stream.indirect.gather [hbm4b:s4+s10], $0x40, s10, s10, $0xb8;
	[tilespmem:$0x4A00] =	vst v63  }
0x12: {  	s30 =	simm.s32 $0x100;
	s29 =	sadd.s32 s5, s7  }
0x13: {  	[tilespmem:s30], [sflag:$0x3] =	stream.linear.gather [hbm4b:s29+s6], $0x100, $0x38;
	[tilespmem:$0x4A00] =	vst v63  }
0x14: {  	_ =	swait.ge [sflag:s26], $0x100  }
0x15: {  	[sflag:s26] =	ssyncset.done $0x0  }
0x16: {  	s31 =	simm.s32 $0x1;
	[sflag:s26] =	ssyncadd.s32 $0xFFFFFF00  }
0x17: {  	_ =	swait.ge [sflag:s31], $0x2000  }
0x18: {  	[sflag:s31] =	ssyncset.done $0x0  }
0x19: {  	s4 =	simm.s32 $0x600;
	[sflag:s31] =	ssyncadd.s32 $0xFFFFE000  }
0x1a: {  	v8 =	vld [tilespmem:s4+$0x1C0]  }
0x1b: {  	v9 =	vld [tilespmem:s4+$0x1D0]  }
0x1c: {  	v10 =	vld [tilespmem:s4+$0x180]  }
0x1d: {  	v11 =	vld [tilespmem:s4+$0x190]  }
0x1e: {  	v12 =	vld [tilespmem:s4+$0x140]  }
0x1f: {  	s5 =	simm.s32 $0x110;
	v13 =	vld [tilespmem:s4+$0x150]  }
0x20: {  	v22 =	vld [tilespmem:s5+$0x0]  }
0x21: {  	v14 =	vld [tilespmem:s4+$0x100]  }
0x22: {  	v15 =	vld [tilespmem:s4+$0x110]  }
0x23: {  	v16 =	vld [tilespmem:s4+$0xC0]  }
0x24: {  	v17 =	vld [tilespmem:s4+$0xD0]  }
0x25: {  	v18 =	vld [tilespmem:s4+$0x80]  }
0x26: {  	v0 =	vimm.s32 $0x0;
	v1 =	vimm.s32 $0x2;
	v21 =	vld [tilespmem:s4+$0x90]  }
0x27: {  	v2 =	vimm.s32 $0x4;
	v3 =	vimm.s32 $0x6;
	v4 =	vimm.s32 $0x7;
	v25 =	vld [tilespmem:s4+$0x40]  }
0x28: {  	v5 =	vimm.s32 $0x5;
	v30 =	vld [tilespmem:s4+$0x50];
	v19 =	vperm.xlane v22, v3;
	v20 =	vperm.xlane v22, v4  }
0x29: {  	v6 =	vimm.s32 $0x3;
	v31 =	vld [tilespmem:s4+$0x0];
	v23 =	vperm.xlane v22, v2;
	v24 =	vperm.xlane v22, v5  }
0x2a: {  	v7 =	vimm.s32 $0x1;
	v32 =	vld [tilespmem:s4+$0x10];
	v26 =	vperm.xlane v22, v1;
	v27 =	vperm.xlane v22, v6  }
0x2b: {  	v33 =	vld [tilespmem:s4+$0x20];
	v28 =	vperm.xlane v22, v0;
	v29 =	vperm.xlane v22, v7  }
0x2c: {  	v34 =	vld [tilespmem:s4+$0x30];
	v8 =	vmul.f32 v8, v20;
	v9 =	vmul.f32 v9, v20  }
0x2d: {  	v35 =	vld [tilespmem:s4+$0x60];
	v10 =	vmul.f32 v10, v19;
	v11 =	vmul.f32 v11, v19  }
0x2e: {  	v36 =	vld [tilespmem:s4+$0x70];
	v12 =	vmul.f32 v12, v24;
	v13 =	vmul.f32 v13, v24  }
0x2f: {  	v37 =	vld [tilespmem:s4+$0xA0];
	v14 =	vmul.f32 v14, v23;
	v15 =	vmul.f32 v15, v23  }
0x30: {  	v38 =	vld [tilespmem:s4+$0xB0];
	v16 =	vmul.f32 v16, v27;
	v17 =	vmul.f32 v17, v27  }
0x31: {  	v52 =	vld [tilespmem:s4+$0xE0];
	v31 =	vmul.f32 v31, v28;
	v18 =	vmul.f32 v18, v26  }
0x32: {  	v53 =	vld [tilespmem:s4+$0xF0];
	v32 =	vmul.f32 v32, v28;
	v21 =	vmul.f32 v21, v26  }
0x33: {  	v54 =	vld [tilespmem:s4+$0x120];
	v33 =	vmul.f32 v33, v28;
	v25 =	vmul.f32 v25, v29;
	v31 =	vadd.f32 $0.0e+00, v31  }
0x34: {  	v55 =	vld [tilespmem:s4+$0x130];
	v28 =	vmul.f32 v34, v28;
	v30 =	vmul.f32 v30, v29;
	v32 =	vadd.f32 $0.0e+00, v32  }
0x35: {  	v56 =	vld [tilespmem:s4+$0xFFFFFC30];
	v33 =	vadd.f32 $0.0e+00, v33;
	v25 =	vadd.f32 v25, v31;
	v31 =	vmul.f32 v35, v29  }
0x36: {  	v57 =	vld [tilespmem:s4+$0xFFFFFC50];
	v28 =	vadd.f32 $0.0e+00, v28;
	v30 =	vadd.f32 v30, v32;
	v29 =	vmul.f32 v36, v29  }
0x37: {  	v58 =	vld [tilespmem:s4+$0xFFFFFC60];
	v31 =	vadd.f32 v31, v33;
	v18 =	vadd.f32 v18, v25;
	v25 =	vmul.f32 v37, v26  }
0x38: {  	v28 =	vadd.f32 v29, v28;
	v21 =	vadd.f32 v21, v30;
	v26 =	vmul.f32 v38, v26;
	v29 =	vld [tilespmem:s4+$0x160]  }
0x39: {  	v30 =	vld [tilespmem:s4+$0x170];
	v25 =	vadd.f32 v25, v31;
	v16 =	vadd.f32 v16, v18;
	v18 =	vmul.f32 v52, v27  }
0x3a: {  	v26 =	vadd.f32 v26, v28;
	v17 =	vadd.f32 v17, v21;
	v21 =	vmul.f32 v53, v27;
	v27 =	vld [tilespmem:s4+$0x1A0]  }
0x3b: {  	v18 =	vadd.f32 v18, v25;
	v14 =	vadd.f32 v14, v16;
	v16 =	vmul.f32 v54, v23;
	v25 =	vld [tilespmem:s4+$0x1B0]  }
0x3c: {  	v21 =	vadd.f32 v21, v26;
	v15 =	vadd.f32 v15, v17;
	v17 =	vmul.f32 v55, v23;
	v23 =	vld [tilespmem:s4+$0x1E0]  }
0x3d: {  	v26 =	vld [tilespmem:s4+$0x1F0];
	v18 =	vadd.f32 v16, v18;
	v12 =	vadd.f32 v12, v14;
	v14 =	vmul.f32 v29, v24  }
0x3e: {  	v59 =	vld [tilespmem:s4+$0xFFFFFC70];
	v17 =	vadd.f32 v17, v21;
	v13 =	vadd.f32 v13, v15;
	v15 =	vmul.f32 v30, v24  }
0x3f: {  	v35 =	vld [tilespmem:s4+$0xFFFFFCB0];
	v14 =	vadd.f32 v14, v18;
	v10 =	vadd.f32 v10, v12;
	v12 =	vmul.f32 v27, v19  }
0x40: {  	v28 =	vld [tilespmem:s4+$0xFFFFFC00];
	v15 =	vadd.f32 v15, v17;
	v11 =	vadd.f32 v11, v13;
	v13 =	vmul.f32 v25, v19  }
0x41: {  	v16 =	vld [tilespmem:s5+$0xFFFFFFF0];
	v12 =	vadd.f32 v12, v14;
	v8 =	vadd.f32 v8, v10;
	v10 =	vmul.f32 v23, v20  }
0x42: {  	s6 =	simm.s32 $0x4280;
	v55 =	vld [tilespmem:s4+$0xFFFFFC90];
	v9 =	vadd.f32 v9, v11;
	v11 =	vmul.f32 v26, v20;
	v13 =	vadd.f32 v13, v15  }
0x43: {  	v29 =	vld [tilespmem:s4+$0xFFFFFC10];
	v10 =	vadd.f32 v10, v12;
	[tilespmem:s6+$0x0] =	vst v8  }
0x44: {  	v30 =	vld [tilespmem:s4+$0xFFFFFC20];
	[tilespmem:s6+$0x10] =	vst v9;
	v8 =	vadd.f32 v11, v13  }
0x45: {  	v26 =	vld [tilespmem:s4+$0xFFFFFC40];
	[tilespmem:s6+$0x20] =	vst v10  }
0x46: {  	v44 =	vperm.xlane v16, v0;
	v0 =	vld [tilespmem:s4+$0xFFFFFC80];
	[tilespmem:s6+$0x30] =	vst v8  }
0x47: {  	v18 =	vld [tilespmem:s4+$0x3C0]  }
0x48: {  	v19 =	vld [tilespmem:s4+$0x3D0]  }
0x49: {  	v17 =	vld [tilespmem:s4+$0x3E0]  }
0x4a: {  	v37 =	vld [tilespmem:s4+$0x3F0]  }
0x4b: {  	v20 =	vld [tilespmem:s4+$0x380]  }
0x4c: {  	v21 =	vld [tilespmem:s4+$0x390]  }
0x4d: {  	v60 =	vld [tilespmem:s4+$0x3B0]  }
0x4e: {  	v15 =	vld [tilespmem:s4+$0x230]  }
0x4f: {  	v23 =	vld [tilespmem:s4+$0x340]  }
0x50: {  	v31 =	vld [tilespmem:s4+$0x270]  }
0x51: {  	v14 =	vimm.s32 $0xE;
	v9 =	vimm.s32 $0x9;
	v39 =	vld [tilespmem:s4+$0x2B0]  }
0x52: {  	v47 =	vperm.xlane v16, v7;
	v12 =	vimm.s32 $0xC;
	v45 =	vperm.xlane v22, v9;
	v40 =	vld [tilespmem:s4+$0x2F0]  }
0x53: {  	v11 =	vimm.s32 $0xB;
	v28 =	vmul.f32 v28, v44;
	v29 =	vmul.f32 v29, v44;
	v41 =	vld [tilespmem:s4+$0x370]  }
0x54: {  	v13 =	vimm.s32 $0xD;
	v30 =	vmul.f32 v30, v44;
	v34 =	vmul.f32 v57, v47;
	v42 =	vld [tilespmem:s4+$0x330]  }
0x55: {  	v36 =	vmul.f32 v59, v47;
	v10 =	vimm.s32 $0xA;
	v8 =	vimm.s32 $0x8;
	v24 =	vld [tilespmem:s4+$0x300]  }
0x56: {  	v32 =	vperm.xlane v22, v10;
	v53 =	vadd.f32 $0.0e+00, v29;
	v29 =	vmul.f32 v56, v44;
	v25 =	vld [tilespmem:s4+$0x2C0]  }
0x57: {  	v51 =	vadd.f32 $0.0e+00, v28;
	v26 =	vmul.f32 v26, v47;
	v56 =	vperm.xlane v16, v1;
	v46 =	vld [tilespmem:s4+$0x240]  }
0x58: {  	v62 =	vadd.f32 $0.0e+00, v30;
	v1 =	vperm.xlane v16, v6;
	v43 =	vperm.xlane v22, v8;
	v52 =	vld [tilespmem:s4+$0x200]  }
0x59: {  	v27 =	vld [tilespmem:s4+$0x280];
	v54 =	vadd.f32 $0.0e+00, v29;
	v51 =	vadd.f32 v26, v51;
	v26 =	vmul.f32 v58, v47  }
0x5a: {  	v29 =	vperm.xlane v22, v13;
	v34 =	vadd.f32 v34, v53;
	v47 =	vld [tilespmem:s4+$0xFFFFFCD0];
	v61 =	vmul.f32 v15, v43  }
0x5b: {  	v48 =	vld [tilespmem:s4+$0x250];
	v35 =	vmul.f32 v35, v56;
	v33 =	vadd.f32 v26, v62;
	v31 =	vmul.f32 v31, v45  }
0x5c: {  	v50 =	vld [tilespmem:s4+$0x260];
	v39 =	vmul.f32 v39, v32;
	v41 =	vmul.f32 v41, v29;
	v49 =	vadd.f32 $0.0e+00, v61  }
0x5d: {  	v44 =	vld [tilespmem:s4+$0x220];
	v15 =	vimm.s32 $0xF;
	v58 =	vmul.f32 v52, v43;
	v59 =	vmul.f32 v46, v45  }
0x5e: {  	v27 =	vmul.f32 v27, v32;
	v28 =	vadd.f32 v31, v49;
	v31 =	vperm.xlane v22, v11;
	v49 =	vld [tilespmem:s4+$0x210]  }
0x5f: {  	v53 =	vld [tilespmem:s4+$0xFFFFFCC0];
	v36 =	vadd.f32 v36, v54;
	v26 =	vperm.xlane v22, v15;
	v47 =	vmul.f32 v47, v1  }
0x60: {  	v62 =	vld [tilespmem:s4+$0xFFFFFD10];
	v30 =	vadd.f32 v39, v28;
	v63 =	vmul.f32 v40, v31;
	v28 =	vperm.xlane v22, v12  }
0x61: {  	v52 =	vld [tilespmem:s4+$0xFFFFFCF0];
	v35 =	vadd.f32 v35, v36;
	v40 =	vmul.f32 v0, v56;
	v0 =	vmul.f32 v55, v56  }
0x62: {  	v46 =	vld [tilespmem:s4+$0xFFFFFD50];
	v37 =	vmul.f32 v37, v26;
	v30 =	vadd.f32 v63, v30;
	v57 =	vmul.f32 v42, v28  }
0x63: {  	v25 =	vmul.f32 v25, v31;
	v42 =	vld [tilespmem:s4+$0xFFFFFCA0];
	v34 =	vadd.f32 v0, v34;
	v49 =	vmul.f32 v49, v43  }
0x64: {  	v61 =	vld [tilespmem:s4+$0xFFFFFD00];
	v40 =	vadd.f32 v40, v51;
	v39 =	vadd.f32 v57, v30;
	v30 =	vperm.xlane v22, v14  }
0x65: {  	v55 =	vld [tilespmem:s4+$0xFFFFFDC0];
	v57 =	vperm.xlane v16, v2;
	v34 =	vadd.f32 v47, v34;
	v63 =	vadd.f32 $0.0e+00, v49  }
0x66: {  	v51 =	vld [tilespmem:s4+$0xFFFFFD40];
	v22 =	vadd.f32 v41, v39;
	v38 =	vmul.f32 v60, v30;
	v60 =	vmul.f32 v48, v45  }
0x67: {  	v47 =	vld [tilespmem:s4+$0xFFFFFD80];
	v45 =	vmul.f32 v50, v45;
	v41 =	vadd.f32 $0.0e+00, v58;
	v62 =	vmul.f32 v62, v57  }
0x68: {  	v39 =	vld [tilespmem:s4+$0xFFFFFCE0];
	v42 =	vmul.f32 v42, v56;
	v56 =	vmul.f32 v53, v1;
	v22 =	vadd.f32 v38, v22  }
0x69: {  	v61 =	vmul.f32 v61, v57;
	v50 =	vld [tilespmem:s4+$0xFFFFFD90];
	v38 =	vadd.f32 v59, v41;
	v34 =	vadd.f32 v62, v34  }
0x6a: {  	v41 =	vld [tilespmem:s4+$0xFFFFFD30];
	v33 =	vadd.f32 v42, v33;
	v40 =	vadd.f32 v56, v40;
	v56 =	vperm.xlane v16, v3  }
0x6b: {  	v59 =	vld [tilespmem:s4+$0xFFFFFD70];
	v22 =	vadd.f32 v37, v22;
	v37 =	vmul.f32 v44, v43;
	v44 =	vadd.f32 v60, v63  }
0x6c: {  	v43 =	vld [tilespmem:s4+$0xFFFFFD20];
	v60 =	vmul.f32 v52, v1;
	v63 =	vperm.xlane v16, v5;
	v27 =	vadd.f32 v27, v38  }
0x6d: {  	v49 =	vld [tilespmem:s4+$0xFFFFFD60];
	v58 =	vmul.f32 v39, v1;
	v36 =	vadd.f32 v61, v40;
	v61 =	vmul.f32 v47, v56  }
0x6e: {  	v1 =	vld [tilespmem:s4+$0xFFFFFDA0];
	v50 =	vmul.f32 v50, v56;
	v35 =	vadd.f32 v60, v35;
	v54 =	vmul.f32 v51, v63  }
0x6f: {  	v5 =	vld [tilespmem:s4+$0xFFFFFDB0];
	v46 =	vmul.f32 v46, v63;
	v60 =	vperm.xlane v16, v4;
	v37 =	vadd.f32 $0.0e+00, v37  }
0x70: {  	v25 =	vadd.f32 v25, v27;
	v33 =	vadd.f32 v58, v33;
	v2 =	vmul.f32 v41, v57;
	v58 =	vld [tilespmem:s4+$0xFFFFFDD0]  }
0x71: {  	v62 =	vld [tilespmem:s4+$0xFFFFFDF0];
	v39 =	vmul.f32 v59, v63;
	v36 =	vadd.f32 v54, v36;
	v0 =	vmul.f32 v43, v57  }
0x72: {  	v59 =	vld [tilespmem:s4+$0xFFFFFDE0];
	v34 =	vadd.f32 v46, v34;
	v48 =	vmul.f32 v55, v60;
	v35 =	vadd.f32 v2, v35  }
0x73: {  	v3 =	vld [tilespmem:s4+$0x2E0];
	v57 =	vmul.f32 v49, v63;
	v43 =	vmul.f32 v1, v56;
	v33 =	vadd.f32 v0, v33  }
0x74: {  	v4 =	vld [tilespmem:s4+$0x310];
	v36 =	vadd.f32 v61, v36;
	v35 =	vadd.f32 v39, v35;
	v0 =	vmul.f32 v5, v56  }
0x75: {  	v63 =	vld [tilespmem:s4+$0x290];
	v34 =	vadd.f32 v50, v34;
	v49 =	vmul.f32 v58, v60;
	v33 =	vadd.f32 v57, v33  }
0x76: {  	v46 =	vmul.f32 v62, v60;
	v1 =	vld [tilespmem:s4+$0x2A0];
	v36 =	vadd.f32 v48, v36;
	v35 =	vadd.f32 v0, v35  }
0x77: {  	v2 =	vld [tilespmem:s4+$0x2D0];
	v42 =	vmul.f32 v59, v60;
	v34 =	vadd.f32 v49, v34;
	v33 =	vadd.f32 v43, v33  }
0x78: {  	v24 =	vmul.f32 v24, v28;
	v37 =	vadd.f32 v45, v37;
	v45 =	vld [tilespmem:s4+$0x360];
	[tilespmem:s6+$0xFFFFFF80] =	vst v36;
	v35 =	vadd.f32 v46, v35  }
0x79: {  	v5 =	vld [tilespmem:s4+$0x320];
	[tilespmem:s6+$0xFFFFFF90] =	vst v34;
	v33 =	vadd.f32 v42, v33  }
0x7a: {  	v23 =	vmul.f32 v23, v29;
	v24 =	vadd.f32 v24, v25;
	v48 =	vld [tilespmem:s4+$0x3A0];
	v39 =	vmul.f32 v63, v32;
	[tilespmem:s6+$0xFFFFFFB0] =	vst v35  }
0x7b: {  	v20 =	vmul.f32 v20, v30;
	v32 =	vmul.f32 v1, v32;
	v42 =	vld [tilespmem:s4+$0x350];
	[tilespmem:s6+$0xFFFFFFA0] =	vst v33  }
0x7c: {  	v23 =	vadd.f32 v23, v24;
	v46 =	vmul.f32 v2, v31;
	v39 =	vadd.f32 v39, v44;
	v27 =	vld [tilespmem:s4+$0xFFFFFE00]  }
0x7d: {  	v18 =	vmul.f32 v18, v26;
	v31 =	vmul.f32 v3, v31;
	v32 =	vadd.f32 v32, v37;
	v51 =	vld [tilespmem:s4+$0xFFFFFE10]  }
0x7e: {  	v20 =	vadd.f32 v20, v23;
	v49 =	vmul.f32 v4, v28;
	v50 =	vadd.f32 v46, v39;
	v25 =	vld [tilespmem:s4+$0xFFFFFE20]  }
0x7f: {  	v28 =	vmul.f32 v5, v28;
	v31 =	vadd.f32 v31, v32;
	v24 =	vld [tilespmem:s4+$0xFFFFFE40]  }
0x80: {  	v18 =	vadd.f32 v18, v20;
	v52 =	vadd.f32 v49, v50;
	v20 =	vld [tilespmem:s4+$0xFFFFFE90];
	v34 =	vmul.f32 v42, v29  }
0x81: {  	v19 =	vmul.f32 v19, v26;
	v54 =	vld [tilespmem:s4+$0xFFFFFE50];
	v28 =	vadd.f32 v28, v31;
	v29 =	vmul.f32 v45, v29  }
0x82: {  	v21 =	vmul.f32 v21, v30;
	v53 =	vperm.xlane v16, v8;
	v23 =	vld [tilespmem:s4+$0xFFFFFE60];
	v33 =	vadd.f32 v34, v52  }
0x83: {  	v57 =	vperm.xlane v16, v10;
	v30 =	vmul.f32 v48, v30;
	v31 =	vld [tilespmem:s4+$0xFFFFFE30];
	v28 =	vadd.f32 v29, v28  }
0x84: {  	v17 =	vmul.f32 v17, v26;
	v55 =	vld [tilespmem:s4+$0xFFFFFE70];
	v29 =	vperm.xlane v16, v9;
	v21 =	vadd.f32 v21, v33  }
0x85: {  	v56 =	vld [tilespmem:s4+$0xFFFFFEB0];
	v27 =	vmul.f32 v27, v53;
	v20 =	vmul.f32 v20, v57;
	v26 =	vadd.f32 v30, v28  }
0x86: {  	v28 =	vld [tilespmem:s4+$0xFFFFFE80];
	v24 =	vmul.f32 v24, v29;
	v30 =	vadd.f32 v19, v21;
	v19 =	vmul.f32 v51, v53  }
0x87: {  	v26 =	vadd.f32 v17, v26;
	v17 =	vadd.f32 $0.0e+00, v27;
	v21 =	vmul.f32 v25, v53;
	v25 =	vld [tilespmem:s4+$0xFFFFFEA0]  }
0x88: {  	v58 =	vld [tilespmem:s4+$0xFFFFFEC0];
	v31 =	vmul.f32 v31, v53;
	v27 =	vmul.f32 v54, v29;
	v19 =	vadd.f32 $0.0e+00, v19  }
0x89: {  	v23 =	vmul.f32 v23, v29;
	v21 =	vadd.f32 $0.0e+00, v21;
	v17 =	vadd.f32 v24, v17;
	v24 =	vld [tilespmem:s4+$0xFFFFFED0]  }
0x8a: {  	v59 =	vld [tilespmem:s4+$0xFFFFFEE0];
	v31 =	vadd.f32 $0.0e+00, v31;
	v29 =	vmul.f32 v55, v29;
	v19 =	vadd.f32 v27, v19  }
0x8b: {  	v27 =	vperm.xlane v16, v11;
	v21 =	vadd.f32 v23, v21;
	v23 =	vmul.f32 v28, v57;
	v28 =	vld [tilespmem:s4+$0xFFFFFEF0]  }
0x8c: {  	[tilespmem:s6+$0x40] =	vst v18;
	v18 =	vperm.xlane v16, v13;
	v60 =	vld [tilespmem:s4+$0xFFFFFF00];
	v29 =	vadd.f32 v29, v31;
	v25 =	vmul.f32 v25, v57  }
0x8d: {  	v62 =	vld [tilespmem:s4+$0xFFFFFF10];
	v17 =	vadd.f32 v23, v17;
	v61 =	vadd.f32 v20, v19;
	v20 =	vmul.f32 v58, v27  }
0x8e: {  	v31 =	vmul.f32 v56, v57;
	v19 =	vld [tilespmem:s4+$0xFFFFFF20];
	v63 =	vadd.f32 v25, v21;
	v21 =	vmul.f32 v24, v27  }
0x8f: {  	[tilespmem:s6+$0x70] =	vst v22;
	v23 =	vperm.xlane v16, v12;
	v24 =	vmul.f32 v59, v27;
	v22 =	vadd.f32 v20, v17;
	v20 =	vld [tilespmem:s4+$0xFFFFFF30]  }
0x90: {  	v31 =	vadd.f32 v31, v29;
	v25 =	vadd.f32 v21, v61;
	v28 =	vmul.f32 v28, v27;
	v21 =	vld [tilespmem:s4+$0xFFFFFF40]  }
0x91: {  	[tilespmem:s6+$0x50] =	vst v30;
	v17 =	vperm.xlane v16, v14;
	v29 =	vmul.f32 v60, v23;
	v27 =	vadd.f32 v24, v63;
	v24 =	vld [tilespmem:s4+$0xFFFFFF50]  }
0x92: {  	s7 =	simm.s32 $0x4280;
	s9 =	simm.s32 $0xE00;
	s8 =	simm.s32 $0x0;
	[tilespmem:s6+$0x60] =	vst v26;
	v26 =	vld [tilespmem:s4+$0xFFFFFF60];
	v16 =	vperm.xlane v16, v15;
	v30 =	vmul.f32 v62, v23;
	v28 =	vadd.f32 v28, v31  }
.LBB2_1:
0x93: {  	v31 =	vld [tilespmem:s9+$0x1C0];
	v29 =	vadd.f32 v29, v22;
	v19 =	vmul.f32 v19, v23  }
0x94: {  	v32 =	vld [tilespmem:s9+$0x1D0];
	v25 =	vadd.f32 v30, v25;
	v20 =	vmul.f32 v20, v23  }
0x95: {  	v23 =	vld [tilespmem:s9+$0x180];
	v19 =	vadd.f32 v19, v27;
	v21 =	vmul.f32 v21, v18  }
0x96: {  	v27 =	vld [tilespmem:s9+$0x190];
	v22 =	vadd.f32 v20, v28;
	v20 =	vmul.f32 v24, v18  }
0x97: {  	v24 =	vld [tilespmem:s9+$0x140];
	v21 =	vadd.f32 v21, v29;
	v26 =	vmul.f32 v26, v18  }
0x98: {  	s5 =	sadd.s32 $0x20, s5;
	v28 =	vld [tilespmem:s9+$0x150];
	v20 =	vadd.f32 v20, v25  }
0x99: {  	v29 =	vld [tilespmem:s5+$0x0];
	v19 =	vadd.f32 v26, v19  }
0x9a: {  	v25 =	vld [tilespmem:s9+$0x100]  }
0x9b: {  	v26 =	vld [tilespmem:s9+$0x110]  }
0x9c: {  	v3 =	vimm.s32 $0x6;
	v4 =	vimm.s32 $0x7;
	v30 =	vld [tilespmem:s9+$0xC0]  }
0x9d: {  	v2 =	vimm.s32 $0x4;
	v5 =	vimm.s32 $0x5;
	v1 =	vimm.s32 $0x2;
	v33 =	vld [tilespmem:s9+$0xD0]  }
0x9e: {  	v6 =	vimm.s32 $0x3;
	v34 =	vld [tilespmem:s9+$0x80];
	v35 =	vperm.xlane v29, v3;
	v36 =	vperm.xlane v29, v4  }
0x9f: {  	v0 =	vimm.s32 $0x0;
	v38 =	vperm.xlane v29, v2;
	v39 =	vperm.xlane v29, v5;
	v37 =	vld [tilespmem:s9+$0x90]  }
0xa0: {  	v7 =	vimm.s32 $0x1;
	v41 =	vperm.xlane v29, v1;
	v42 =	vperm.xlane v29, v6;
	v40 =	vld [tilespmem:s9+$0x40]  }
0xa1: {  	v43 =	vperm.xlane v29, v0;
	v44 =	vperm.xlane v29, v7;
	v45 =	vld [tilespmem:s9+$0x50]  }
0xa2: {  	v31 =	vmul.f32 v31, v36;
	v32 =	vmul.f32 v32, v36;
	v46 =	vld [tilespmem:s9+$0x0]  }
0xa3: {  	v23 =	vmul.f32 v23, v35;
	v27 =	vmul.f32 v27, v35;
	v47 =	vld [tilespmem:s9+$0x10]  }
0xa4: {  	v24 =	vmul.f32 v24, v39;
	v28 =	vmul.f32 v28, v39;
	v48 =	vld [tilespmem:s9+$0x20]  }
0xa5: {  	v25 =	vmul.f32 v25, v38;
	v26 =	vmul.f32 v26, v38;
	v49 =	vld [tilespmem:s9+$0x30]  }
0xa6: {  	v30 =	vmul.f32 v30, v42;
	v33 =	vmul.f32 v33, v42;
	v50 =	vld [tilespmem:s9+$0x60]  }
0xa7: {  	v34 =	vmul.f32 v34, v41;
	v46 =	vmul.f32 v46, v43;
	v51 =	vld [tilespmem:s9+$0x70]  }
0xa8: {  	v37 =	vmul.f32 v37, v41;
	v47 =	vmul.f32 v47, v43;
	v52 =	vld [tilespmem:s9+$0xA0]  }
0xa9: {  	v40 =	vmul.f32 v40, v44;
	v46 =	vadd.f32 $0.0e+00, v46;
	v48 =	vmul.f32 v48, v43;
	v53 =	vld [tilespmem:s9+$0xB0]  }
0xaa: {  	v45 =	vmul.f32 v45, v44;
	v47 =	vadd.f32 $0.0e+00, v47;
	v43 =	vmul.f32 v49, v43;
	v49 =	vld [tilespmem:s9+$0xE0]  }
0xab: {  	s8 =	sadd.s32 $0x2, s8;
	v48 =	vadd.f32 $0.0e+00, v48;
	v40 =	vadd.f32 v40, v46;
	v46 =	vmul.f32 v50, v44;
	v50 =	vld [tilespmem:s9+$0xF0]  }
0xac: {  	p0 =	slt.u32 s8, $0x6;
	v43 =	vadd.f32 $0.0e+00, v43;
	v45 =	vadd.f32 v45, v47;
	v44 =	vmul.f32 v51, v44;
	v47 =	vld [tilespmem:s9+$0x120]  }
0xad: {  	v46 =	vadd.f32 v46, v48;
	v34 =	vadd.f32 v34, v40;
	v40 =	vmul.f32 v52, v41;
	v48 =	vld [tilespmem:s9+$0x130]  }
0xae: {  	v43 =	vadd.f32 v44, v43;
	v37 =	vadd.f32 v37, v45;
	v41 =	vmul.f32 v53, v41;
	v44 =	vld [tilespmem:s9+$0x160]  }
0xaf: {  	v40 =	vadd.f32 v40, v46;
	v30 =	vadd.f32 v30, v34;
	v34 =	vmul.f32 v49, v42;
	v45 =	vld [tilespmem:s9+$0x170]  }
0xb0: {  	v41 =	vadd.f32 v41, v43;
	v33 =	vadd.f32 v33, v37;
	v37 =	vmul.f32 v50, v42;
	v42 =	vld [tilespmem:s9+$0x1A0]  }
0xb1: {  	v34 =	vadd.f32 v34, v40;
	v25 =	vadd.f32 v25, v30;
	v30 =	vmul.f32 v47, v38;
	v40 =	vld [tilespmem:s9+$0x1B0]  }
0xb2: {  	v37 =	vadd.f32 v37, v41;
	v26 =	vadd.f32 v26, v33;
	v33 =	vmul.f32 v48, v38;
	v38 =	vld [tilespmem:s9+$0x1E0]  }
0xb3: {  	v30 =	vadd.f32 v30, v34;
	v24 =	vadd.f32 v24, v25;
	v25 =	vmul.f32 v44, v39;
	v34 =	vld [tilespmem:s9+$0x1F0]  }
0xb4: {  	v46 =	vld [tilespmem:s5+$0xFFFFFFF0];
	v33 =	vadd.f32 v33, v37;
	v26 =	vadd.f32 v28, v26;
	v28 =	vmul.f32 v45, v39  }
0xb5: {  	v39 =	vld [tilespmem:s9+$0xFFFFFC00];
	v25 =	vadd.f32 v25, v30;
	v23 =	vadd.f32 v23, v24;
	v24 =	vmul.f32 v42, v35  }
0xb6: {  	v30 =	vld [tilespmem:s9+$0xFFFFFC10];
	v28 =	vadd.f32 v28, v33;
	v26 =	vadd.f32 v27, v26;
	v27 =	vmul.f32 v40, v35  }
0xb7: {  	v33 =	vld [tilespmem:s9+$0xFFFFFC20];
	v24 =	vadd.f32 v24, v25;
	v23 =	vadd.f32 v31, v23;
	v25 =	vmul.f32 v38, v36  }
0xb8: {  	s6 =	sadd.s32 $0x100, s6;
	v31 =	vld [tilespmem:s9+$0xFFFFFC30];
	v27 =	vadd.f32 v27, v28;
	v26 =	vadd.f32 v32, v26;
	v28 =	vmul.f32 v34, v36  }
0xb9: {  	v32 =	vperm.xlane v46, v0;
	v40 =	vperm.xlane v46, v7;
	v34 =	vld [tilespmem:s9+$0xFFFFFC40];
	v24 =	vadd.f32 v25, v24;
	[tilespmem:s6+$0x0] =	vst v23  }
0xba: {  	v37 =	vperm.xlane v46, v1;
	v36 =	vperm.xlane v46, v6;
	v23 =	vld [tilespmem:s9+$0xFFFFFC50];
	v25 =	vadd.f32 v28, v27;
	[tilespmem:s6+$0x10] =	vst v26  }
0xbb: {  	v26 =	vmul.f32 v39, v32;
	v27 =	vmul.f32 v30, v32;
	v28 =	vld [tilespmem:s9+$0xFFFFFC60];
	[tilespmem:s6+$0x20] =	vst v24  }
0xbc: {  	v35 =	vperm.xlane v46, v2;
	v24 =	vmul.f32 v33, v32;
	v30 =	vld [tilespmem:s9+$0xFFFFFC70];
	[tilespmem:s6+$0x30] =	vst v25  }
0xbd: {  	v25 =	vadd.f32 $0.0e+00, v26;
	v26 =	vadd.f32 $0.0e+00, v27;
	v27 =	vmul.f32 v31, v32;
	v42 =	vld [tilespmem:s9+$0x3C0]  }
0xbe: {  	v24 =	vadd.f32 $0.0e+00, v24;
	v31 =	vmul.f32 v34, v40;
	v34 =	vperm.xlane v46, v5;
	v43 =	vld [tilespmem:s9+$0x3D0]  }
0xbf: {  	v33 =	vperm.xlane v46, v3;
	v32 =	vadd.f32 $0.0e+00, v27;
	v23 =	vmul.f32 v23, v40;
	v44 =	vld [tilespmem:s9+$0x3E0]  }
0xc0: {  	v38 =	vadd.f32 v31, v25;
	v25 =	vmul.f32 v28, v40;
	v31 =	vperm.xlane v46, v4;
	v45 =	vld [tilespmem:s9+$0x3F0]  }
0xc1: {  	v27 =	vperm.xlane v46, v8;
	v39 =	vadd.f32 v23, v26;
	v23 =	vmul.f32 v30, v40;
	v47 =	vld [tilespmem:s9+$0x380]  }
0xc2: {  	v26 =	vperm.xlane v46, v9;
	v40 =	vadd.f32 v25, v24;
	v25 =	vperm.xlane v46, v10;
	v48 =	vld [tilespmem:s9+$0x390]  }
0xc3: {  	v24 =	vperm.xlane v46, v11;
	v41 =	vadd.f32 v23, v32;
	v23 =	vperm.xlane v46, v12;
	v49 =	vld [tilespmem:s9+$0x3A0]  }
0xc4: {  	v30 =	vperm.xlane v46, v14;
	v32 =	vperm.xlane v46, v13;
	v50 =	vld [tilespmem:s9+$0x3B0]  }
0xc5: {  	v28 =	vperm.xlane v46, v15;
	v46 =	vld [tilespmem:s9+$0x230]  }
0xc6: {  	v51 =	vld [tilespmem:s9+$0x340]  }
0xc7: {  	v52 =	vld [tilespmem:s9+$0x270]  }
0xc8: {  	v53 =	vperm.xlane v29, v8;
	v54 =	vld [tilespmem:s9+$0x350]  }
0xc9: {  	v55 =	vld [tilespmem:s9+$0x2B0]  }
0xca: {  	v56 =	vperm.xlane v29, v9;
	v46 =	vmul.f32 v46, v53;
	v57 =	vld [tilespmem:s9+$0x360]  }
0xcb: {  	v58 =	vld [tilespmem:s9+$0x2F0]  }
0xcc: {  	v59 =	vperm.xlane v29, v10;
	v46 =	vadd.f32 $0.0e+00, v46;
	v52 =	vmul.f32 v52, v56;
	v60 =	vld [tilespmem:s9+$0x370]  }
0xcd: {  	v61 =	vld [tilespmem:s9+$0x330]  }
0xce: {  	v46 =	vadd.f32 v52, v46;
	v52 =	vmul.f32 v55, v59;
	v55 =	vperm.xlane v29, v11;
	v62 =	vld [tilespmem:s9+$0x300]  }
0xcf: {  	v63 =	vld [tilespmem:s9+$0x310]  }
0xd0: {  	v46 =	vadd.f32 v52, v46;
	v52 =	vmul.f32 v58, v55;
	v58 =	vperm.xlane v29, v12;
	v0 =	vld [tilespmem:s9+$0x320]  }
0xd1: {  	v1 =	vld [tilespmem:s9+$0x2C0]  }
0xd2: {  	v2 =	vld [tilespmem:s9+$0x2D0];
	v46 =	vadd.f32 v52, v46;
	v52 =	vmul.f32 v61, v58;
	v61 =	vperm.xlane v29, v13  }
0xd3: {  	v3 =	vld [tilespmem:s9+$0x2E0];
	v62 =	vmul.f32 v62, v58  }
0xd4: {  	v4 =	vld [tilespmem:s9+$0x280];
	v46 =	vadd.f32 v52, v46;
	v52 =	vmul.f32 v60, v61;
	v60 =	vperm.xlane v29, v14  }
0xd5: {  	v63 =	vmul.f32 v63, v58;
	v5 =	vld [tilespmem:s9+$0x290];
	v0 =	vmul.f32 v0, v58  }
0xd6: {  	v29 =	vperm.xlane v29, v15;
	v58 =	vld [tilespmem:s9+$0x2A0];
	v46 =	vadd.f32 v52, v46;
	v50 =	vmul.f32 v50, v60  }
0xd7: {  	v1 =	vmul.f32 v1, v55;
	v52 =	vld [tilespmem:s9+$0x240];
	v2 =	vmul.f32 v2, v55  }
0xd8: {  	v45 =	vmul.f32 v45, v29;
	v6 =	vld [tilespmem:s9+$0x250];
	v3 =	vmul.f32 v3, v55;
	v46 =	vadd.f32 v50, v46  }
0xd9: {  	v51 =	vmul.f32 v51, v61;
	v50 =	vld [tilespmem:s9+$0x260];
	v4 =	vmul.f32 v4, v59  }
0xda: {  	v54 =	vmul.f32 v54, v61;
	v55 =	vld [tilespmem:s9+$0x200];
	v5 =	vmul.f32 v5, v59;
	v45 =	vadd.f32 v45, v46  }
0xdb: {  	v57 =	vmul.f32 v57, v61;
	v46 =	vld [tilespmem:s9+$0x210];
	v58 =	vmul.f32 v58, v59  }
0xdc: {  	v47 =	vmul.f32 v47, v60;
	v59 =	vld [tilespmem:s9+$0x220];
	v52 =	vmul.f32 v52, v56;
	[tilespmem:s6+$0x70] =	vst v45  }
0xdd: {  	v48 =	vmul.f32 v48, v60;
	v45 =	vld [tilespmem:s9+$0xFFFFFC80];
	v6 =	vmul.f32 v6, v56  }
0xde: {  	v49 =	vmul.f32 v49, v60;
	v61 =	vld [tilespmem:s9+$0xFFFFFC90];
	v50 =	vmul.f32 v50, v56  }
0xdf: {  	v42 =	vmul.f32 v42, v29;
	v56 =	vld [tilespmem:s9+$0xFFFFFCA0];
	v55 =	vmul.f32 v55, v53  }
0xe0: {  	v43 =	vmul.f32 v43, v29;
	v60 =	vld [tilespmem:s9+$0xFFFFFCB0];
	v46 =	vmul.f32 v46, v53  }
0xe1: {  	v29 =	vmul.f32 v44, v29;
	v7 =	vld [tilespmem:s9+$0xFFFFFCC0];
	v55 =	vadd.f32 $0.0e+00, v55;
	v53 =	vmul.f32 v59, v53  }
0xe2: {  	v44 =	vmul.f32 v45, v37;
	v45 =	vld [tilespmem:s9+$0xFFFFFCD0];
	v46 =	vadd.f32 $0.0e+00, v46  }
0xe3: {  	v59 =	vmul.f32 v61, v37;
	v61 =	vld [tilespmem:s9+$0xFFFFFCE0];
	v53 =	vadd.f32 $0.0e+00, v53;
	v52 =	vadd.f32 v52, v55  }
0xe4: {  	v38 =	vadd.f32 v44, v38;
	v44 =	vmul.f32 v56, v37;
	v55 =	vld [tilespmem:s9+$0xFFFFFCF0];
	v6 =	vadd.f32 v6, v46  }
0xe5: {  	v39 =	vadd.f32 v59, v39;
	v37 =	vmul.f32 v60, v37;
	v46 =	vld [tilespmem:s9+$0xFFFFFD00];
	v50 =	vadd.f32 v50, v53  }
0xe6: {  	v4 =	vadd.f32 v4, v52;
	v40 =	vadd.f32 v44, v40;
	v7 =	vmul.f32 v7, v36;
	v44 =	vld [tilespmem:s9+$0xFFFFFD10]  }
0xe7: {  	v5 =	vadd.f32 v5, v6;
	v37 =	vadd.f32 v37, v41;
	v41 =	vmul.f32 v45, v36;
	v45 =	vld [tilespmem:s9+$0xFFFFFD20]  }
0xe8: {  	v50 =	vadd.f32 v58, v50;
	v6 =	vadd.f32 v7, v38;
	v7 =	vmul.f32 v61, v36;
	v38 =	vld [tilespmem:s9+$0xFFFFFD30]  }
0xe9: {  	v1 =	vadd.f32 v1, v4;
	v39 =	vadd.f32 v41, v39;
	v36 =	vmul.f32 v55, v36;
	v41 =	vld [tilespmem:s9+$0xFFFFFD40]  }
0xea: {  	v2 =	vadd.f32 v2, v5;
	v4 =	vadd.f32 v7, v40;
	v7 =	vmul.f32 v46, v35;
	v40 =	vld [tilespmem:s9+$0xFFFFFD50]  }
0xeb: {  	v3 =	vadd.f32 v3, v50;
	v5 =	vadd.f32 v36, v37;
	v36 =	vmul.f32 v44, v35;
	v37 =	vld [tilespmem:s9+$0xFFFFFD60]  }
0xec: {  	v1 =	vadd.f32 v62, v1;
	v6 =	vadd.f32 v7, v6;
	v7 =	vmul.f32 v45, v35;
	v44 =	vld [tilespmem:s9+$0xFFFFFD70]  }
0xed: {  	v2 =	vadd.f32 v63, v2;
	v36 =	vadd.f32 v36, v39;
	v35 =	vmul.f32 v38, v35;
	v38 =	vld [tilespmem:s9+$0xFFFFFD80]  }
0xee: {  	v0 =	vadd.f32 v0, v3;
	v4 =	vadd.f32 v7, v4;
	v7 =	vmul.f32 v41, v34;
	v39 =	vld [tilespmem:s9+$0xFFFFFD90]  }
0xef: {  	v1 =	vadd.f32 v51, v1;
	v3 =	vadd.f32 v35, v5;
	v5 =	vmul.f32 v40, v34;
	v35 =	vld [tilespmem:s9+$0xFFFFFDA0]  }
0xf0: {  	v2 =	vadd.f32 v54, v2;
	v6 =	vadd.f32 v7, v6;
	v7 =	vmul.f32 v37, v34;
	v37 =	vld [tilespmem:s9+$0xFFFFFDB0]  }
0xf1: {  	v0 =	vadd.f32 v57, v0;
	v5 =	vadd.f32 v5, v36;
	v34 =	vmul.f32 v44, v34;
	v36 =	vld [tilespmem:s9+$0xFFFFFDC0]  }
0xf2: {  	v1 =	vadd.f32 v47, v1;
	v4 =	vadd.f32 v7, v4;
	v7 =	vmul.f32 v38, v33;
	v38 =	vld [tilespmem:s9+$0xFFFFFDD0]  }
0xf3: {  	v2 =	vadd.f32 v48, v2;
	v3 =	vadd.f32 v34, v3;
	v34 =	vmul.f32 v39, v33;
	v39 =	vld [tilespmem:s9+$0xFFFFFDE0]  }
0xf4: {  	v0 =	vadd.f32 v49, v0;
	v6 =	vadd.f32 v7, v6;
	v7 =	vmul.f32 v35, v33;
	v35 =	vld [tilespmem:s9+$0xFFFFFDF0]  }
0xf5: {  	v1 =	vadd.f32 v42, v1;
	v5 =	vadd.f32 v34, v5;
	v33 =	vmul.f32 v37, v33;
	v34 =	vld [tilespmem:s4+$0xFFFFFF70]  }
0xf6: {  	v2 =	vadd.f32 v43, v2;
	v4 =	vadd.f32 v7, v4;
	v7 =	vmul.f32 v36, v31;
	v36 =	vld [tilespmem:s4+$0xFFFFFF80]  }
0xf7: {  	v0 =	vadd.f32 v29, v0;
	v3 =	vadd.f32 v33, v3;
	v33 =	vmul.f32 v38, v31;
	[tilespmem:s6+$0x40] =	vst v1;
	v1 =	vld [tilespmem:s4+$0xFFFFFF90]  }
0xf8: {  	v6 =	vadd.f32 v7, v6;
	v7 =	vmul.f32 v39, v31;
	[tilespmem:s6+$0x50] =	vst v2;
	v2 =	vld [tilespmem:s4+$0xFFFFFFA0]  }
0xf9: {  	v5 =	vadd.f32 v33, v5;
	v29 =	vmul.f32 v35, v31;
	[tilespmem:s6+$0x60] =	vst v0;
	v0 =	vld [tilespmem:s4+$0xFFFFFFB0]  }
0xfa: {  	v4 =	vadd.f32 v7, v4;
	[tilespmem:s6+$0xFFFFFF80] =	vst v6;
	v6 =	vmul.f32 v34, v18;
	v7 =	vld [tilespmem:s4+$0xFFFFFFC0];
	v18 =	vmov v32  }
0xfb: {  	v3 =	vadd.f32 v29, v3;
	[tilespmem:s6+$0xFFFFFF90] =	vst v5;
	v5 =	vmul.f32 v36, v17;
	v29 =	vld [tilespmem:s4+$0xFFFFFFD0]  }
0xfc: {  	[tilespmem:s6+$0xFFFFFFA0] =	vst v4;
	v4 =	vadd.f32 v6, v22;
	v1 =	vmul.f32 v1, v17;
	v6 =	vld [tilespmem:s4+$0xFFFFFFE0]  }
0xfd: {  	[tilespmem:s6+$0xFFFFFFB0] =	vst v3;
	v3 =	vadd.f32 v5, v21;
	v2 =	vmul.f32 v2, v17;
	v5 =	vld [tilespmem:s4+$0xFFFFFFF0];
	s4 =	smov.u32 s9  }
0xfe: {  	v21 =	vld [tilespmem:s9+$0xFFFFFE00];
	v1 =	vadd.f32 v1, v20;
	v0 =	vmul.f32 v0, v17;
	v17 =	vmov v30  }
0xff: {  	v20 =	vld [tilespmem:s9+$0xFFFFFE10];
	v2 =	vadd.f32 v2, v19;
	v7 =	vmul.f32 v7, v16  }
0x100: {  	v19 =	vld [tilespmem:s9+$0xFFFFFE20];
	v0 =	vadd.f32 v0, v4;
	v4 =	vmul.f32 v29, v16  }
0x101: {  	v22 =	vld [tilespmem:s9+$0xFFFFFE30];
	v3 =	vadd.f32 v7, v3;
	v6 =	vmul.f32 v6, v16  }
0x102: {  	v7 =	vld [tilespmem:s9+$0xFFFFFE40];
	v1 =	vadd.f32 v4, v1;
	v4 =	vmul.f32 v5, v16;
	v16 =	vmov v28  }
0x103: {  	v5 =	vmul.f32 v21, v27;
	v21 =	vld [tilespmem:s9+$0xFFFFFE50];
	v2 =	vadd.f32 v6, v2;
	[tilespmem:s7+$0xFFFFFFC0] =	vst v3  }
0x104: {  	v3 =	vmul.f32 v20, v27;
	v6 =	vld [tilespmem:s9+$0xFFFFFE60];
	v0 =	vadd.f32 v4, v0;
	[tilespmem:s7+$0xFFFFFFD0] =	vst v1  }
0x105: {  	v1 =	vadd.f32 $0.0e+00, v5;
	v4 =	vmul.f32 v19, v27;
	v5 =	vld [tilespmem:s9+$0xFFFFFE70];
	[tilespmem:s7+$0xFFFFFFE0] =	vst v2  }
0x106: {  	v2 =	vadd.f32 $0.0e+00, v3;
	v3 =	vmul.f32 v22, v27;
	v19 =	vld [tilespmem:s9+$0xFFFFFE80];
	[tilespmem:s7+$0xFFFFFFF0] =	vst v0;
	s7 =	smov.u32 s6  }
0x107: {  	v0 =	vadd.f32 $0.0e+00, v4;
	v4 =	vmul.f32 v7, v26;
	v7 =	vld [tilespmem:s9+$0xFFFFFE90]  }
0x108: {  	v3 =	vadd.f32 $0.0e+00, v3;
	v20 =	vmul.f32 v21, v26;
	v21 =	vld [tilespmem:s9+$0xFFFFFEA0]  }
0x109: {  	v1 =	vadd.f32 v4, v1;
	v4 =	vmul.f32 v6, v26;
	v6 =	vld [tilespmem:s9+$0xFFFFFEB0]  }
0x10a: {  	v2 =	vadd.f32 v20, v2;
	v5 =	vmul.f32 v5, v26;
	v20 =	vld [tilespmem:s9+$0xFFFFFEC0]  }
0x10b: {  	v0 =	vadd.f32 v4, v0;
	v4 =	vmul.f32 v19, v25;
	v19 =	vld [tilespmem:s9+$0xFFFFFED0]  }
0x10c: {  	v3 =	vadd.f32 v5, v3;
	v5 =	vmul.f32 v7, v25;
	v7 =	vld [tilespmem:s9+$0xFFFFFEE0]  }
0x10d: {  	v1 =	vadd.f32 v4, v1;
	v4 =	vmul.f32 v21, v25;
	v21 =	vld [tilespmem:s9+$0xFFFFFEF0]  }
0x10e: {  	v2 =	vadd.f32 v5, v2;
	v5 =	vmul.f32 v6, v25;
	v6 =	vld [tilespmem:s9+$0xFFFFFF00]  }
0x10f: {  	v0 =	vadd.f32 v4, v0;
	v4 =	vmul.f32 v20, v24;
	v26 =	vld [tilespmem:s9+$0xFFFFFF10]  }
.Ltmp0:
0x110: {  	v3 =	vadd.f32 v5, v3;
	v5 =	vmul.f32 v19, v24;
	v19 =	vld [tilespmem:s9+$0xFFFFFF20];
	(pc) =	sbr.rel @p0 .LBB2_1-.Ltmp0, $4  }
0x111: {  	v22 =	vadd.f32 v4, v1;
	v1 =	vmul.f32 v7, v24;
	v20 =	vld [tilespmem:s9+$0xFFFFFF30]  }
0x112: {  	v25 =	vadd.f32 v5, v2;
	v2 =	vmul.f32 v21, v24;
	v21 =	vld [tilespmem:s9+$0xFFFFFF40]  }
0x113: {  	v27 =	vadd.f32 v1, v0;
	v29 =	vmul.f32 v6, v23;
	v24 =	vld [tilespmem:s9+$0xFFFFFF50]  }
0x114: {  	s9 =	sadd.s32 $0x800, s9;
	v28 =	vadd.f32 v2, v3;
	v30 =	vmul.f32 v26, v23;
	v26 =	vld [tilespmem:s4+$0xFFFFFF60]  }
0x115: {  	v0 =	vld [tilespmem:s4+$0xFFFFFF70]  }
0x116: {  	v1 =	vld [tilespmem:s4+$0xFFFFFF80]  }
0x117: {  	v2 =	vld [tilespmem:s4+$0xFFFFFF90]  }
0x118: {  	v3 =	vld [tilespmem:s4+$0xFFFFFFA0]  }
0x119: {  	v4 =	vmul.f32 v19, v23;
	v5 =	vld [tilespmem:s4+$0xFFFFFFB0]  }
0x11a: {  	v6 =	vadd.f32 v29, v22;
	v9 =	vld [tilespmem:s4+$0xFFFFFFC0];
	v7 =	vadd.f32 v30, v25;
	v8 =	vmul.f32 v20, v23  }
0x11b: {  	v12 =	vld [tilespmem:s4+$0xFFFFFFD0];
	v4 =	vadd.f32 v4, v27;
	v10 =	vmul.f32 v21, v18;
	v11 =	vmul.f32 v24, v18  }
0x11c: {  	v14 =	vld [tilespmem:s4+$0xFFFFFFE0];
	v8 =	vadd.f32 v8, v28;
	v13 =	vmul.f32 v26, v18;
	v0 =	vmul.f32 v0, v18  }
0x11d: {  	v6 =	vadd.f32 v10, v6;
	v10 =	vld [tilespmem:s4+$0xFFFFFFF0];
	v1 =	vmul.f32 v1, v17;
	v2 =	vmul.f32 v2, v17  }
0x11e: {  	v7 =	vadd.f32 v11, v7;
	v3 =	vmul.f32 v3, v17;
	v5 =	vmul.f32 v5, v17  }
0x11f: {  	v4 =	vadd.f32 v13, v4;
	v1 =	vadd.f32 v1, v6;
	v6 =	vmul.f32 v9, v16  }
0x120: {  	v0 =	vadd.f32 v0, v8;
	v2 =	vadd.f32 v2, v7;
	v7 =	vmul.f32 v12, v16  }
0x121: {  	v49 =	vmul.f32 v14, v16;
	v3 =	vadd.f32 v3, v4;
	v1 =	vadd.f32 v6, v1  }
0x122: {  	v0 =	vadd.f32 v5, v0;
	v2 =	vadd.f32 v7, v2;
	v50 =	vmul.f32 v10, v16  }
0x123: {  	v3 =	vadd.f32 v49, v3;
	[tilespmem:s7+$0xFFFFFFC0] =	vst v1  }
0x124: {  	v0 =	vadd.f32 v50, v0;
	[tilespmem:s7+$0xFFFFFFD0] =	vst v2  }
0x125: {  	[tilespmem:s7+$0xFFFFFFE0] =	vst v3  }
0x126: {  	s31 =	simm.s32 $0x2;
	[tilespmem:s7+$0xFFFFFFF0] =	vst v0  }
0x127: {  	_ =	swait.ge [sflag:s31], $0x2000  }
0x128: {  	[sflag:s31] =	ssyncset.done $0x0  }
0x129: {  	s4 =	simm.s32 $0x29F0;
	[sflag:s31] =	ssyncadd.s32 $0xFFFFE000  }
0x12a: {  	v8 =	vld [tilespmem:s4+$0xFFFFFDD0]  }
0x12b: {  	v9 =	vld [tilespmem:s4+$0xFFFFFDE0]  }
0x12c: {  	v10 =	vld [tilespmem:s4+$0xFFFFFD90]  }
0x12d: {  	v11 =	vld [tilespmem:s4+$0xFFFFFDA0]  }
0x12e: {  	v12 =	vld [tilespmem:s4+$0xFFFFFD50]  }
0x12f: {  	s5 =	simm.s32 $0x190;
	v13 =	vld [tilespmem:s4+$0xFFFFFD60]  }
0x130: {  	v22 =	vld [tilespmem:s5+$0x0]  }
0x131: {  	v14 =	vld [tilespmem:s4+$0xFFFFFD10]  }
0x132: {  	v15 =	vld [tilespmem:s4+$0xFFFFFD20]  }
0x133: {  	v16 =	vld [tilespmem:s4+$0xFFFFFCD0]  }
0x134: {  	v17 =	vld [tilespmem:s4+$0xFFFFFCE0]  }
0x135: {  	v18 =	vld [tilespmem:s4+$0xFFFFFC90]  }
0x136: {  	v51 =	vimm.s32 $0x0;
	v4 =	vimm.s32 $0x7;
	v21 =	vld [tilespmem:s4+$0xFFFFFCA0]  }
0x137: {  	v5 =	vimm.s32 $0x5;
	v6 =	vimm.s32 $0x3;
	v3 =	vimm.s32 $0x6;
	v25 =	vld [tilespmem:s4+$0xFFFFFC50]  }
0x138: {  	v2 =	vimm.s32 $0x4;
	v30 =	vld [tilespmem:s4+$0xFFFFFC60];
	v19 =	vperm.xlane v22, v3;
	v20 =	vperm.xlane v22, v4  }
0x139: {  	v1 =	vimm.s32 $0x2;
	v31 =	vld [tilespmem:s4+$0xFFFFFC10];
	v23 =	vperm.xlane v22, v2;
	v24 =	vperm.xlane v22, v5  }
0x13a: {  	v7 =	vimm.s32 $0x1;
	v32 =	vld [tilespmem:s4+$0xFFFFFC20];
	v26 =	vperm.xlane v22, v1;
	v27 =	vperm.xlane v22, v6  }
0x13b: {  	v33 =	vld [tilespmem:s4+$0xFFFFFC30];
	v28 =	vperm.xlane v22, v51;
	v29 =	vperm.xlane v22, v7  }
0x13c: {  	v34 =	vld [tilespmem:s4+$0xFFFFFC40];
	v8 =	vmul.f32 v8, v20;
	v9 =	vmul.f32 v9, v20  }
0x13d: {  	v35 =	vld [tilespmem:s4+$0xFFFFFC70];
	v10 =	vmul.f32 v10, v19;
	v11 =	vmul.f32 v11, v19  }
0x13e: {  	v36 =	vld [tilespmem:s4+$0xFFFFFC80];
	v12 =	vmul.f32 v12, v24;
	v13 =	vmul.f32 v13, v24  }
0x13f: {  	v37 =	vld [tilespmem:s4+$0xFFFFFCB0];
	v14 =	vmul.f32 v14, v23;
	v15 =	vmul.f32 v15, v23  }
0x140: {  	v38 =	vld [tilespmem:s4+$0xFFFFFCC0];
	v16 =	vmul.f32 v16, v27;
	v17 =	vmul.f32 v17, v27  }
0x141: {  	v52 =	vld [tilespmem:s4+$0xFFFFFCF0];
	v31 =	vmul.f32 v31, v28;
	v18 =	vmul.f32 v18, v26  }
0x142: {  	v53 =	vld [tilespmem:s4+$0xFFFFFD00];
	v32 =	vmul.f32 v32, v28;
	v21 =	vmul.f32 v21, v26  }
0x143: {  	v54 =	vld [tilespmem:s4+$0xFFFFFD30];
	v33 =	vmul.f32 v33, v28;
	v25 =	vmul.f32 v25, v29;
	v31 =	vadd.f32 $0.0e+00, v31  }
0x144: {  	v55 =	vld [tilespmem:s4+$0xFFFFFD40];
	v28 =	vmul.f32 v34, v28;
	v30 =	vmul.f32 v30, v29;
	v32 =	vadd.f32 $0.0e+00, v32  }
0x145: {  	v56 =	vld [tilespmem:s4+$0xFFFFF840];
	v33 =	vadd.f32 $0.0e+00, v33;
	v25 =	vadd.f32 v25, v31;
	v31 =	vmul.f32 v35, v29  }
0x146: {  	v57 =	vld [tilespmem:s4+$0xFFFFF860];
	v28 =	vadd.f32 $0.0e+00, v28;
	v30 =	vadd.f32 v30, v32;
	v29 =	vmul.f32 v36, v29  }
0x147: {  	v58 =	vld [tilespmem:s4+$0xFFFFF870];
	v31 =	vadd.f32 v31, v33;
	v18 =	vadd.f32 v18, v25;
	v25 =	vmul.f32 v37, v26  }
0x148: {  	v28 =	vadd.f32 v29, v28;
	v21 =	vadd.f32 v21, v30;
	v26 =	vmul.f32 v38, v26;
	v29 =	vld [tilespmem:s4+$0xFFFFFD70]  }
0x149: {  	v30 =	vld [tilespmem:s4+$0xFFFFFD80];
	v25 =	vadd.f32 v25, v31;
	v16 =	vadd.f32 v16, v18;
	v18 =	vmul.f32 v52, v27  }
0x14a: {  	v26 =	vadd.f32 v26, v28;
	v17 =	vadd.f32 v17, v21;
	v21 =	vmul.f32 v53, v27;
	v27 =	vld [tilespmem:s4+$0xFFFFFDB0]  }
0x14b: {  	v18 =	vadd.f32 v18, v25;
	v14 =	vadd.f32 v14, v16;
	v16 =	vmul.f32 v54, v23;
	v25 =	vld [tilespmem:s4+$0xFFFFFDC0]  }
0x14c: {  	v21 =	vadd.f32 v21, v26;
	v15 =	vadd.f32 v15, v17;
	v17 =	vmul.f32 v55, v23;
	v23 =	vld [tilespmem:s4+$0xFFFFFDF0]  }
0x14d: {  	v26 =	vld [tilespmem:s4+$0xFFFFFE00];
	v18 =	vadd.f32 v16, v18;
	v12 =	vadd.f32 v12, v14;
	v14 =	vmul.f32 v29, v24  }
0x14e: {  	v59 =	vld [tilespmem:s4+$0xFFFFF880];
	v17 =	vadd.f32 v17, v21;
	v13 =	vadd.f32 v13, v15;
	v15 =	vmul.f32 v30, v24  }
0x14f: {  	v0 =	vld [tilespmem:s4+$0xFFFFF890];
	v14 =	vadd.f32 v14, v18;
	v10 =	vadd.f32 v10, v12;
	v12 =	vmul.f32 v27, v19  }
0x150: {  	v35 =	vld [tilespmem:s4+$0xFFFFF8C0];
	v15 =	vadd.f32 v15, v17;
	v11 =	vadd.f32 v11, v13;
	v13 =	vmul.f32 v25, v19  }
0x151: {  	v28 =	vld [tilespmem:s4+$0xFFFFF810];
	v12 =	vadd.f32 v12, v14;
	v8 =	vadd.f32 v8, v10;
	v10 =	vmul.f32 v23, v20  }
0x152: {  	s6 =	simm.s32 $0x46F0;
	v55 =	vld [tilespmem:s4+$0xFFFFF8A0];
	v9 =	vadd.f32 v9, v11;
	v11 =	vmul.f32 v26, v20;
	v13 =	vadd.f32 v13, v15  }
0x153: {  	v16 =	vld [tilespmem:s5+$0xFFFFFFF0];
	v10 =	vadd.f32 v10, v12;
	[tilespmem:s6+$0xFFFFFF90] =	vst v8  }
0x154: {  	v29 =	vld [tilespmem:s4+$0xFFFFF820];
	[tilespmem:s6+$0xFFFFFFA0] =	vst v9;
	v8 =	vadd.f32 v11, v13  }
0x155: {  	v30 =	vld [tilespmem:s4+$0xFFFFF830];
	[tilespmem:s6+$0xFFFFFFB0] =	vst v10  }
0x156: {  	v26 =	vld [tilespmem:s4+$0xFFFFF850];
	[tilespmem:s6+$0xFFFFFFC0] =	vst v8  }
0x157: {  	v18 =	vld [tilespmem:s4+$0xFFFFFFD0]  }
0x158: {  	v19 =	vld [tilespmem:s4+$0xFFFFFFE0]  }
0x159: {  	v17 =	vld [tilespmem:s4+$0xFFFFFFF0]  }
0x15a: {  	v37 =	vld [tilespmem:s4+$0x0]  }
0x15b: {  	v20 =	vld [tilespmem:s4+$0xFFFFFF90]  }
0x15c: {  	v21 =	vld [tilespmem:s4+$0xFFFFFFA0]  }
0x15d: {  	v60 =	vld [tilespmem:s4+$0xFFFFFFC0]  }
0x15e: {  	v15 =	vld [tilespmem:s4+$0xFFFFFE40]  }
0x15f: {  	v23 =	vld [tilespmem:s4+$0xFFFFFF50]  }
0x160: {  	v31 =	vld [tilespmem:s4+$0xFFFFFE80]  }
0x161: {  	v14 =	vimm.s32 $0xE;
	v44 =	vperm.xlane v16, v51;
	v9 =	vimm.s32 $0x9;
	v39 =	vld [tilespmem:s4+$0xFFFFFEC0]  }
0x162: {  	v47 =	vperm.xlane v16, v7;
	v12 =	vimm.s32 $0xC;
	v45 =	vperm.xlane v22, v9;
	v40 =	vld [tilespmem:s4+$0xFFFFFF00]  }
0x163: {  	v11 =	vimm.s32 $0xB;
	v28 =	vmul.f32 v28, v44;
	v29 =	vmul.f32 v29, v44;
	v41 =	vld [tilespmem:s4+$0xFFFFFF80]  }
0x164: {  	v13 =	vimm.s32 $0xD;
	v30 =	vmul.f32 v30, v44;
	v34 =	vmul.f32 v57, v47;
	v42 =	vld [tilespmem:s4+$0xFFFFFF40]  }
0x165: {  	v36 =	vmul.f32 v59, v47;
	v10 =	vimm.s32 $0xA;
	v8 =	vimm.s32 $0x8;
	v24 =	vld [tilespmem:s4+$0xFFFFFF10]  }
0x166: {  	v32 =	vperm.xlane v22, v10;
	v53 =	vadd.f32 $0.0e+00, v29;
	v29 =	vmul.f32 v56, v44;
	v25 =	vld [tilespmem:s4+$0xFFFFFED0]  }
0x167: {  	v51 =	vadd.f32 $0.0e+00, v28;
	v26 =	vmul.f32 v26, v47;
	v56 =	vperm.xlane v16, v1;
	v46 =	vld [tilespmem:s4+$0xFFFFFE50]  }
0x168: {  	v62 =	vadd.f32 $0.0e+00, v30;
	v1 =	vperm.xlane v16, v6;
	v43 =	vperm.xlane v22, v8;
	v52 =	vld [tilespmem:s4+$0xFFFFFE10]  }
0x169: {  	v27 =	vld [tilespmem:s4+$0xFFFFFE90];
	v54 =	vadd.f32 $0.0e+00, v29;
	v51 =	vadd.f32 v26, v51;
	v26 =	vmul.f32 v58, v47  }
0x16a: {  	v29 =	vperm.xlane v22, v13;
	v34 =	vadd.f32 v34, v53;
	v47 =	vld [tilespmem:s4+$0xFFFFF8E0];
	v61 =	vmul.f32 v15, v43  }
0x16b: {  	v48 =	vld [tilespmem:s4+$0xFFFFFE60];
	v35 =	vmul.f32 v35, v56;
	v33 =	vadd.f32 v26, v62;
	v31 =	vmul.f32 v31, v45  }
0x16c: {  	v50 =	vld [tilespmem:s4+$0xFFFFFE70];
	v39 =	vmul.f32 v39, v32;
	v41 =	vmul.f32 v41, v29;
	v49 =	vadd.f32 $0.0e+00, v61  }
0x16d: {  	v44 =	vld [tilespmem:s4+$0xFFFFFE30];
	v15 =	vimm.s32 $0xF;
	v58 =	vmul.f32 v52, v43;
	v59 =	vmul.f32 v46, v45  }
0x16e: {  	v27 =	vmul.f32 v27, v32;
	v28 =	vadd.f32 v31, v49;
	v31 =	vperm.xlane v22, v11;
	v49 =	vld [tilespmem:s4+$0xFFFFFE20]  }
0x16f: {  	v53 =	vld [tilespmem:s4+$0xFFFFF8D0];
	v36 =	vadd.f32 v36, v54;
	v26 =	vperm.xlane v22, v15;
	v47 =	vmul.f32 v47, v1  }
0x170: {  	v62 =	vld [tilespmem:s4+$0xFFFFF920];
	v30 =	vadd.f32 v39, v28;
	v63 =	vmul.f32 v40, v31;
	v28 =	vperm.xlane v22, v12  }
0x171: {  	v52 =	vld [tilespmem:s4+$0xFFFFF900];
	v35 =	vadd.f32 v35, v36;
	v40 =	vmul.f32 v0, v56;
	v0 =	vmul.f32 v55, v56  }
0x172: {  	v46 =	vld [tilespmem:s4+$0xFFFFF960];
	v37 =	vmul.f32 v37, v26;
	v30 =	vadd.f32 v63, v30;
	v57 =	vmul.f32 v42, v28  }
0x173: {  	v25 =	vmul.f32 v25, v31;
	v42 =	vld [tilespmem:s4+$0xFFFFF8B0];
	v34 =	vadd.f32 v0, v34;
	v49 =	vmul.f32 v49, v43  }
0x174: {  	v61 =	vld [tilespmem:s4+$0xFFFFF910];
	v40 =	vadd.f32 v40, v51;
	v39 =	vadd.f32 v57, v30;
	v30 =	vperm.xlane v22, v14  }
0x175: {  	v55 =	vld [tilespmem:s4+$0xFFFFF9D0];
	v57 =	vperm.xlane v16, v2;
	v34 =	vadd.f32 v47, v34;
	v63 =	vadd.f32 $0.0e+00, v49  }
0x176: {  	v51 =	vld [tilespmem:s4+$0xFFFFF950];
	v22 =	vadd.f32 v41, v39;
	v38 =	vmul.f32 v60, v30;
	v60 =	vmul.f32 v48, v45  }
0x177: {  	v47 =	vld [tilespmem:s4+$0xFFFFF990];
	v45 =	vmul.f32 v50, v45;
	v41 =	vadd.f32 $0.0e+00, v58;
	v62 =	vmul.f32 v62, v57  }
0x178: {  	v39 =	vld [tilespmem:s4+$0xFFFFF8F0];
	v42 =	vmul.f32 v42, v56;
	v56 =	vmul.f32 v53, v1;
	v22 =	vadd.f32 v38, v22  }
0x179: {  	v61 =	vmul.f32 v61, v57;
	v50 =	vld [tilespmem:s4+$0xFFFFF9A0];
	v38 =	vadd.f32 v59, v41;
	v34 =	vadd.f32 v62, v34  }
0x17a: {  	v41 =	vld [tilespmem:s4+$0xFFFFF940];
	v33 =	vadd.f32 v42, v33;
	v40 =	vadd.f32 v56, v40;
	v56 =	vperm.xlane v16, v3  }
0x17b: {  	v59 =	vld [tilespmem:s4+$0xFFFFF980];
	v22 =	vadd.f32 v37, v22;
	v37 =	vmul.f32 v44, v43;
	v44 =	vadd.f32 v60, v63  }
0x17c: {  	v43 =	vld [tilespmem:s4+$0xFFFFF930];
	v60 =	vmul.f32 v52, v1;
	v63 =	vperm.xlane v16, v5;
	v27 =	vadd.f32 v27, v38  }
0x17d: {  	v49 =	vld [tilespmem:s4+$0xFFFFF970];
	v58 =	vmul.f32 v39, v1;
	v36 =	vadd.f32 v61, v40;
	v61 =	vmul.f32 v47, v56  }
0x17e: {  	v1 =	vld [tilespmem:s4+$0xFFFFF9B0];
	v50 =	vmul.f32 v50, v56;
	v35 =	vadd.f32 v60, v35;
	v54 =	vmul.f32 v51, v63  }
0x17f: {  	v5 =	vld [tilespmem:s4+$0xFFFFF9C0];
	v46 =	vmul.f32 v46, v63;
	v60 =	vperm.xlane v16, v4;
	v37 =	vadd.f32 $0.0e+00, v37  }
0x180: {  	v25 =	vadd.f32 v25, v27;
	v33 =	vadd.f32 v58, v33;
	v2 =	vmul.f32 v41, v57;
	v58 =	vld [tilespmem:s4+$0xFFFFF9E0]  }
0x181: {  	v62 =	vld [tilespmem:s4+$0xFFFFFA00];
	v39 =	vmul.f32 v59, v63;
	v36 =	vadd.f32 v54, v36;
	v0 =	vmul.f32 v43, v57  }
0x182: {  	v59 =	vld [tilespmem:s4+$0xFFFFF9F0];
	v34 =	vadd.f32 v46, v34;
	v48 =	vmul.f32 v55, v60;
	v35 =	vadd.f32 v2, v35  }
0x183: {  	v3 =	vld [tilespmem:s4+$0xFFFFFEF0];
	v57 =	vmul.f32 v49, v63;
	v43 =	vmul.f32 v1, v56;
	v33 =	vadd.f32 v0, v33  }
0x184: {  	v4 =	vld [tilespmem:s4+$0xFFFFFF20];
	v36 =	vadd.f32 v61, v36;
	v35 =	vadd.f32 v39, v35;
	v0 =	vmul.f32 v5, v56  }
0x185: {  	v63 =	vld [tilespmem:s4+$0xFFFFFEA0];
	v34 =	vadd.f32 v50, v34;
	v49 =	vmul.f32 v58, v60;
	v33 =	vadd.f32 v57, v33  }
0x186: {  	v46 =	vmul.f32 v62, v60;
	v1 =	vld [tilespmem:s4+$0xFFFFFEB0];
	v36 =	vadd.f32 v48, v36;
	v35 =	vadd.f32 v0, v35  }
0x187: {  	v2 =	vld [tilespmem:s4+$0xFFFFFEE0];
	v42 =	vmul.f32 v59, v60;
	v34 =	vadd.f32 v49, v34;
	v33 =	vadd.f32 v43, v33  }
0x188: {  	v24 =	vmul.f32 v24, v28;
	v37 =	vadd.f32 v45, v37;
	v45 =	vld [tilespmem:s4+$0xFFFFFF70];
	[tilespmem:s6+$0xFFFFFF10] =	vst v36;
	v35 =	vadd.f32 v46, v35  }
0x189: {  	v5 =	vld [tilespmem:s4+$0xFFFFFF30];
	[tilespmem:s6+$0xFFFFFF20] =	vst v34;
	v33 =	vadd.f32 v42, v33  }
0x18a: {  	v23 =	vmul.f32 v23, v29;
	v24 =	vadd.f32 v24, v25;
	v48 =	vld [tilespmem:s4+$0xFFFFFFB0];
	v39 =	vmul.f32 v63, v32;
	[tilespmem:s6+$0xFFFFFF40] =	vst v35  }
0x18b: {  	v20 =	vmul.f32 v20, v30;
	v32 =	vmul.f32 v1, v32;
	v42 =	vld [tilespmem:s4+$0xFFFFFF60];
	[tilespmem:s6+$0xFFFFFF30] =	vst v33  }
0x18c: {  	v23 =	vadd.f32 v23, v24;
	v46 =	vmul.f32 v2, v31;
	v39 =	vadd.f32 v39, v44;
	v27 =	vld [tilespmem:s4+$0xFFFFFA10]  }
0x18d: {  	v18 =	vmul.f32 v18, v26;
	v31 =	vmul.f32 v3, v31;
	v32 =	vadd.f32 v32, v37;
	v51 =	vld [tilespmem:s4+$0xFFFFFA20]  }
0x18e: {  	v20 =	vadd.f32 v20, v23;
	v49 =	vmul.f32 v4, v28;
	v50 =	vadd.f32 v46, v39;
	v25 =	vld [tilespmem:s4+$0xFFFFFA30]  }
0x18f: {  	v28 =	vmul.f32 v5, v28;
	v31 =	vadd.f32 v31, v32;
	v24 =	vld [tilespmem:s4+$0xFFFFFA50]  }
0x190: {  	v18 =	vadd.f32 v18, v20;
	v52 =	vadd.f32 v49, v50;
	v20 =	vld [tilespmem:s4+$0xFFFFFAA0];
	v34 =	vmul.f32 v42, v29  }
0x191: {  	v19 =	vmul.f32 v19, v26;
	v54 =	vld [tilespmem:s4+$0xFFFFFA60];
	v28 =	vadd.f32 v28, v31;
	v29 =	vmul.f32 v45, v29  }
0x192: {  	v21 =	vmul.f32 v21, v30;
	v53 =	vperm.xlane v16, v8;
	v23 =	vld [tilespmem:s4+$0xFFFFFA70];
	v33 =	vadd.f32 v34, v52  }
0x193: {  	v57 =	vperm.xlane v16, v10;
	v30 =	vmul.f32 v48, v30;
	v31 =	vld [tilespmem:s4+$0xFFFFFA40];
	v28 =	vadd.f32 v29, v28  }
0x194: {  	v17 =	vmul.f32 v17, v26;
	v55 =	vld [tilespmem:s4+$0xFFFFFA80];
	v29 =	vperm.xlane v16, v9;
	v21 =	vadd.f32 v21, v33  }
0x195: {  	v56 =	vld [tilespmem:s4+$0xFFFFFAC0];
	v27 =	vmul.f32 v27, v53;
	v20 =	vmul.f32 v20, v57;
	v26 =	vadd.f32 v30, v28  }
0x196: {  	v28 =	vld [tilespmem:s4+$0xFFFFFA90];
	v24 =	vmul.f32 v24, v29;
	v30 =	vadd.f32 v19, v21;
	v19 =	vmul.f32 v51, v53  }
0x197: {  	v26 =	vadd.f32 v17, v26;
	v17 =	vadd.f32 $0.0e+00, v27;
	v21 =	vmul.f32 v25, v53;
	v25 =	vld [tilespmem:s4+$0xFFFFFAB0]  }
0x198: {  	v58 =	vld [tilespmem:s4+$0xFFFFFAD0];
	v31 =	vmul.f32 v31, v53;
	v27 =	vmul.f32 v54, v29;
	v19 =	vadd.f32 $0.0e+00, v19  }
0x199: {  	v23 =	vmul.f32 v23, v29;
	v21 =	vadd.f32 $0.0e+00, v21;
	v17 =	vadd.f32 v24, v17;
	v24 =	vld [tilespmem:s4+$0xFFFFFAE0]  }
0x19a: {  	v59 =	vld [tilespmem:s4+$0xFFFFFAF0];
	v31 =	vadd.f32 $0.0e+00, v31;
	v29 =	vmul.f32 v55, v29;
	v19 =	vadd.f32 v27, v19  }
0x19b: {  	v27 =	vperm.xlane v16, v11;
	v21 =	vadd.f32 v23, v21;
	v23 =	vmul.f32 v28, v57;
	v28 =	vld [tilespmem:s4+$0xFFFFFB00]  }
0x19c: {  	[tilespmem:s6+$0xFFFFFFD0] =	vst v18;
	v18 =	vperm.xlane v16, v13;
	v60 =	vld [tilespmem:s4+$0xFFFFFB10];
	v29 =	vadd.f32 v29, v31;
	v25 =	vmul.f32 v25, v57  }
0x19d: {  	v62 =	vld [tilespmem:s4+$0xFFFFFB20];
	v17 =	vadd.f32 v23, v17;
	v61 =	vadd.f32 v20, v19;
	v20 =	vmul.f32 v58, v27  }
0x19e: {  	v31 =	vmul.f32 v56, v57;
	v19 =	vld [tilespmem:s4+$0xFFFFFB30];
	v63 =	vadd.f32 v25, v21;
	v21 =	vmul.f32 v24, v27  }
0x19f: {  	[tilespmem:s6+$0x0] =	vst v22;
	v23 =	vperm.xlane v16, v12;
	v24 =	vmul.f32 v59, v27;
	v22 =	vadd.f32 v20, v17;
	v20 =	vld [tilespmem:s4+$0xFFFFFB40]  }
0x1a0: {  	v31 =	vadd.f32 v31, v29;
	v25 =	vadd.f32 v21, v61;
	v28 =	vmul.f32 v28, v27;
	v21 =	vld [tilespmem:s4+$0xFFFFFB50]  }
0x1a1: {  	[tilespmem:s6+$0xFFFFFFE0] =	vst v30;
	v17 =	vperm.xlane v16, v14;
	v29 =	vmul.f32 v60, v23;
	v27 =	vadd.f32 v24, v63;
	v24 =	vld [tilespmem:s4+$0xFFFFFB60]  }
0x1a2: {  	s8 =	simm.s32 $0x8;
	s9 =	simm.s32 $0x31F0;
	s7 =	simm.s32 $0x46F0;
	[tilespmem:s6+$0xFFFFFFF0] =	vst v26;
	v26 =	vld [tilespmem:s4+$0xFFFFFB70];
	v16 =	vperm.xlane v16, v15;
	v30 =	vmul.f32 v62, v23;
	v28 =	vadd.f32 v28, v31  }
.LBB2_3:
0x1a3: {  	v31 =	vld [tilespmem:s9+$0xFFFFFDD0];
	v29 =	vadd.f32 v29, v22;
	v19 =	vmul.f32 v19, v23  }
0x1a4: {  	v32 =	vld [tilespmem:s9+$0xFFFFFDE0];
	v25 =	vadd.f32 v30, v25;
	v20 =	vmul.f32 v20, v23  }
0x1a5: {  	v23 =	vld [tilespmem:s9+$0xFFFFFD90];
	v19 =	vadd.f32 v19, v27;
	v21 =	vmul.f32 v21, v18  }
0x1a6: {  	v27 =	vld [tilespmem:s9+$0xFFFFFDA0];
	v22 =	vadd.f32 v20, v28;
	v20 =	vmul.f32 v24, v18  }
0x1a7: {  	v24 =	vld [tilespmem:s9+$0xFFFFFD50];
	v21 =	vadd.f32 v21, v29;
	v26 =	vmul.f32 v26, v18  }
0x1a8: {  	s5 =	sadd.s32 $0x20, s5;
	v28 =	vld [tilespmem:s9+$0xFFFFFD60];
	v20 =	vadd.f32 v20, v25  }
0x1a9: {  	v29 =	vld [tilespmem:s5+$0x0];
	v19 =	vadd.f32 v26, v19  }
0x1aa: {  	v25 =	vld [tilespmem:s9+$0xFFFFFD10]  }
0x1ab: {  	v26 =	vld [tilespmem:s9+$0xFFFFFD20]  }
0x1ac: {  	v3 =	vimm.s32 $0x6;
	v4 =	vimm.s32 $0x7;
	v30 =	vld [tilespmem:s9+$0xFFFFFCD0]  }
0x1ad: {  	v2 =	vimm.s32 $0x4;
	v5 =	vimm.s32 $0x5;
	v1 =	vimm.s32 $0x2;
	v33 =	vld [tilespmem:s9+$0xFFFFFCE0]  }
0x1ae: {  	v6 =	vimm.s32 $0x3;
	v34 =	vld [tilespmem:s9+$0xFFFFFC90];
	v35 =	vperm.xlane v29, v3;
	v36 =	vperm.xlane v29, v4  }
0x1af: {  	v0 =	vimm.s32 $0x0;
	v38 =	vperm.xlane v29, v2;
	v39 =	vperm.xlane v29, v5;
	v37 =	vld [tilespmem:s9+$0xFFFFFCA0]  }
0x1b0: {  	v7 =	vimm.s32 $0x1;
	v41 =	vperm.xlane v29, v1;
	v42 =	vperm.xlane v29, v6;
	v40 =	vld [tilespmem:s9+$0xFFFFFC50]  }
0x1b1: {  	v43 =	vperm.xlane v29, v0;
	v44 =	vperm.xlane v29, v7;
	v45 =	vld [tilespmem:s9+$0xFFFFFC60]  }
0x1b2: {  	v31 =	vmul.f32 v31, v36;
	v32 =	vmul.f32 v32, v36;
	v46 =	vld [tilespmem:s9+$0xFFFFFC10]  }
0x1b3: {  	v23 =	vmul.f32 v23, v35;
	v27 =	vmul.f32 v27, v35;
	v47 =	vld [tilespmem:s9+$0xFFFFFC20]  }
0x1b4: {  	v24 =	vmul.f32 v24, v39;
	v28 =	vmul.f32 v28, v39;
	v48 =	vld [tilespmem:s9+$0xFFFFFC30]  }
0x1b5: {  	v25 =	vmul.f32 v25, v38;
	v26 =	vmul.f32 v26, v38;
	v49 =	vld [tilespmem:s9+$0xFFFFFC40]  }
0x1b6: {  	v30 =	vmul.f32 v30, v42;
	v33 =	vmul.f32 v33, v42;
	v50 =	vld [tilespmem:s9+$0xFFFFFC70]  }
0x1b7: {  	v34 =	vmul.f32 v34, v41;
	v46 =	vmul.f32 v46, v43;
	v51 =	vld [tilespmem:s9+$0xFFFFFC80]  }
0x1b8: {  	v37 =	vmul.f32 v37, v41;
	v47 =	vmul.f32 v47, v43;
	v52 =	vld [tilespmem:s9+$0xFFFFFCB0]  }
0x1b9: {  	v40 =	vmul.f32 v40, v44;
	v46 =	vadd.f32 $0.0e+00, v46;
	v48 =	vmul.f32 v48, v43;
	v53 =	vld [tilespmem:s9+$0xFFFFFCC0]  }
0x1ba: {  	v45 =	vmul.f32 v45, v44;
	v47 =	vadd.f32 $0.0e+00, v47;
	v43 =	vmul.f32 v49, v43;
	v49 =	vld [tilespmem:s9+$0xFFFFFCF0]  }
0x1bb: {  	s8 =	sadd.s32 $0x2, s8;
	v48 =	vadd.f32 $0.0e+00, v48;
	v40 =	vadd.f32 v40, v46;
	v46 =	vmul.f32 v50, v44;
	v50 =	vld [tilespmem:s9+$0xFFFFFD00]  }
0x1bc: {  	p0 =	slt.u32 s8, $0xE;
	v43 =	vadd.f32 $0.0e+00, v43;
	v45 =	vadd.f32 v45, v47;
	v44 =	vmul.f32 v51, v44;
	v47 =	vld [tilespmem:s9+$0xFFFFFD30]  }
0x1bd: {  	v46 =	vadd.f32 v46, v48;
	v34 =	vadd.f32 v34, v40;
	v40 =	vmul.f32 v52, v41;
	v48 =	vld [tilespmem:s9+$0xFFFFFD40]  }
0x1be: {  	v43 =	vadd.f32 v44, v43;
	v37 =	vadd.f32 v37, v45;
	v41 =	vmul.f32 v53, v41;
	v44 =	vld [tilespmem:s9+$0xFFFFFD70]  }
0x1bf: {  	v40 =	vadd.f32 v40, v46;
	v30 =	vadd.f32 v30, v34;
	v34 =	vmul.f32 v49, v42;
	v45 =	vld [tilespmem:s9+$0xFFFFFD80]  }
0x1c0: {  	v41 =	vadd.f32 v41, v43;
	v33 =	vadd.f32 v33, v37;
	v37 =	vmul.f32 v50, v42;
	v42 =	vld [tilespmem:s9+$0xFFFFFDB0]  }
0x1c1: {  	v34 =	vadd.f32 v34, v40;
	v25 =	vadd.f32 v25, v30;
	v30 =	vmul.f32 v47, v38;
	v40 =	vld [tilespmem:s9+$0xFFFFFDC0]  }
0x1c2: {  	v37 =	vadd.f32 v37, v41;
	v26 =	vadd.f32 v26, v33;
	v33 =	vmul.f32 v48, v38;
	v38 =	vld [tilespmem:s9+$0xFFFFFDF0]  }
0x1c3: {  	v30 =	vadd.f32 v30, v34;
	v24 =	vadd.f32 v24, v25;
	v25 =	vmul.f32 v44, v39;
	v34 =	vld [tilespmem:s9+$0xFFFFFE00]  }
0x1c4: {  	v46 =	vld [tilespmem:s5+$0xFFFFFFF0];
	v33 =	vadd.f32 v33, v37;
	v26 =	vadd.f32 v28, v26;
	v28 =	vmul.f32 v45, v39  }
0x1c5: {  	v39 =	vld [tilespmem:s9+$0xFFFFF810];
	v25 =	vadd.f32 v25, v30;
	v23 =	vadd.f32 v23, v24;
	v24 =	vmul.f32 v42, v35  }
0x1c6: {  	v30 =	vld [tilespmem:s9+$0xFFFFF820];
	v28 =	vadd.f32 v28, v33;
	v26 =	vadd.f32 v27, v26;
	v27 =	vmul.f32 v40, v35  }
0x1c7: {  	v33 =	vld [tilespmem:s9+$0xFFFFF830];
	v24 =	vadd.f32 v24, v25;
	v23 =	vadd.f32 v31, v23;
	v25 =	vmul.f32 v38, v36  }
0x1c8: {  	s6 =	sadd.s32 $0x100, s6;
	v31 =	vld [tilespmem:s9+$0xFFFFF840];
	v27 =	vadd.f32 v27, v28;
	v26 =	vadd.f32 v32, v26;
	v28 =	vmul.f32 v34, v36  }
0x1c9: {  	v32 =	vperm.xlane v46, v0;
	v40 =	vperm.xlane v46, v7;
	v34 =	vld [tilespmem:s9+$0xFFFFF850];
	v24 =	vadd.f32 v25, v24;
	[tilespmem:s6+$0xFFFFFF90] =	vst v23  }
0x1ca: {  	v37 =	vperm.xlane v46, v1;
	v36 =	vperm.xlane v46, v6;
	v23 =	vld [tilespmem:s9+$0xFFFFF860];
	v25 =	vadd.f32 v28, v27;
	[tilespmem:s6+$0xFFFFFFA0] =	vst v26  }
0x1cb: {  	v26 =	vmul.f32 v39, v32;
	v27 =	vmul.f32 v30, v32;
	v28 =	vld [tilespmem:s9+$0xFFFFF870];
	[tilespmem:s6+$0xFFFFFFB0] =	vst v24  }
0x1cc: {  	v35 =	vperm.xlane v46, v2;
	v24 =	vmul.f32 v33, v32;
	v30 =	vld [tilespmem:s9+$0xFFFFF880];
	[tilespmem:s6+$0xFFFFFFC0] =	vst v25  }
0x1cd: {  	v25 =	vadd.f32 $0.0e+00, v26;
	v26 =	vadd.f32 $0.0e+00, v27;
	v27 =	vmul.f32 v31, v32;
	v42 =	vld [tilespmem:s9+$0xFFFFFFD0]  }
0x1ce: {  	v24 =	vadd.f32 $0.0e+00, v24;
	v31 =	vmul.f32 v34, v40;
	v34 =	vperm.xlane v46, v5;
	v43 =	vld [tilespmem:s9+$0xFFFFFFE0]  }
0x1cf: {  	v33 =	vperm.xlane v46, v3;
	v32 =	vadd.f32 $0.0e+00, v27;
	v23 =	vmul.f32 v23, v40;
	v44 =	vld [tilespmem:s9+$0xFFFFFFF0]  }
0x1d0: {  	v38 =	vadd.f32 v31, v25;
	v25 =	vmul.f32 v28, v40;
	v31 =	vperm.xlane v46, v4;
	v45 =	vld [tilespmem:s9+$0x0]  }
0x1d1: {  	v27 =	vperm.xlane v46, v8;
	v39 =	vadd.f32 v23, v26;
	v23 =	vmul.f32 v30, v40;
	v47 =	vld [tilespmem:s9+$0xFFFFFF90]  }
0x1d2: {  	v26 =	vperm.xlane v46, v9;
	v40 =	vadd.f32 v25, v24;
	v25 =	vperm.xlane v46, v10;
	v48 =	vld [tilespmem:s9+$0xFFFFFFA0]  }
0x1d3: {  	v24 =	vperm.xlane v46, v11;
	v41 =	vadd.f32 v23, v32;
	v23 =	vperm.xlane v46, v12;
	v49 =	vld [tilespmem:s9+$0xFFFFFFB0]  }
0x1d4: {  	v30 =	vperm.xlane v46, v14;
	v32 =	vperm.xlane v46, v13;
	v50 =	vld [tilespmem:s9+$0xFFFFFFC0]  }
0x1d5: {  	v28 =	vperm.xlane v46, v15;
	v46 =	vld [tilespmem:s9+$0xFFFFFE40]  }
0x1d6: {  	v51 =	vld [tilespmem:s9+$0xFFFFFF50]  }
0x1d7: {  	v52 =	vld [tilespmem:s9+$0xFFFFFE80]  }
0x1d8: {  	v53 =	vperm.xlane v29, v8;
	v54 =	vld [tilespmem:s9+$0xFFFFFF60]  }
0x1d9: {  	v55 =	vld [tilespmem:s9+$0xFFFFFEC0]  }
0x1da: {  	v56 =	vperm.xlane v29, v9;
	v46 =	vmul.f32 v46, v53;
	v57 =	vld [tilespmem:s9+$0xFFFFFF70]  }
0x1db: {  	v58 =	vld [tilespmem:s9+$0xFFFFFF00]  }
0x1dc: {  	v59 =	vperm.xlane v29, v10;
	v46 =	vadd.f32 $0.0e+00, v46;
	v52 =	vmul.f32 v52, v56;
	v60 =	vld [tilespmem:s9+$0xFFFFFF80]  }
0x1dd: {  	v61 =	vld [tilespmem:s9+$0xFFFFFF40]  }
0x1de: {  	v46 =	vadd.f32 v52, v46;
	v52 =	vmul.f32 v55, v59;
	v55 =	vperm.xlane v29, v11;
	v62 =	vld [tilespmem:s9+$0xFFFFFF10]  }
0x1df: {  	v63 =	vld [tilespmem:s9+$0xFFFFFF20]  }
0x1e0: {  	v46 =	vadd.f32 v52, v46;
	v52 =	vmul.f32 v58, v55;
	v58 =	vperm.xlane v29, v12;
	v0 =	vld [tilespmem:s9+$0xFFFFFF30]  }
0x1e1: {  	v1 =	vld [tilespmem:s9+$0xFFFFFED0]  }
0x1e2: {  	v2 =	vld [tilespmem:s9+$0xFFFFFEE0];
	v46 =	vadd.f32 v52, v46;
	v52 =	vmul.f32 v61, v58;
	v61 =	vperm.xlane v29, v13  }
0x1e3: {  	v3 =	vld [tilespmem:s9+$0xFFFFFEF0];
	v62 =	vmul.f32 v62, v58  }
0x1e4: {  	v4 =	vld [tilespmem:s9+$0xFFFFFE90];
	v46 =	vadd.f32 v52, v46;
	v52 =	vmul.f32 v60, v61;
	v60 =	vperm.xlane v29, v14  }
0x1e5: {  	v63 =	vmul.f32 v63, v58;
	v5 =	vld [tilespmem:s9+$0xFFFFFEA0];
	v0 =	vmul.f32 v0, v58  }
0x1e6: {  	v29 =	vperm.xlane v29, v15;
	v58 =	vld [tilespmem:s9+$0xFFFFFEB0];
	v46 =	vadd.f32 v52, v46;
	v50 =	vmul.f32 v50, v60  }
0x1e7: {  	v1 =	vmul.f32 v1, v55;
	v52 =	vld [tilespmem:s9+$0xFFFFFE50];
	v2 =	vmul.f32 v2, v55  }
0x1e8: {  	v45 =	vmul.f32 v45, v29;
	v6 =	vld [tilespmem:s9+$0xFFFFFE60];
	v3 =	vmul.f32 v3, v55;
	v46 =	vadd.f32 v50, v46  }
0x1e9: {  	v51 =	vmul.f32 v51, v61;
	v50 =	vld [tilespmem:s9+$0xFFFFFE70];
	v4 =	vmul.f32 v4, v59  }
0x1ea: {  	v54 =	vmul.f32 v54, v61;
	v55 =	vld [tilespmem:s9+$0xFFFFFE10];
	v5 =	vmul.f32 v5, v59;
	v45 =	vadd.f32 v45, v46  }
0x1eb: {  	v57 =	vmul.f32 v57, v61;
	v46 =	vld [tilespmem:s9+$0xFFFFFE20];
	v58 =	vmul.f32 v58, v59  }
0x1ec: {  	v47 =	vmul.f32 v47, v60;
	v59 =	vld [tilespmem:s9+$0xFFFFFE30];
	v52 =	vmul.f32 v52, v56;
	[tilespmem:s6+$0x0] =	vst v45  }
0x1ed: {  	v48 =	vmul.f32 v48, v60;
	v45 =	vld [tilespmem:s9+$0xFFFFF890];
	v6 =	vmul.f32 v6, v56  }
0x1ee: {  	v49 =	vmul.f32 v49, v60;
	v61 =	vld [tilespmem:s9+$0xFFFFF8A0];
	v50 =	vmul.f32 v50, v56  }
0x1ef: {  	v42 =	vmul.f32 v42, v29;
	v56 =	vld [tilespmem:s9+$0xFFFFF8B0];
	v55 =	vmul.f32 v55, v53  }
0x1f0: {  	v43 =	vmul.f32 v43, v29;
	v60 =	vld [tilespmem:s9+$0xFFFFF8C0];
	v46 =	vmul.f32 v46, v53  }
0x1f1: {  	v29 =	vmul.f32 v44, v29;
	v7 =	vld [tilespmem:s9+$0xFFFFF8D0];
	v55 =	vadd.f32 $0.0e+00, v55;
	v53 =	vmul.f32 v59, v53  }
0x1f2: {  	v44 =	vmul.f32 v45, v37;
	v45 =	vld [tilespmem:s9+$0xFFFFF8E0];
	v46 =	vadd.f32 $0.0e+00, v46  }
0x1f3: {  	v59 =	vmul.f32 v61, v37;
	v61 =	vld [tilespmem:s9+$0xFFFFF8F0];
	v53 =	vadd.f32 $0.0e+00, v53;
	v52 =	vadd.f32 v52, v55  }
0x1f4: {  	v38 =	vadd.f32 v44, v38;
	v44 =	vmul.f32 v56, v37;
	v55 =	vld [tilespmem:s9+$0xFFFFF900];
	v6 =	vadd.f32 v6, v46  }
0x1f5: {  	v39 =	vadd.f32 v59, v39;
	v37 =	vmul.f32 v60, v37;
	v46 =	vld [tilespmem:s9+$0xFFFFF910];
	v50 =	vadd.f32 v50, v53  }
0x1f6: {  	v4 =	vadd.f32 v4, v52;
	v40 =	vadd.f32 v44, v40;
	v7 =	vmul.f32 v7, v36;
	v44 =	vld [tilespmem:s9+$0xFFFFF920]  }
0x1f7: {  	v5 =	vadd.f32 v5, v6;
	v37 =	vadd.f32 v37, v41;
	v41 =	vmul.f32 v45, v36;
	v45 =	vld [tilespmem:s9+$0xFFFFF930]  }
0x1f8: {  	v50 =	vadd.f32 v58, v50;
	v6 =	vadd.f32 v7, v38;
	v7 =	vmul.f32 v61, v36;
	v38 =	vld [tilespmem:s9+$0xFFFFF940]  }
0x1f9: {  	v1 =	vadd.f32 v1, v4;
	v39 =	vadd.f32 v41, v39;
	v36 =	vmul.f32 v55, v36;
	v41 =	vld [tilespmem:s9+$0xFFFFF950]  }
0x1fa: {  	v2 =	vadd.f32 v2, v5;
	v4 =	vadd.f32 v7, v40;
	v7 =	vmul.f32 v46, v35;
	v40 =	vld [tilespmem:s9+$0xFFFFF960]  }
0x1fb: {  	v3 =	vadd.f32 v3, v50;
	v5 =	vadd.f32 v36, v37;
	v36 =	vmul.f32 v44, v35;
	v37 =	vld [tilespmem:s9+$0xFFFFF970]  }
0x1fc: {  	v1 =	vadd.f32 v62, v1;
	v6 =	vadd.f32 v7, v6;
	v7 =	vmul.f32 v45, v35;
	v44 =	vld [tilespmem:s9+$0xFFFFF980]  }
0x1fd: {  	v2 =	vadd.f32 v63, v2;
	v36 =	vadd.f32 v36, v39;
	v35 =	vmul.f32 v38, v35;
	v38 =	vld [tilespmem:s9+$0xFFFFF990]  }
0x1fe: {  	v0 =	vadd.f32 v0, v3;
	v4 =	vadd.f32 v7, v4;
	v7 =	vmul.f32 v41, v34;
	v39 =	vld [tilespmem:s9+$0xFFFFF9A0]  }
0x1ff: {  	v1 =	vadd.f32 v51, v1;
	v3 =	vadd.f32 v35, v5;
	v5 =	vmul.f32 v40, v34;
	v35 =	vld [tilespmem:s9+$0xFFFFF9B0]  }
0x200: {  	v2 =	vadd.f32 v54, v2;
	v6 =	vadd.f32 v7, v6;
	v7 =	vmul.f32 v37, v34;
	v37 =	vld [tilespmem:s9+$0xFFFFF9C0]  }
0x201: {  	v0 =	vadd.f32 v57, v0;
	v5 =	vadd.f32 v5, v36;
	v34 =	vmul.f32 v44, v34;
	v36 =	vld [tilespmem:s9+$0xFFFFF9D0]  }
0x202: {  	v1 =	vadd.f32 v47, v1;
	v4 =	vadd.f32 v7, v4;
	v7 =	vmul.f32 v38, v33;
	v38 =	vld [tilespmem:s9+$0xFFFFF9E0]  }
0x203: {  	v2 =	vadd.f32 v48, v2;
	v3 =	vadd.f32 v34, v3;
	v34 =	vmul.f32 v39, v33;
	v39 =	vld [tilespmem:s9+$0xFFFFF9F0]  }
0x204: {  	v0 =	vadd.f32 v49, v0;
	v6 =	vadd.f32 v7, v6;
	v7 =	vmul.f32 v35, v33;
	v35 =	vld [tilespmem:s9+$0xFFFFFA00]  }
0x205: {  	v1 =	vadd.f32 v42, v1;
	v5 =	vadd.f32 v34, v5;
	v33 =	vmul.f32 v37, v33;
	v34 =	vld [tilespmem:s4+$0xFFFFFB80]  }
0x206: {  	v2 =	vadd.f32 v43, v2;
	v4 =	vadd.f32 v7, v4;
	v7 =	vmul.f32 v36, v31;
	v36 =	vld [tilespmem:s4+$0xFFFFFB90]  }
0x207: {  	v0 =	vadd.f32 v29, v0;
	v3 =	vadd.f32 v33, v3;
	v33 =	vmul.f32 v38, v31;
	[tilespmem:s6+$0xFFFFFFD0] =	vst v1;
	v1 =	vld [tilespmem:s4+$0xFFFFFBA0]  }
0x208: {  	v6 =	vadd.f32 v7, v6;
	v7 =	vmul.f32 v39, v31;
	[tilespmem:s6+$0xFFFFFFE0] =	vst v2;
	v2 =	vld [tilespmem:s4+$0xFFFFFBB0]  }
0x209: {  	v5 =	vadd.f32 v33, v5;
	v29 =	vmul.f32 v35, v31;
	[tilespmem:s6+$0xFFFFFFF0] =	vst v0;
	v0 =	vld [tilespmem:s4+$0xFFFFFBC0]  }
0x20a: {  	v4 =	vadd.f32 v7, v4;
	[tilespmem:s6+$0xFFFFFF10] =	vst v6;
	v6 =	vmul.f32 v34, v18;
	v7 =	vld [tilespmem:s4+$0xFFFFFBD0];
	v18 =	vmov v32  }
0x20b: {  	v3 =	vadd.f32 v29, v3;
	[tilespmem:s6+$0xFFFFFF20] =	vst v5;
	v5 =	vmul.f32 v36, v17;
	v29 =	vld [tilespmem:s4+$0xFFFFFBE0]  }
0x20c: {  	[tilespmem:s6+$0xFFFFFF30] =	vst v4;
	v4 =	vadd.f32 v6, v22;
	v1 =	vmul.f32 v1, v17;
	v6 =	vld [tilespmem:s4+$0xFFFFFBF0]  }
0x20d: {  	[tilespmem:s6+$0xFFFFFF40] =	vst v3;
	v3 =	vadd.f32 v5, v21;
	v2 =	vmul.f32 v2, v17;
	v5 =	vld [tilespmem:s4+$0xFFFFFC00];
	s4 =	smov.u32 s9  }
0x20e: {  	v21 =	vld [tilespmem:s9+$0xFFFFFA10];
	v1 =	vadd.f32 v1, v20;
	v0 =	vmul.f32 v0, v17;
	v17 =	vmov v30  }
0x20f: {  	v20 =	vld [tilespmem:s9+$0xFFFFFA20];
	v2 =	vadd.f32 v2, v19;
	v7 =	vmul.f32 v7, v16  }
0x210: {  	v19 =	vld [tilespmem:s9+$0xFFFFFA30];
	v0 =	vadd.f32 v0, v4;
	v4 =	vmul.f32 v29, v16  }
0x211: {  	v22 =	vld [tilespmem:s9+$0xFFFFFA40];
	v3 =	vadd.f32 v7, v3;
	v6 =	vmul.f32 v6, v16  }
0x212: {  	v7 =	vld [tilespmem:s9+$0xFFFFFA50];
	v1 =	vadd.f32 v4, v1;
	v4 =	vmul.f32 v5, v16;
	v16 =	vmov v28  }
0x213: {  	v5 =	vmul.f32 v21, v27;
	v21 =	vld [tilespmem:s9+$0xFFFFFA60];
	v2 =	vadd.f32 v6, v2;
	[tilespmem:s7+$0xFFFFFF50] =	vst v3  }
0x214: {  	v3 =	vmul.f32 v20, v27;
	v6 =	vld [tilespmem:s9+$0xFFFFFA70];
	v0 =	vadd.f32 v4, v0;
	[tilespmem:s7+$0xFFFFFF60] =	vst v1  }
0x215: {  	v1 =	vadd.f32 $0.0e+00, v5;
	v4 =	vmul.f32 v19, v27;
	v5 =	vld [tilespmem:s9+$0xFFFFFA80];
	[tilespmem:s7+$0xFFFFFF70] =	vst v2  }
0x216: {  	v2 =	vadd.f32 $0.0e+00, v3;
	v3 =	vmul.f32 v22, v27;
	v19 =	vld [tilespmem:s9+$0xFFFFFA90];
	[tilespmem:s7+$0xFFFFFF80] =	vst v0;
	s7 =	smov.u32 s6  }
0x217: {  	v0 =	vadd.f32 $0.0e+00, v4;
	v4 =	vmul.f32 v7, v26;
	v7 =	vld [tilespmem:s9+$0xFFFFFAA0]  }
0x218: {  	v3 =	vadd.f32 $0.0e+00, v3;
	v20 =	vmul.f32 v21, v26;
	v21 =	vld [tilespmem:s9+$0xFFFFFAB0]  }
0x219: {  	v1 =	vadd.f32 v4, v1;
	v4 =	vmul.f32 v6, v26;
	v6 =	vld [tilespmem:s9+$0xFFFFFAC0]  }
0x21a: {  	v2 =	vadd.f32 v20, v2;
	v5 =	vmul.f32 v5, v26;
	v20 =	vld [tilespmem:s9+$0xFFFFFAD0]  }
0x21b: {  	v0 =	vadd.f32 v4, v0;
	v4 =	vmul.f32 v19, v25;
	v19 =	vld [tilespmem:s9+$0xFFFFFAE0]  }
0x21c: {  	v3 =	vadd.f32 v5, v3;
	v5 =	vmul.f32 v7, v25;
	v7 =	vld [tilespmem:s9+$0xFFFFFAF0]  }
0x21d: {  	v1 =	vadd.f32 v4, v1;
	v4 =	vmul.f32 v21, v25;
	v21 =	vld [tilespmem:s9+$0xFFFFFB00]  }
0x21e: {  	v2 =	vadd.f32 v5, v2;
	v5 =	vmul.f32 v6, v25;
	v6 =	vld [tilespmem:s9+$0xFFFFFB10]  }
0x21f: {  	v0 =	vadd.f32 v4, v0;
	v4 =	vmul.f32 v20, v24;
	v26 =	vld [tilespmem:s9+$0xFFFFFB20]  }
.Ltmp1:
0x220: {  	v3 =	vadd.f32 v5, v3;
	v5 =	vmul.f32 v19, v24;
	v19 =	vld [tilespmem:s9+$0xFFFFFB30];
	(pc) =	sbr.rel @p0 .LBB2_3-.Ltmp1, $4  }
0x221: {  	v22 =	vadd.f32 v4, v1;
	v1 =	vmul.f32 v7, v24;
	v20 =	vld [tilespmem:s9+$0xFFFFFB40]  }
0x222: {  	v25 =	vadd.f32 v5, v2;
	v2 =	vmul.f32 v21, v24;
	v21 =	vld [tilespmem:s9+$0xFFFFFB50]  }
0x223: {  	v27 =	vadd.f32 v1, v0;
	v29 =	vmul.f32 v6, v23;
	v24 =	vld [tilespmem:s9+$0xFFFFFB60]  }
0x224: {  	s9 =	sadd.s32 $0x800, s9;
	v28 =	vadd.f32 v2, v3;
	v30 =	vmul.f32 v26, v23;
	v26 =	vld [tilespmem:s4+$0xFFFFFB70]  }
0x225: {  	v0 =	vld [tilespmem:s4+$0xFFFFFB80]  }
0x226: {  	v1 =	vld [tilespmem:s4+$0xFFFFFB90]  }
0x227: {  	v2 =	vld [tilespmem:s4+$0xFFFFFBA0]  }
0x228: {  	v3 =	vld [tilespmem:s4+$0xFFFFFBB0]  }
0x229: {  	v4 =	vmul.f32 v19, v23;
	v9 =	vld [tilespmem:s4+$0xFFFFFBD0]  }
0x22a: {  	v5 =	vld [tilespmem:s4+$0xFFFFFBC0];
	v6 =	vadd.f32 v29, v22;
	v7 =	vadd.f32 v30, v25;
	v8 =	vmul.f32 v20, v23  }
0x22b: {  	v12 =	vld [tilespmem:s4+$0xFFFFFBE0];
	v4 =	vadd.f32 v4, v27;
	v10 =	vmul.f32 v21, v18;
	v11 =	vmul.f32 v24, v18  }
0x22c: {  	v14 =	vld [tilespmem:s4+$0xFFFFFBF0];
	v8 =	vadd.f32 v8, v28;
	v13 =	vmul.f32 v26, v18;
	v0 =	vmul.f32 v0, v18  }
0x22d: {  	v59 =	vld [tilespmem:s4+$0xFFFFFC00];
	v6 =	vadd.f32 v10, v6;
	v1 =	vmul.f32 v1, v17;
	v2 =	vmul.f32 v2, v17  }
0x22e: {  	v7 =	vadd.f32 v11, v7;
	v3 =	vmul.f32 v3, v17;
	v60 =	vmul.f32 v9, v16  }
0x22f: {  	v5 =	vmul.f32 v5, v17;
	v4 =	vadd.f32 v13, v4;
	v1 =	vadd.f32 v1, v6  }
0x230: {  	v61 =	vmul.f32 v12, v16;
	v0 =	vadd.f32 v0, v8;
	v2 =	vadd.f32 v2, v7  }
0x231: {  	v62 =	vmul.f32 v14, v16;
	v3 =	vadd.f32 v3, v4;
	v1 =	vadd.f32 v60, v1  }
0x232: {  	v63 =	vmul.f32 v59, v16;
	v0 =	vadd.f32 v5, v0;
	v2 =	vadd.f32 v61, v2  }
0x233: {  	v3 =	vadd.f32 v62, v3;
	[tilespmem:s7+$0xFFFFFF50] =	vst v1  }
0x234: {  	v0 =	vadd.f32 v63, v0;
	[tilespmem:s7+$0xFFFFFF60] =	vst v2  }
0x235: {  	s2 =	sadd.s32 s2, s3;
	[tilespmem:s7+$0xFFFFFF70] =	vst v3  }
0x236: {  	s29 =	simm.s32 $0x0;
	s30 =	simm.s32 $0x4200;
	s31 =	simm.s32 $0x3;
	[tilespmem:s7+$0xFFFFFF80] =	vst v0  }
0x237: {  	[hbm4b:s2+s29] =	stream.linear.scatter [tilespmem:s30], [sflag:$0x3], $0x800, $0x38;
	[tilespmem:$0x4A00] =	vst v63  }
0x238: {  	_ =	swait.ge [sflag:s31], $0x800  }
0x239: {  	[sflag:s31] =	ssyncset.done $0x0  }
0x23a: {  	[sflag:s31] =	ssyncadd.s32 $0xFFFFF800  }
0x23b: {  	_ =	sfence.sel $0x180000  }
0x23c: {  	[bflag:$0x0] =	sbarrier.arrive $0xFFFF  }
0x23d: {  	p0 =	sne.s32 s0, $0x0;
	_ =	strace $0x90000047  }
0x23e: {  	s0 =	sadd.s32 @!p0 $0x100000, s1;
	[bflag:$0x2] =	sbarrier.arrive $0xFFFF  }
0x23f: {  	[sflag:s0] =	ssyncadd.tile.s32 @!p0 $0x1;
	_ =	shalt  }
.Lfunc_end2:
_tile_overlayer_lowered:
.L_overlay_start_2:
0x240: {  	(tag) =	ssettag $0x2  }
0x241: {  	s0 =	rddreg [dreg:$0x0];
	s2 =	stileid.u32  }
0x242: {  	s1 =	rddreg [dreg:$0x1];
	p0 =	sne.s32 s2, $0x0  }
0x243: {  	s3 =	rddreg [dreg:$0x2];
	[bflag:$0x3] =	sbarrier.arrive $0xFFFF;
	s2 =	simm.s32 @!p0 $0x1C03  }
0x244: {  	[timem:s3], [sflag:s2] =	dma.local @!p0 [hbm:s0], s1  }
0x245: {  	s0 =	simm.s32 @!p0 $0x3  }
0x246: {  	_ =	swait.ge @!p0 [sflag:s0], s1  }
0x247: {  	s1 =	ssub.s32 @!p0 $0x0, s1;
	[sflag:s0] =	ssyncset.done @!p0 $0x0  }
0x248: {  	[sflag:s0] =	ssyncadd.s32 @!p0 s1  }
0x249: {  	[bflag:$0x3] =	sbarrier.arrive $0xFFFF  }
0x24a: {  	_ =	shalt  }

</sc_bundles>
